<compile_context>
chip_gen: v7x
topology: tpu7x:2x2x1
jax: 0.10.2.dev20260603
libtpu: 0.0.44.dev20260713+nightly
codegen_flags: <defaults>
</compile_context>

<pallas_src>
import functools

import jax
import jax.numpy as jnp
from jax import lax
from jax.experimental import pallas as pl
from jax.experimental.pallas import tpu as pltpu
from jax.experimental.pallas import tpu_sc as plsc

W = 1_000_000
C = 64
N = 16_384
L = 16
WIN = 128

_info = plsc.get_sparse_core_info()
NC = _info.num_cores
NS = _info.num_subcores
NW = NC * NS
BPW = N // NW
SB = 4
OT = 128


def _body(dt_hbm, param_hbm, ot_hbm,
          param_v, w_v, rl_v, rl1_v, wb_v, win_v, spare_v, out_t, sem):
    wid = lax.axis_index("s") * NC + lax.axis_index("c")
    base = wid * BPW

    pltpu.sync_copy(param_hbm.at[pl.ds(base, BPW)], param_v)

    for i in range(BPW // L):
        p = param_v[pl.ds(i * L, L)]
        x = jnp.minimum(jnp.maximum(p, 0.0), 1.0) * float(W - 1)
        x0i = x.astype(jnp.int32)
        w = x - x0i.astype(jnp.float32)
        rl = x0i & (WIN - 1)
        sl = pl.ds(i * L, L)
        w_v[sl] = w
        rl_v[sl] = rl
        rl1_v[sl] = jnp.minimum(rl + 1, WIN - 1)
        wb_v[sl] = (x0i >> 7) << 7

    lane = lax.iota(jnp.int32, L)
    sidx = lane >> 2
    cidx = lane & 3
    zero16 = jnp.full((L,), 0, jnp.int32)
    NB = BPW // SB

    def fire(k, buf):
        wb4 = plsc.load_gather(wb_v, [k * SB + sidx])
        for j in range(SB):
            pltpu.make_async_copy(
                dt_hbm.at[:, pl.ds(pl.multiple_of(wb4[SB * j], WIN), WIN)],
                win_v.at[buf, j], sem).start()

    fire(0, 0)
    fire(1, 1)

    def bbody(b, carry):
        @pl.when(b + 2 < NB)
        def _():
            fire(b + 2, (b + 2) % 3)

        buf = b % 3
        for j in range(SB):
            pltpu.make_async_copy(
                dt_hbm.at[:, pl.ds(0, WIN)], win_v.at[buf, j], sem).wait()

        sb = b * SB
        sv = sb + sidx
        rl4 = plsc.load_gather(rl_v, [sv])
        rl14 = plsc.load_gather(rl1_v, [sv])
        w4 = plsc.load_gather(w_v, [sv])
        om4 = 1.0 - w4
        scol = (sb % OT) + sidx
        for c0 in range(0, C, 4):
            cv = cidx + c0
            d0 = plsc.load_gather(win_v, [jnp.full((L,), buf, jnp.int32),
                                          sidx, cv, rl4])
            d1 = plsc.load_gather(win_v, [jnp.full((L,), buf, jnp.int32),
                                          sidx, cv, rl14])
            plsc.store_scatter(out_t, [cv, scol], d0 * om4 + d1 * w4)

        for j in range(SB):
            @pl.when(rl4[SB * j] == WIN - 1)
            def _(j=j):
                wb4 = plsc.load_gather(wb_v, [sb + sidx])
                wb2 = wb4[SB * j] + WIN
                pltpu.sync_copy(
                    dt_hbm.at[:, pl.ds(pl.multiple_of(wb2, WIN), WIN)],
                    spare_v)
                wsc = w4[SB * j]
                omc = om4[SB * j]
                colv = jnp.full((L,), 0, jnp.int32) + (scol[0] + j)
                bjv = jnp.full((L,), buf, jnp.int32)
                jv = jnp.full((L,), j, jnp.int32)
                last = jnp.full((L,), WIN - 1, jnp.int32)
                for c0 in range(0, C, L):
                    cv16 = lane + c0
                    d0 = plsc.load_gather(win_v, [bjv, jv, cv16, last])
                    d1 = plsc.load_gather(spare_v, [cv16, zero16])
                    plsc.store_scatter(out_t, [cv16, colv],
                                       d0 * omc + d1 * wsc)

        @pl.when(b % (OT // SB) == (OT // SB) - 1)
        def _():
            ob = base + (b // (OT // SB)) * OT
            pltpu.sync_copy(
                out_t, ot_hbm.at[:, pl.ds(pl.multiple_of(ob, OT), OT)])
        return carry

    lax.fori_loop(0, NB, bbody, 0)


@functools.partial(
    pl.kernel,
    mesh=plsc.VectorSubcoreMesh(core_axis_name="c", subcore_axis_name="s"),
    out_type=jax.ShapeDtypeStruct((C, N), jnp.float32),
    compiler_params=pltpu.CompilerParams(
        needs_layout_passes=False, disable_bounds_checks=True),
    scratch_types=[
        pltpu.VMEM((BPW,), jnp.float32),
        pltpu.VMEM((BPW,), jnp.float32),
        pltpu.VMEM((BPW,), jnp.int32),
        pltpu.VMEM((BPW,), jnp.int32),
        pltpu.VMEM((BPW,), jnp.int32),
        pltpu.VMEM((3, SB, C, WIN), jnp.float32),
        pltpu.VMEM((C, WIN), jnp.float32),
        pltpu.VMEM((C, OT), jnp.float32),
        pltpu.SemaphoreType.DMA,
    ],
)
def _sampler(dt_hbm, param_hbm, ot_hbm, *scratch):
    _body(dt_hbm, param_hbm, ot_hbm, *scratch)


def kernel(data, param):
    return _sampler(data.T, param).T

# --- scband reference (transcript-rebuilt; emitter-appended) ---
"""Pipeline reference for scband-sampler3-d-6296422056503 (READ-ONLY COPY).

The authoritative reference and input builder live on the scoring server;
editing this copy changes nothing except your own understanding.
"""

import jax, jax.numpy as jnp
import numpy as np


def fetch_texture1d(data, param):
    # data: [W, C] 1D texture, param: [N] normalized coords in [0, 1]
    W = data.shape[0]
    x = jnp.clip(param, 0.0, 1.0) * (W - 1)
    x0 = jnp.floor(x)
    x0i = x0.astype(jnp.int32)
    x1i = jnp.minimum(x0i + 1, W - 1)
    w = (x - x0)[:, None]
    d0 = jnp.take(data, x0i, axis=0)
    d1 = jnp.take(data, x1i, axis=0)
    return d0 * (1.0 - w) + d1 * w


def setup_inputs(seed: int = 0) -> dict:
    key = jax.random.key(seed)
    k1, k2 = jax.random.split(key)
    data = jax.random.normal(k1, (1000000, 64), dtype=jnp.float32)
    param = jax.random.uniform(k2, (16384,), dtype=jnp.float32)
    return {"data": data, "param": param}


def reference(data, param):
    # Faithful translation of Sampler3D.forward: fetch_texture1D(data, param, mode='bilinear')
    # Bilinear in 1D == linear interpolation between the two nearest texels.
    return fetch_texture1d(data, param)

if __name__ == "__main__":
    import jax
    _d = setup_inputs()
    print(jax.jit(kernel)(*tuple(_d.values())))

</pallas_src>

<mosaic_0001>
#map = affine_map<(d0, d1) -> (0, 0)>
#map1 = affine_map<(d0, d1) -> (0)>
module attributes {stable_mosaic.version = 14 : i64} {
  func.func @_sampler(%arg0: i32, %arg1: i32, %arg2: memref<64x1000000xf32, #tpu.memory_space<hbm>>, %arg3: memref<16384xf32, #tpu.memory_space<hbm>>, %arg4: memref<64x16384xf32, #tpu.memory_space<hbm>>, %arg5: memref<512xf32, #tpu.memory_space<vmem>>, %arg6: memref<512xf32, #tpu.memory_space<vmem>>, %arg7: memref<512xi32, #tpu.memory_space<vmem>>, %arg8: memref<512xi32, #tpu.memory_space<vmem>>, %arg9: memref<512xi32, #tpu.memory_space<vmem>>, %arg10: memref<3x4x64x128xf32, #tpu.memory_space<vmem>>, %arg11: memref<64x128xf32, #tpu.memory_space<vmem>>, %arg12: memref<64x128xf32, #tpu.memory_space<vmem>>, %arg13: memref<!tpu.dma_semaphore, #tpu.memory_space<semaphore_mem>>) attributes {dimension_semantics = [#tpu.dimension_semantics<core_parallel>, #tpu.dimension_semantics<subcore_parallel>], iteration_bounds = array<i64: 2, 16>, scalar_prefetch = 0 : i64, scratch_operands = 9 : i64, tpu.core_type = #tpu.core_type<sc_vector_subcore>, window_params = [{transform_indices = #map}, {transform_indices = #map1}, {transform_indices = #map}]} {
    %mul3A = arith.constant 2 : i32
    %mul3A_0 = arith.muli %arg1, %mul3A : i32
    %add3A = arith.addi %mul3A_0, %arg0 : i32
    %mul3A_1 = arith.constant 512 : i32
    %mul3A_2 = arith.muli %add3A, %mul3A_1 : i32
    "tpu.region"() ({
      %run_scoped3A = tpu.sem_alloc : memref<!tpu.dma_semaphore, #tpu.memory_space<semaphore_mem>>
      %dma_start3A_1329 = tpu.memref_slice %arg3[%mul3A_2] : memref<16384xf32, #tpu.memory_space<hbm>> -> memref<512xf32, #tpu.memory_space<hbm>>
      %dma_start3A_1330 = tpu.memref_slice %arg3[%mul3A_2] : memref<16384xf32, #tpu.memory_space<hbm>> -> memref<512xf32, #tpu.memory_space<hbm>>
      tpu.enqueue_dma source(%dma_start3A_1330 : memref<512xf32, #tpu.memory_space<hbm>>) target(%arg5 : memref<512xf32, #tpu.memory_space<vmem>>) target_semaphore(%run_scoped3A : memref<!tpu.dma_semaphore, #tpu.memory_space<semaphore_mem>>)
      %dma_wait3A = tpu.memref_slice %arg3[%mul3A_2] : memref<16384xf32, #tpu.memory_space<hbm>> -> memref<512xf32, #tpu.memory_space<hbm>>
      %dma_wait3A_1331 = tpu.memref_slice %arg3[%mul3A_2] : memref<16384xf32, #tpu.memory_space<hbm>> -> memref<512xf32, #tpu.memory_space<hbm>>
      tpu.wait_dma2 semaphore(%run_scoped3A : memref<!tpu.dma_semaphore, #tpu.memory_space<semaphore_mem>>) src(%dma_wait3A_1331 : memref<512xf32, #tpu.memory_space<hbm>>) dst(%arg5 : memref<512xf32, #tpu.memory_space<vmem>>)
      tpu.yield
    }) : () -> ()
    %get3A = arith.constant 0 : index
    %get3A_3 = tpu.vector_load %arg5[%get3A] {strides = array<i32>} : memref<512xf32, #tpu.memory_space<vmem>>, vector<16xf32>,
    %max3A = arith.constant 0.000000e+00 : f32
    %max3A_4 = vector.broadcast %max3A : f32 to vector<16xf32>
    %max3A_5 = arith.maximumf %get3A_3, %max3A_4 : vector<16xf32>
    %min3A = arith.constant 1.000000e+00 : f32
    %min3A_6 = vector.broadcast %min3A : f32 to vector<16xf32>
    %min3A_7 = arith.minimumf %max3A_5, %min3A_6 : vector<16xf32>
    %mul3A_8 = arith.constant 9.999990e+05 : f32
    %mul3A_9 = vector.broadcast %mul3A_8 : f32 to vector<16xf32>
    %mul3A_10 = arith.mulf %min3A_7, %mul3A_9 : vector<16xf32>
    %convert_element_type3A = arith.fptosi %mul3A_10 : vector<16xf32> to vector<16xi32>
    %convert_element_type3A_11 = arith.sitofp %convert_element_type3A : vector<16xi32> to vector<16xf32>
    %sub3A = arith.subf %mul3A_10, %convert_element_type3A_11 : vector<16xf32>
    %and3A = arith.constant 127 : i32
    %and3A_12 = vector.broadcast %and3A : i32 to vector<16xi32>
    %and3A_13 = arith.andi %convert_element_type3A, %and3A_12 : vector<16xi32>
    %swap3A = arith.constant 0 : index
    %swap3A_14 = tpu.vector_load %arg6[%swap3A] {strides = array<i32>} : memref<512xf32, #tpu.memory_space<vmem>>, vector<16xf32>,
    tpu.vector_store %arg6[%swap3A], %sub3A {strides = array<i32>} : memref<512xf32, #tpu.memory_space<vmem>>, vector<16xf32>,
    %swap3A_15 = arith.constant 0 : index
    %swap3A_16 = tpu.vector_load %arg7[%swap3A_15] {strides = array<i32>} : memref<512xi32, #tpu.memory_space<vmem>>, vector<16xi32>,
    tpu.vector_store %arg7[%swap3A_15], %and3A_13 {strides = array<i32>} : memref<512xi32, #tpu.memory_space<vmem>>, vector<16xi32>,
    %add3A_17 = arith.constant 1 : i32
    %add3A_18 = vector.broadcast %add3A_17 : i32 to vector<16xi32>
    %add3A_19 = arith.addi %and3A_13, %add3A_18 : vector<16xi32>
    %min3A_20 = arith.constant 127 : i32
    %min3A_21 = vector.broadcast %min3A_20 : i32 to vector<16xi32>
    %min3A_22 = arith.minsi %add3A_19, %min3A_21 : vector<16xi32>
    %swap3A_23 = arith.constant 0 : index
    %swap3A_24 = tpu.vector_load %arg8[%swap3A_23] {strides = array<i32>} : memref<512xi32, #tpu.memory_space<vmem>>, vector<16xi32>,
    tpu.vector_store %arg8[%swap3A_23], %min3A_22 {strides = array<i32>} : memref<512xi32, #tpu.memory_space<vmem>>, vector<16xi32>,
    %shift_right_arithmetic3A = arith.constant 7 : i32
    %shift_right_arithmetic3A_25 = vector.broadcast %shift_right_arithmetic3A : i32 to vector<16xi32>
    %shift_right_arithmetic3A_26 = arith.shrsi %convert_element_type3A, %shift_right_arithmetic3A_25 : vector<16xi32>
    %shift_left3A = arith.constant 7 : i32
    %shift_left3A_27 = vector.broadcast %shift_left3A : i32 to vector<16xi32>
    %shift_left3A_28 = arith.shli %shift_right_arithmetic3A_26, %shift_left3A_27 : vector<16xi32>
    %swap3A_29 = arith.constant 0 : index
    %swap3A_30 = tpu.vector_load %arg9[%swap3A_29] {strides = array<i32>} : memref<512xi32, #tpu.memory_space<vmem>>, vector<16xi32>,
    tpu.vector_store %arg9[%swap3A_29], %shift_left3A_28 {strides = array<i32>} : memref<512xi32, #tpu.memory_space<vmem>>, vector<16xi32>,
    %get3A_31 = arith.constant 16 : index
    %get3A_32 = tpu.vector_load %arg5[%get3A_31] {strides = array<i32>} : memref<512xf32, #tpu.memory_space<vmem>>, vector<16xf32>,
    %max3A_33 = arith.constant 0.000000e+00 : f32
    %max3A_34 = vector.broadcast %max3A_33 : f32 to vector<16xf32>
    %max3A_35 = arith.maximumf %get3A_32, %max3A_34 : vector<16xf32>
    %min3A_36 = arith.constant 1.000000e+00 : f32
    %min3A_37 = vector.broadcast %min3A_36 : f32 to vector<16xf32>
    %min3A_38 = arith.minimumf %max3A_35, %min3A_37 : vector<16xf32>
    %mul3A_39 = arith.constant 9.999990e+05 : f32
    %mul3A_40 = vector.broadcast %mul3A_39 : f32 to vector<16xf32>
    %mul3A_41 = arith.mulf %min3A_38, %mul3A_40 : vector<16xf32>
    %convert_element_type3A_42 = arith.fptosi %mul3A_41 : vector<16xf32> to vector<16xi32>
    %convert_element_type3A_43 = arith.sitofp %convert_element_type3A_42 : vector<16xi32> to vector<16xf32>
    %sub3A_44 = arith.subf %mul3A_41, %convert_element_type3A_43 : vector<16xf32>
    %and3A_45 = arith.constant 127 : i32
    %and3A_46 = vector.broadcast %and3A_45 : i32 to vector<16xi32>
    %and3A_47 = arith.andi %convert_element_type3A_42, %and3A_46 : vector<16xi32>
    %swap3A_48 = arith.constant 16 : index
    %swap3A_49 = tpu.vector_load %arg6[%swap3A_48] {strides = array<i32>} : memref<512xf32, #tpu.memory_space<vmem>>, vector<16xf32>,
    tpu.vector_store %arg6[%swap3A_48], %sub3A_44 {strides = array<i32>} : memref<512xf32, #tpu.memory_space<vmem>>, vector<16xf32>,
    %swap3A_50 = arith.constant 16 : index
    %swap3A_51 = tpu.vector_load %arg7[%swap3A_50] {strides = array<i32>} : memref<512xi32, #tpu.memory_space<vmem>>, vector<16xi32>,
    tpu.vector_store %arg7[%swap3A_50], %and3A_47 {strides = array<i32>} : memref<512xi32, #tpu.memory_space<vmem>>, vector<16xi32>,
    %add3A_52 = arith.constant 1 : i32
    %add3A_53 = vector.broadcast %add3A_52 : i32 to vector<16xi32>
    %add3A_54 = arith.addi %and3A_47, %add3A_53 : vector<16xi32>
    %min3A_55 = arith.constant 127 : i32
    %min3A_56 = vector.broadcast %min3A_55 : i32 to vector<16xi32>
    %min3A_57 = arith.minsi %add3A_54, %min3A_56 : vector<16xi32>
    %swap3A_58 = arith.constant 16 : index
    %swap3A_59 = tpu.vector_load %arg8[%swap3A_58] {strides = array<i32>} : memref<512xi32, #tpu.memory_space<vmem>>, vector<16xi32>,
    tpu.vector_store %arg8[%swap3A_58], %min3A_57 {strides = array<i32>} : memref<512xi32, #tpu.memory_space<vmem>>, vector<16xi32>,
    %shift_right_arithmetic3A_60 = arith.constant 7 : i32
    %shift_right_arithmetic3A_61 = vector.broadcast %shift_right_arithmetic3A_60 : i32 to vector<16xi32>
    %shift_right_arithmetic3A_62 = arith.shrsi %convert_element_type3A_42, %shift_right_arithmetic3A_61 : vector<16xi32>
    %shift_left3A_63 = arith.constant 7 : i32
    %shift_left3A_64 = vector.broadcast %shift_left3A_63 : i32 to vector<16xi32>
    %shift_left3A_65 = arith.shli %shift_right_arithmetic3A_62, %shift_left3A_64 : vector<16xi32>
    %swap3A_66 = arith.constant 16 : index
    %swap3A_67 = tpu.vector_load %arg9[%swap3A_66] {strides = array<i32>} : memref<512xi32, #tpu.memory_space<vmem>>, vector<16xi32>,
    tpu.vector_store %arg9[%swap3A_66], %shift_left3A_65 {strides = array<i32>} : memref<512xi32, #tpu.memory_space<vmem>>, vector<16xi32>,
    %get3A_68 = arith.constant 32 : index
    %get3A_69 = tpu.vector_load %arg5[%get3A_68] {strides = array<i32>} : memref<512xf32, #tpu.memory_space<vmem>>, vector<16xf32>,
    %max3A_70 = arith.constant 0.000000e+00 : f32
    %max3A_71 = vector.broadcast %max3A_70 : f32 to vector<16xf32>
    %max3A_72 = arith.maximumf %get3A_69, %max3A_71 : vector<16xf32>
    %min3A_73 = arith.constant 1.000000e+00 : f32
    %min3A_74 = vector.broadcast %min3A_73 : f32 to vector<16xf32>
    %min3A_75 = arith.minimumf %max3A_72, %min3A_74 : vector<16xf32>
    %mul3A_76 = arith.constant 9.999990e+05 : f32
    %mul3A_77 = vector.broadcast %mul3A_76 : f32 to vector<16xf32>
    %mul3A_78 = arith.mulf %min3A_75, %mul3A_77 : vector<16xf32>
    %convert_element_type3A_79 = arith.fptosi %mul3A_78 : vector<16xf32> to vector<16xi32>
    %convert_element_type3A_80 = arith.sitofp %convert_element_type3A_79 : vector<16xi32> to vector<16xf32>
    %sub3A_81 = arith.subf %mul3A_78, %convert_element_type3A_80 : vector<16xf32>
    %and3A_82 = arith.constant 127 : i32
    %and3A_83 = vector.broadcast %and3A_82 : i32 to vector<16xi32>
    %and3A_84 = arith.andi %convert_element_type3A_79, %and3A_83 : vector<16xi32>
    %swap3A_85 = arith.constant 32 : index
    %swap3A_86 = tpu.vector_load %arg6[%swap3A_85] {strides = array<i32>} : memref<512xf32, #tpu.memory_space<vmem>>, vector<16xf32>,
    tpu.vector_store %arg6[%swap3A_85], %sub3A_81 {strides = array<i32>} : memref<512xf32, #tpu.memory_space<vmem>>, vector<16xf32>,
    %swap3A_87 = arith.constant 32 : index
    %swap3A_88 = tpu.vector_load %arg7[%swap3A_87] {strides = array<i32>} : memref<512xi32, #tpu.memory_space<vmem>>, vector<16xi32>,
    tpu.vector_store %arg7[%swap3A_87], %and3A_84 {strides = array<i32>} : memref<512xi32, #tpu.memory_space<vmem>>, vector<16xi32>,
    %add3A_89 = arith.constant 1 : i32
    %add3A_90 = vector.broadcast %add3A_89 : i32 to vector<16xi32>
    %add3A_91 = arith.addi %and3A_84, %add3A_90 : vector<16xi32>
    %min3A_92 = arith.constant 127 : i32
    %min3A_93 = vector.broadcast %min3A_92 : i32 to vector<16xi32>
    %min3A_94 = arith.minsi %add3A_91, %min3A_93 : vector<16xi32>
    %swap3A_95 = arith.constant 32 : index
    %swap3A_96 = tpu.vector_load %arg8[%swap3A_95] {strides = array<i32>} : memref<512xi32, #tpu.memory_space<vmem>>, vector<16xi32>,
    tpu.vector_store %arg8[%swap3A_95], %min3A_94 {strides = array<i32>} : memref<512xi32, #tpu.memory_space<vmem>>, vector<16xi32>,
    %shift_right_arithmetic3A_97 = arith.constant 7 : i32
    %shift_right_arithmetic3A_98 = vector.broadcast %shift_right_arithmetic3A_97 : i32 to vector<16xi32>
    %shift_right_arithmetic3A_99 = arith.shrsi %convert_element_type3A_79, %shift_right_arithmetic3A_98 : vector<16xi32>
    %shift_left3A_100 = arith.constant 7 : i32
    %shift_left3A_101 = vector.broadcast %shift_left3A_100 : i32 to vector<16xi32>
    %shift_left3A_102 = arith.shli %shift_right_arithmetic3A_99, %shift_left3A_101 : vector<16xi32>
    %swap3A_103 = arith.constant 32 : index
    %swap3A_104 = tpu.vector_load %arg9[%swap3A_103] {strides = array<i32>} : memref<512xi32, #tpu.memory_space<vmem>>, vector<16xi32>,
    tpu.vector_store %arg9[%swap3A_103], %shift_left3A_102 {strides = array<i32>} : memref<512xi32, #tpu.memory_space<vmem>>, vector<16xi32>,
    %get3A_105 = arith.constant 48 : index
    %get3A_106 = tpu.vector_load %arg5[%get3A_105] {strides = array<i32>} : memref<512xf32, #tpu.memory_space<vmem>>, vector<16xf32>,
    %max3A_107 = arith.constant 0.000000e+00 : f32
    %max3A_108 = vector.broadcast %max3A_107 : f32 to vector<16xf32>
    %max3A_109 = arith.maximumf %get3A_106, %max3A_108 : vector<16xf32>
    %min3A_110 = arith.constant 1.000000e+00 : f32
    %min3A_111 = vector.broadcast %min3A_110 : f32 to vector<16xf32>
    %min3A_112 = arith.minimumf %max3A_109, %min3A_111 : vector<16xf32>
    %mul3A_113 = arith.constant 9.999990e+05 : f32
    %mul3A_114 = vector.broadcast %mul3A_113 : f32 to vector<16xf32>
    %mul3A_115 = arith.mulf %min3A_112, %mul3A_114 : vector<16xf32>
    %convert_element_type3A_116 = arith.fptosi %mul3A_115 : vector<16xf32> to vector<16xi32>
    %convert_element_type3A_117 = arith.sitofp %convert_element_type3A_116 : vector<16xi32> to vector<16xf32>
    %sub3A_118 = arith.subf %mul3A_115, %convert_element_type3A_117 : vector<16xf32>
    %and3A_119 = arith.constant 127 : i32
    %and3A_120 = vector.broadcast %and3A_119 : i32 to vector<16xi32>
    %and3A_121 = arith.andi %convert_element_type3A_116, %and3A_120 : vector<16xi32>
    %swap3A_122 = arith.constant 48 : index
    %swap3A_123 = tpu.vector_load %arg6[%swap3A_122] {strides = array<i32>} : memref<512xf32, #tpu.memory_space<vmem>>, vector<16xf32>,
    tpu.vector_store %arg6[%swap3A_122], %sub3A_118 {strides = array<i32>} : memref<512xf32, #tpu.memory_space<vmem>>, vector<16xf32>,
    %swap3A_124 = arith.constant 48 : index
    %swap3A_125 = tpu.vector_load %arg7[%swap3A_124] {strides = array<i32>} : memref<512xi32, #tpu.memory_space<vmem>>, vector<16xi32>,
    tpu.vector_store %arg7[%swap3A_124], %and3A_121 {strides = array<i32>} : memref<512xi32, #tpu.memory_space<vmem>>, vector<16xi32>,
    %add3A_126 = arith.constant 1 : i32
    %add3A_127 = vector.broadcast %add3A_126 : i32 to vector<16xi32>
    %add3A_128 = arith.addi %and3A_121, %add3A_127 : vector<16xi32>
    %min3A_129 = arith.constant 127 : i32
    %min3A_130 = vector.broadcast %min3A_129 : i32 to vector<16xi32>
    %min3A_131 = arith.minsi %add3A_128, %min3A_130 : vector<16xi32>
    %swap3A_132 = arith.constant 48 : index
    %swap3A_133 = tpu.vector_load %arg8[%swap3A_132] {strides = array<i32>} : memref<512xi32, #tpu.memory_space<vmem>>, vector<16xi32>,
    tpu.vector_store %arg8[%swap3A_132], %min3A_131 {strides = array<i32>} : memref<512xi32, #tpu.memory_space<vmem>>, vector<16xi32>,
    %shift_right_arithmetic3A_134 = arith.constant 7 : i32
    %shift_right_arithmetic3A_135 = vector.broadcast %shift_right_arithmetic3A_134 : i32 to vector<16xi32>
    %shift_right_arithmetic3A_136 = arith.shrsi %convert_element_type3A_116, %shift_right_arithmetic3A_135 : vector<16xi32>
    %shift_left3A_137 = arith.constant 7 : i32
    %shift_left3A_138 = vector.broadcast %shift_left3A_137 : i32 to vector<16xi32>
    %shift_left3A_139 = arith.shli %shift_right_arithmetic3A_136, %shift_left3A_138 : vector<16xi32>
    %swap3A_140 = arith.constant 48 : index
    %swap3A_141 = tpu.vector_load %arg9[%swap3A_140] {strides = array<i32>} : memref<512xi32, #tpu.memory_space<vmem>>, vector<16xi32>,
    tpu.vector_store %arg9[%swap3A_140], %shift_left3A_139 {strides = array<i32>} : memref<512xi32, #tpu.memory_space<vmem>>, vector<16xi32>,
    %get3A_142 = arith.constant 64 : index
    %get3A_143 = tpu.vector_load %arg5[%get3A_142] {strides = array<i32>} : memref<512xf32, #tpu.memory_space<vmem>>, vector<16xf32>,
    %max3A_144 = arith.constant 0.000000e+00 : f32
    %max3A_145 = vector.broadcast %max3A_144 : f32 to vector<16xf32>
    %max3A_146 = arith.maximumf %get3A_143, %max3A_145 : vector<16xf32>
    %min3A_147 = arith.constant 1.000000e+00 : f32
    %min3A_148 = vector.broadcast %min3A_147 : f32 to vector<16xf32>
    %min3A_149 = arith.minimumf %max3A_146, %min3A_148 : vector<16xf32>
    %mul3A_150 = arith.constant 9.999990e+05 : f32
    %mul3A_151 = vector.broadcast %mul3A_150 : f32 to vector<16xf32>
    %mul3A_152 = arith.mulf %min3A_149, %mul3A_151 : vector<16xf32>
    %convert_element_type3A_153 = arith.fptosi %mul3A_152 : vector<16xf32> to vector<16xi32>
    %convert_element_type3A_154 = arith.sitofp %convert_element_type3A_153 : vector<16xi32> to vector<16xf32>
    %sub3A_155 = arith.subf %mul3A_152, %convert_element_type3A_154 : vector<16xf32>
    %and3A_156 = arith.constant 127 : i32
    %and3A_157 = vector.broadcast %and3A_156 : i32 to vector<16xi32>
    %and3A_158 = arith.andi %convert_element_type3A_153, %and3A_157 : vector<16xi32>
    %swap3A_159 = arith.constant 64 : index
    %swap3A_160 = tpu.vector_load %arg6[%swap3A_159] {strides = array<i32>} : memref<512xf32, #tpu.memory_space<vmem>>, vector<16xf32>,
    tpu.vector_store %arg6[%swap3A_159], %sub3A_155 {strides = array<i32>} : memref<512xf32, #tpu.memory_space<vmem>>, vector<16xf32>,
    %swap3A_161 = arith.constant 64 : index
    %swap3A_162 = tpu.vector_load %arg7[%swap3A_161] {strides = array<i32>} : memref<512xi32, #tpu.memory_space<vmem>>, vector<16xi32>,
    tpu.vector_store %arg7[%swap3A_161], %and3A_158 {strides = array<i32>} : memref<512xi32, #tpu.memory_space<vmem>>, vector<16xi32>,
    %add3A_163 = arith.constant 1 : i32
    %add3A_164 = vector.broadcast %add3A_163 : i32 to vector<16xi32>
    %add3A_165 = arith.addi %and3A_158, %add3A_164 : vector<16xi32>
    %min3A_166 = arith.constant 127 : i32
    %min3A_167 = vector.broadcast %min3A_166 : i32 to vector<16xi32>
    %min3A_168 = arith.minsi %add3A_165, %min3A_167 : vector<16xi32>
    %swap3A_169 = arith.constant 64 : index
    %swap3A_170 = tpu.vector_load %arg8[%swap3A_169] {strides = array<i32>} : memref<512xi32, #tpu.memory_space<vmem>>, vector<16xi32>,
    tpu.vector_store %arg8[%swap3A_169], %min3A_168 {strides = array<i32>} : memref<512xi32, #tpu.memory_space<vmem>>, vector<16xi32>,
    %shift_right_arithmetic3A_171 = arith.constant 7 : i32
    %shift_right_arithmetic3A_172 = vector.broadcast %shift_right_arithmetic3A_171 : i32 to vector<16xi32>
    %shift_right_arithmetic3A_173 = arith.shrsi %convert_element_type3A_153, %shift_right_arithmetic3A_172 : vector<16xi32>
    %shift_left3A_174 = arith.constant 7 : i32
    %shift_left3A_175 = vector.broadcast %shift_left3A_174 : i32 to vector<16xi32>
    %shift_left3A_176 = arith.shli %shift_right_arithmetic3A_173, %shift_left3A_175 : vector<16xi32>
    %swap3A_177 = arith.constant 64 : index
    %swap3A_178 = tpu.vector_load %arg9[%swap3A_177] {strides = array<i32>} : memref<512xi32, #tpu.memory_space<vmem>>, vector<16xi32>,
    tpu.vector_store %arg9[%swap3A_177], %shift_left3A_176 {strides = array<i32>} : memref<512xi32, #tpu.memory_space<vmem>>, vector<16xi32>,
    %get3A_179 = arith.constant 80 : index
    %get3A_180 = tpu.vector_load %arg5[%get3A_179] {strides = array<i32>} : memref<512xf32, #tpu.memory_space<vmem>>, vector<16xf32>,
    %max3A_181 = arith.constant 0.000000e+00 : f32
    %max3A_182 = vector.broadcast %max3A_181 : f32 to vector<16xf32>
    %max3A_183 = arith.maximumf %get3A_180, %max3A_182 : vector<16xf32>
    %min3A_184 = arith.constant 1.000000e+00 : f32
    %min3A_185 = vector.broadcast %min3A_184 : f32 to vector<16xf32>
    %min3A_186 = arith.minimumf %max3A_183, %min3A_185 : vector<16xf32>
    %mul3A_187 = arith.constant 9.999990e+05 : f32
    %mul3A_188 = vector.broadcast %mul3A_187 : f32 to vector<16xf32>
    %mul3A_189 = arith.mulf %min3A_186, %mul3A_188 : vector<16xf32>
    %convert_element_type3A_190 = arith.fptosi %mul3A_189 : vector<16xf32> to vector<16xi32>
    %convert_element_type3A_191 = arith.sitofp %convert_element_type3A_190 : vector<16xi32> to vector<16xf32>
    %sub3A_192 = arith.subf %mul3A_189, %convert_element_type3A_191 : vector<16xf32>
    %and3A_193 = arith.constant 127 : i32
    %and3A_194 = vector.broadcast %and3A_193 : i32 to vector<16xi32>
    %and3A_195 = arith.andi %convert_element_type3A_190, %and3A_194 : vector<16xi32>
    %swap3A_196 = arith.constant 80 : index
    %swap3A_197 = tpu.vector_load %arg6[%swap3A_196] {strides = array<i32>} : memref<512xf32, #tpu.memory_space<vmem>>, vector<16xf32>,
    tpu.vector_store %arg6[%swap3A_196], %sub3A_192 {strides = array<i32>} : memref<512xf32, #tpu.memory_space<vmem>>, vector<16xf32>,
    %swap3A_198 = arith.constant 80 : index
    %swap3A_199 = tpu.vector_load %arg7[%swap3A_198] {strides = array<i32>} : memref<512xi32, #tpu.memory_space<vmem>>, vector<16xi32>,
    tpu.vector_store %arg7[%swap3A_198], %and3A_195 {strides = array<i32>} : memref<512xi32, #tpu.memory_space<vmem>>, vector<16xi32>,
    %add3A_200 = arith.constant 1 : i32
    %add3A_201 = vector.broadcast %add3A_200 : i32 to vector<16xi32>
    %add3A_202 = arith.addi %and3A_195, %add3A_201 : vector<16xi32>
    %min3A_203 = arith.constant 127 : i32
    %min3A_204 = vector.broadcast %min3A_203 : i32 to vector<16xi32>
    %min3A_205 = arith.minsi %add3A_202, %min3A_204 : vector<16xi32>
    %swap3A_206 = arith.constant 80 : index
    %swap3A_207 = tpu.vector_load %arg8[%swap3A_206] {strides = array<i32>} : memref<512xi32, #tpu.memory_space<vmem>>, vector<16xi32>,
    tpu.vector_store %arg8[%swap3A_206], %min3A_205 {strides = array<i32>} : memref<512xi32, #tpu.memory_space<vmem>>, vector<16xi32>,
    %shift_right_arithmetic3A_208 = arith.constant 7 : i32
    %shift_right_arithmetic3A_209 = vector.broadcast %shift_right_arithmetic3A_208 : i32 to vector<16xi32>
    %shift_right_arithmetic3A_210 = arith.shrsi %convert_element_type3A_190, %shift_right_arithmetic3A_209 : vector<16xi32>
    %shift_left3A_211 = arith.constant 7 : i32
    %shift_left3A_212 = vector.broadcast %shift_left3A_211 : i32 to vector<16xi32>
    %shift_left3A_213 = arith.shli %shift_right_arithmetic3A_210, %shift_left3A_212 : vector<16xi32>
    %swap3A_214 = arith.constant 80 : index
    %swap3A_215 = tpu.vector_load %arg9[%swap3A_214] {strides = array<i32>} : memref<512xi32, #tpu.memory_space<vmem>>, vector<16xi32>,
    tpu.vector_store %arg9[%swap3A_214], %shift_left3A_213 {strides = array<i32>} : memref<512xi32, #tpu.memory_space<vmem>>, vector<16xi32>,
    %get3A_216 = arith.constant 96 : index
    %get3A_217 = tpu.vector_load %arg5[%get3A_216] {strides = array<i32>} : memref<512xf32, #tpu.memory_space<vmem>>, vector<16xf32>,
    %max3A_218 = arith.constant 0.000000e+00 : f32
    %max3A_219 = vector.broadcast %max3A_218 : f32 to vector<16xf32>
    %max3A_220 = arith.maximumf %get3A_217, %max3A_219 : vector<16xf32>
    %min3A_221 = arith.constant 1.000000e+00 : f32
    %min3A_222 = vector.broadcast %min3A_221 : f32 to vector<16xf32>
    %min3A_223 = arith.minimumf %max3A_220, %min3A_222 : vector<16xf32>
    %mul3A_224 = arith.constant 9.999990e+05 : f32
    %mul3A_225 = vector.broadcast %mul3A_224 : f32 to vector<16xf32>
    %mul3A_226 = arith.mulf %min3A_223, %mul3A_225 : vector<16xf32>
    %convert_element_type3A_227 = arith.fptosi %mul3A_226 : vector<16xf32> to vector<16xi32>
    %convert_element_type3A_228 = arith.sitofp %convert_element_type3A_227 : vector<16xi32> to vector<16xf32>
    %sub3A_229 = arith.subf %mul3A_226, %convert_element_type3A_228 : vector<16xf32>
    %and3A_230 = arith.constant 127 : i32
    %and3A_231 = vector.broadcast %and3A_230 : i32 to vector<16xi32>
    %and3A_232 = arith.andi %convert_element_type3A_227, %and3A_231 : vector<16xi32>
    %swap3A_233 = arith.constant 96 : index
    %swap3A_234 = tpu.vector_load %arg6[%swap3A_233] {strides = array<i32>} : memref<512xf32, #tpu.memory_space<vmem>>, vector<16xf32>,
    tpu.vector_store %arg6[%swap3A_233], %sub3A_229 {strides = array<i32>} : memref<512xf32, #tpu.memory_space<vmem>>, vector<16xf32>,
    %swap3A_235 = arith.constant 96 : index
    %swap3A_236 = tpu.vector_load %arg7[%swap3A_235] {strides = array<i32>} : memref<512xi32, #tpu.memory_space<vmem>>, vector<16xi32>,
    tpu.vector_store %arg7[%swap3A_235], %and3A_232 {strides = array<i32>} : memref<512xi32, #tpu.memory_space<vmem>>, vector<16xi32>,
    %add3A_237 = arith.constant 1 : i32
    %add3A_238 = vector.broadcast %add3A_237 : i32 to vector<16xi32>
    %add3A_239 = arith.addi %and3A_232, %add3A_238 : vector<16xi32>
    %min3A_240 = arith.constant 127 : i32
    %min3A_241 = vector.broadcast %min3A_240 : i32 to vector<16xi32>
    %min3A_242 = arith.minsi %add3A_239, %min3A_241 : vector<16xi32>
    %swap3A_243 = arith.constant 96 : index
    %swap3A_244 = tpu.vector_load %arg8[%swap3A_243] {strides = array<i32>} : memref<512xi32, #tpu.memory_space<vmem>>, vector<16xi32>,
    tpu.vector_store %arg8[%swap3A_243], %min3A_242 {strides = array<i32>} : memref<512xi32, #tpu.memory_space<vmem>>, vector<16xi32>,
    %shift_right_arithmetic3A_245 = arith.constant 7 : i32
    %shift_right_arithmetic3A_246 = vector.broadcast %shift_right_arithmetic3A_245 : i32 to vector<16xi32>
    %shift_right_arithmetic3A_247 = arith.shrsi %convert_element_type3A_227, %shift_right_arithmetic3A_246 : vector<16xi32>
    %shift_left3A_248 = arith.constant 7 : i32
    %shift_left3A_249 = vector.broadcast %shift_left3A_248 : i32 to vector<16xi32>
    %shift_left3A_250 = arith.shli %shift_right_arithmetic3A_247, %shift_left3A_249 : vector<16xi32>
    %swap3A_251 = arith.constant 96 : index
    %swap3A_252 = tpu.vector_load %arg9[%swap3A_251] {strides = array<i32>} : memref<512xi32, #tpu.memory_space<vmem>>, vector<16xi32>,
    tpu.vector_store %arg9[%swap3A_251], %shift_left3A_250 {strides = array<i32>} : memref<512xi32, #tpu.memory_space<vmem>>, vector<16xi32>,
    %get3A_253 = arith.constant 112 : index
    %get3A_254 = tpu.vector_load %arg5[%get3A_253] {strides = array<i32>} : memref<512xf32, #tpu.memory_space<vmem>>, vector<16xf32>,
    %max3A_255 = arith.constant 0.000000e+00 : f32
    %max3A_256 = vector.broadcast %max3A_255 : f32 to vector<16xf32>
    %max3A_257 = arith.maximumf %get3A_254, %max3A_256 : vector<16xf32>
    %min3A_258 = arith.constant 1.000000e+00 : f32
    %min3A_259 = vector.broadcast %min3A_258 : f32 to vector<16xf32>
    %min3A_260 = arith.minimumf %max3A_257, %min3A_259 : vector<16xf32>
    %mul3A_261 = arith.constant 9.999990e+05 : f32
    %mul3A_262 = vector.broadcast %mul3A_261 : f32 to vector<16xf32>
    %mul3A_263 = arith.mulf %min3A_260, %mul3A_262 : vector<16xf32>
    %convert_element_type3A_264 = arith.fptosi %mul3A_263 : vector<16xf32> to vector<16xi32>
    %convert_element_type3A_265 = arith.sitofp %convert_element_type3A_264 : vector<16xi32> to vector<16xf32>
    %sub3A_266 = arith.subf %mul3A_263, %convert_element_type3A_265 : vector<16xf32>
    %and3A_267 = arith.constant 127 : i32
    %and3A_268 = vector.broadcast %and3A_267 : i32 to vector<16xi32>
    %and3A_269 = arith.andi %convert_element_type3A_264, %and3A_268 : vector<16xi32>
    %swap3A_270 = arith.constant 112 : index
    %swap3A_271 = tpu.vector_load %arg6[%swap3A_270] {strides = array<i32>} : memref<512xf32, #tpu.memory_space<vmem>>, vector<16xf32>,
    tpu.vector_store %arg6[%swap3A_270], %sub3A_266 {strides = array<i32>} : memref<512xf32, #tpu.memory_space<vmem>>, vector<16xf32>,
    %swap3A_272 = arith.constant 112 : index
    %swap3A_273 = tpu.vector_load %arg7[%swap3A_272] {strides = array<i32>} : memref<512xi32, #tpu.memory_space<vmem>>, vector<16xi32>,
    tpu.vector_store %arg7[%swap3A_272], %and3A_269 {strides = array<i32>} : memref<512xi32, #tpu.memory_space<vmem>>, vector<16xi32>,
    %add3A_274 = arith.constant 1 : i32
    %add3A_275 = vector.broadcast %add3A_274 : i32 to vector<16xi32>
    %add3A_276 = arith.addi %and3A_269, %add3A_275 : vector<16xi32>
    %min3A_277 = arith.constant 127 : i32
    %min3A_278 = vector.broadcast %min3A_277 : i32 to vector<16xi32>
    %min3A_279 = arith.minsi %add3A_276, %min3A_278 : vector<16xi32>
    %swap3A_280 = arith.constant 112 : index
    %swap3A_281 = tpu.vector_load %arg8[%swap3A_280] {strides = array<i32>} : memref<512xi32, #tpu.memory_space<vmem>>, vector<16xi32>,
    tpu.vector_store %arg8[%swap3A_280], %min3A_279 {strides = array<i32>} : memref<512xi32, #tpu.memory_space<vmem>>, vector<16xi32>,
    %shift_right_arithmetic3A_282 = arith.constant 7 : i32
    %shift_right_arithmetic3A_283 = vector.broadcast %shift_right_arithmetic3A_282 : i32 to vector<16xi32>
    %shift_right_arithmetic3A_284 = arith.shrsi %convert_element_type3A_264, %shift_right_arithmetic3A_283 : vector<16xi32>
    %shift_left3A_285 = arith.constant 7 : i32
    %shift_left3A_286 = vector.broadcast %shift_left3A_285 : i32 to vector<16xi32>
    %shift_left3A_287 = arith.shli %shift_right_arithmetic3A_284, %shift_left3A_286 : vector<16xi32>
    %swap3A_288 = arith.constant 112 : index
    %swap3A_289 = tpu.vector_load %arg9[%swap3A_288] {strides = array<i32>} : memref<512xi32, #tpu.memory_space<vmem>>, vector<16xi32>,
    tpu.vector_store %arg9[%swap3A_288], %shift_left3A_287 {strides = array<i32>} : memref<512xi32, #tpu.memory_space<vmem>>, vector<16xi32>,
    %get3A_290 = arith.constant 128 : index
    %get3A_291 = tpu.vector_load %arg5[%get3A_290] {strides = array<i32>} : memref<512xf32, #tpu.memory_space<vmem>>, vector<16xf32>,
    %max3A_292 = arith.constant 0.000000e+00 : f32
    %max3A_293 = vector.broadcast %max3A_292 : f32 to vector<16xf32>
    %max3A_294 = arith.maximumf %get3A_291, %max3A_293 : vector<16xf32>
    %min3A_295 = arith.constant 1.000000e+00 : f32
    %min3A_296 = vector.broadcast %min3A_295 : f32 to vector<16xf32>
    %min3A_297 = arith.minimumf %max3A_294, %min3A_296 : vector<16xf32>
    %mul3A_298 = arith.constant 9.999990e+05 : f32
    %mul3A_299 = vector.broadcast %mul3A_298 : f32 to vector<16xf32>
    %mul3A_300 = arith.mulf %min3A_297, %mul3A_299 : vector<16xf32>
    %convert_element_type3A_301 = arith.fptosi %mul3A_300 : vector<16xf32> to vector<16xi32>
    %convert_element_type3A_302 = arith.sitofp %convert_element_type3A_301 : vector<16xi32> to vector<16xf32>
    %sub3A_303 = arith.subf %mul3A_300, %convert_element_type3A_302 : vector<16xf32>
    %and3A_304 = arith.constant 127 : i32
    %and3A_305 = vector.broadcast %and3A_304 : i32 to vector<16xi32>
    %and3A_306 = arith.andi %convert_element_type3A_301, %and3A_305 : vector<16xi32>
    %swap3A_307 = arith.constant 128 : index
    %swap3A_308 = tpu.vector_load %arg6[%swap3A_307] {strides = array<i32>} : memref<512xf32, #tpu.memory_space<vmem>>, vector<16xf32>,
    tpu.vector_store %arg6[%swap3A_307], %sub3A_303 {strides = array<i32>} : memref<512xf32, #tpu.memory_space<vmem>>, vector<16xf32>,
    %swap3A_309 = arith.constant 128 : index
    %swap3A_310 = tpu.vector_load %arg7[%swap3A_309] {strides = array<i32>} : memref<512xi32, #tpu.memory_space<vmem>>, vector<16xi32>,
    tpu.vector_store %arg7[%swap3A_309], %and3A_306 {strides = array<i32>} : memref<512xi32, #tpu.memory_space<vmem>>, vector<16xi32>,
    %add3A_311 = arith.constant 1 : i32
    %add3A_312 = vector.broadcast %add3A_311 : i32 to vector<16xi32>
    %add3A_313 = arith.addi %and3A_306, %add3A_312 : vector<16xi32>
    %min3A_314 = arith.constant 127 : i32
    %min3A_315 = vector.broadcast %min3A_314 : i32 to vector<16xi32>
    %min3A_316 = arith.minsi %add3A_313, %min3A_315 : vector<16xi32>
    %swap3A_317 = arith.constant 128 : index
    %swap3A_318 = tpu.vector_load %arg8[%swap3A_317] {strides = array<i32>} : memref<512xi32, #tpu.memory_space<vmem>>, vector<16xi32>,
    tpu.vector_store %arg8[%swap3A_317], %min3A_316 {strides = array<i32>} : memref<512xi32, #tpu.memory_space<vmem>>, vector<16xi32>,
    %shift_right_arithmetic3A_319 = arith.constant 7 : i32
    %shift_right_arithmetic3A_320 = vector.broadcast %shift_right_arithmetic3A_319 : i32 to vector<16xi32>
    %shift_right_arithmetic3A_321 = arith.shrsi %convert_element_type3A_301, %shift_right_arithmetic3A_320 : vector<16xi32>
    %shift_left3A_322 = arith.constant 7 : i32
    %shift_left3A_323 = vector.broadcast %shift_left3A_322 : i32 to vector<16xi32>
    %shift_left3A_324 = arith.shli %shift_right_arithmetic3A_321, %shift_left3A_323 : vector<16xi32>
    %swap3A_325 = arith.constant 128 : index
    %swap3A_326 = tpu.vector_load %arg9[%swap3A_325] {strides = array<i32>} : memref<512xi32, #tpu.memory_space<vmem>>, vector<16xi32>,
    tpu.vector_store %arg9[%swap3A_325], %shift_left3A_324 {strides = array<i32>} : memref<512xi32, #tpu.memory_space<vmem>>, vector<16xi32>,
    %get3A_327 = arith.constant 144 : index
    %get3A_328 = tpu.vector_load %arg5[%get3A_327] {strides = array<i32>} : memref<512xf32, #tpu.memory_space<vmem>>, vector<16xf32>,
    %max3A_329 = arith.constant 0.000000e+00 : f32
    %max3A_330 = vector.broadcast %max3A_329 : f32 to vector<16xf32>
    %max3A_331 = arith.maximumf %get3A_328, %max3A_330 : vector<16xf32>
    %min3A_332 = arith.constant 1.000000e+00 : f32
    %min3A_333 = vector.broadcast %min3A_332 : f32 to vector<16xf32>
    %min3A_334 = arith.minimumf %max3A_331, %min3A_333 : vector<16xf32>
    %mul3A_335 = arith.constant 9.999990e+05 : f32
    %mul3A_336 = vector.broadcast %mul3A_335 : f32 to vector<16xf32>
    %mul3A_337 = arith.mulf %min3A_334, %mul3A_336 : vector<16xf32>
    %convert_element_type3A_338 = arith.fptosi %mul3A_337 : vector<16xf32> to vector<16xi32>
    %convert_element_type3A_339 = arith.sitofp %convert_element_type3A_338 : vector<16xi32> to vector<16xf32>
    %sub3A_340 = arith.subf %mul3A_337, %convert_element_type3A_339 : vector<16xf32>
    %and3A_341 = arith.constant 127 : i32
    %and3A_342 = vector.broadcast %and3A_341 : i32 to vector<16xi32>
    %and3A_343 = arith.andi %convert_element_type3A_338, %and3A_342 : vector<16xi32>
    %swap3A_344 = arith.constant 144 : index
    %swap3A_345 = tpu.vector_load %arg6[%swap3A_344] {strides = array<i32>} : memref<512xf32, #tpu.memory_space<vmem>>, vector<16xf32>,
    tpu.vector_store %arg6[%swap3A_344], %sub3A_340 {strides = array<i32>} : memref<512xf32, #tpu.memory_space<vmem>>, vector<16xf32>,
    %swap3A_346 = arith.constant 144 : index
    %swap3A_347 = tpu.vector_load %arg7[%swap3A_346] {strides = array<i32>} : memref<512xi32, #tpu.memory_space<vmem>>, vector<16xi32>,
    tpu.vector_store %arg7[%swap3A_346], %and3A_343 {strides = array<i32>} : memref<512xi32, #tpu.memory_space<vmem>>, vector<16xi32>,
    %add3A_348 = arith.constant 1 : i32
    %add3A_349 = vector.broadcast %add3A_348 : i32 to vector<16xi32>
    %add3A_350 = arith.addi %and3A_343, %add3A_349 : vector<16xi32>
    %min3A_351 = arith.constant 127 : i32
    %min3A_352 = vector.broadcast %min3A_351 : i32 to vector<16xi32>
    %min3A_353 = arith.minsi %add3A_350, %min3A_352 : vector<16xi32>
    %swap3A_354 = arith.constant 144 : index
    %swap3A_355 = tpu.vector_load %arg8[%swap3A_354] {strides = array<i32>} : memref<512xi32, #tpu.memory_space<vmem>>, vector<16xi32>,
    tpu.vector_store %arg8[%swap3A_354], %min3A_353 {strides = array<i32>} : memref<512xi32, #tpu.memory_space<vmem>>, vector<16xi32>,
    %shift_right_arithmetic3A_356 = arith.constant 7 : i32
    %shift_right_arithmetic3A_357 = vector.broadcast %shift_right_arithmetic3A_356 : i32 to vector<16xi32>
    %shift_right_arithmetic3A_358 = arith.shrsi %convert_element_type3A_338, %shift_right_arithmetic3A_357 : vector<16xi32>
    %shift_left3A_359 = arith.constant 7 : i32
    %shift_left3A_360 = vector.broadcast %shift_left3A_359 : i32 to vector<16xi32>
    %shift_left3A_361 = arith.shli %shift_right_arithmetic3A_358, %shift_left3A_360 : vector<16xi32>
    %swap3A_362 = arith.constant 144 : index
    %swap3A_363 = tpu.vector_load %arg9[%swap3A_362] {strides = array<i32>} : memref<512xi32, #tpu.memory_space<vmem>>, vector<16xi32>,
    tpu.vector_store %arg9[%swap3A_362], %shift_left3A_361 {strides = array<i32>} : memref<512xi32, #tpu.memory_space<vmem>>, vector<16xi32>,
    %get3A_364 = arith.constant 160 : index
    %get3A_365 = tpu.vector_load %arg5[%get3A_364] {strides = array<i32>} : memref<512xf32, #tpu.memory_space<vmem>>, vector<16xf32>,
    %max3A_366 = arith.constant 0.000000e+00 : f32
    %max3A_367 = vector.broadcast %max3A_366 : f32 to vector<16xf32>
    %max3A_368 = arith.maximumf %get3A_365, %max3A_367 : vector<16xf32>
    %min3A_369 = arith.constant 1.000000e+00 : f32
    %min3A_370 = vector.broadcast %min3A_369 : f32 to vector<16xf32>
    %min3A_371 = arith.minimumf %max3A_368, %min3A_370 : vector<16xf32>
    %mul3A_372 = arith.constant 9.999990e+05 : f32
    %mul3A_373 = vector.broadcast %mul3A_372 : f32 to vector<16xf32>
    %mul3A_374 = arith.mulf %min3A_371, %mul3A_373 : vector<16xf32>
    %convert_element_type3A_375 = arith.fptosi %mul3A_374 : vector<16xf32> to vector<16xi32>
    %convert_element_type3A_376 = arith.sitofp %convert_element_type3A_375 : vector<16xi32> to vector<16xf32>
    %sub3A_377 = arith.subf %mul3A_374, %convert_element_type3A_376 : vector<16xf32>
    %and3A_378 = arith.constant 127 : i32
    %and3A_379 = vector.broadcast %and3A_378 : i32 to vector<16xi32>
    %and3A_380 = arith.andi %convert_element_type3A_375, %and3A_379 : vector<16xi32>
    %swap3A_381 = arith.constant 160 : index
    %swap3A_382 = tpu.vector_load %arg6[%swap3A_381] {strides = array<i32>} : memref<512xf32, #tpu.memory_space<vmem>>, vector<16xf32>,
    tpu.vector_store %arg6[%swap3A_381], %sub3A_377 {strides = array<i32>} : memref<512xf32, #tpu.memory_space<vmem>>, vector<16xf32>,
    %swap3A_383 = arith.constant 160 : index
    %swap3A_384 = tpu.vector_load %arg7[%swap3A_383] {strides = array<i32>} : memref<512xi32, #tpu.memory_space<vmem>>, vector<16xi32>,
    tpu.vector_store %arg7[%swap3A_383], %and3A_380 {strides = array<i32>} : memref<512xi32, #tpu.memory_space<vmem>>, vector<16xi32>,
    %add3A_385 = arith.constant 1 : i32
    %add3A_386 = vector.broadcast %add3A_385 : i32 to vector<16xi32>
    %add3A_387 = arith.addi %and3A_380, %add3A_386 : vector<16xi32>
    %min3A_388 = arith.constant 127 : i32
    %min3A_389 = vector.broadcast %min3A_388 : i32 to vector<16xi32>
    %min3A_390 = arith.minsi %add3A_387, %min3A_389 : vector<16xi32>
    %swap3A_391 = arith.constant 160 : index
    %swap3A_392 = tpu.vector_load %arg8[%swap3A_391] {strides = array<i32>} : memref<512xi32, #tpu.memory_space<vmem>>, vector<16xi32>,
    tpu.vector_store %arg8[%swap3A_391], %min3A_390 {strides = array<i32>} : memref<512xi32, #tpu.memory_space<vmem>>, vector<16xi32>,
    %shift_right_arithmetic3A_393 = arith.constant 7 : i32
    %shift_right_arithmetic3A_394 = vector.broadcast %shift_right_arithmetic3A_393 : i32 to vector<16xi32>
    %shift_right_arithmetic3A_395 = arith.shrsi %convert_element_type3A_375, %shift_right_arithmetic3A_394 : vector<16xi32>
    %shift_left3A_396 = arith.constant 7 : i32
    %shift_left3A_397 = vector.broadcast %shift_left3A_396 : i32 to vector<16xi32>
    %shift_left3A_398 = arith.shli %shift_right_arithmetic3A_395, %shift_left3A_397 : vector<16xi32>
    %swap3A_399 = arith.constant 160 : index
    %swap3A_400 = tpu.vector_load %arg9[%swap3A_399] {strides = array<i32>} : memref<512xi32, #tpu.memory_space<vmem>>, vector<16xi32>,
    tpu.vector_store %arg9[%swap3A_399], %shift_left3A_398 {strides = array<i32>} : memref<512xi32, #tpu.memory_space<vmem>>, vector<16xi32>,
    %get3A_401 = arith.constant 176 : index
    %get3A_402 = tpu.vector_load %arg5[%get3A_401] {strides = array<i32>} : memref<512xf32, #tpu.memory_space<vmem>>, vector<16xf32>,
    %max3A_403 = arith.constant 0.000000e+00 : f32
    %max3A_404 = vector.broadcast %max3A_403 : f32 to vector<16xf32>
    %max3A_405 = arith.maximumf %get3A_402, %max3A_404 : vector<16xf32>
    %min3A_406 = arith.constant 1.000000e+00 : f32
    %min3A_407 = vector.broadcast %min3A_406 : f32 to vector<16xf32>
    %min3A_408 = arith.minimumf %max3A_405, %min3A_407 : vector<16xf32>
    %mul3A_409 = arith.constant 9.999990e+05 : f32
    %mul3A_410 = vector.broadcast %mul3A_409 : f32 to vector<16xf32>
    %mul3A_411 = arith.mulf %min3A_408, %mul3A_410 : vector<16xf32>
    %convert_element_type3A_412 = arith.fptosi %mul3A_411 : vector<16xf32> to vector<16xi32>
    %convert_element_type3A_413 = arith.sitofp %convert_element_type3A_412 : vector<16xi32> to vector<16xf32>
    %sub3A_414 = arith.subf %mul3A_411, %convert_element_type3A_413 : vector<16xf32>
    %and3A_415 = arith.constant 127 : i32
    %and3A_416 = vector.broadcast %and3A_415 : i32 to vector<16xi32>
    %and3A_417 = arith.andi %convert_element_type3A_412, %and3A_416 : vector<16xi32>
    %swap3A_418 = arith.constant 176 : index
    %swap3A_419 = tpu.vector_load %arg6[%swap3A_418] {strides = array<i32>} : memref<512xf32, #tpu.memory_space<vmem>>, vector<16xf32>,
    tpu.vector_store %arg6[%swap3A_418], %sub3A_414 {strides = array<i32>} : memref<512xf32, #tpu.memory_space<vmem>>, vector<16xf32>,
    %swap3A_420 = arith.constant 176 : index
    %swap3A_421 = tpu.vector_load %arg7[%swap3A_420] {strides = array<i32>} : memref<512xi32, #tpu.memory_space<vmem>>, vector<16xi32>,
    tpu.vector_store %arg7[%swap3A_420], %and3A_417 {strides = array<i32>} : memref<512xi32, #tpu.memory_space<vmem>>, vector<16xi32>,
    %add3A_422 = arith.constant 1 : i32
    %add3A_423 = vector.broadcast %add3A_422 : i32 to vector<16xi32>
    %add3A_424 = arith.addi %and3A_417, %add3A_423 : vector<16xi32>
    %min3A_425 = arith.constant 127 : i32
    %min3A_426 = vector.broadcast %min3A_425 : i32 to vector<16xi32>
    %min3A_427 = arith.minsi %add3A_424, %min3A_426 : vector<16xi32>
    %swap3A_428 = arith.constant 176 : index
    %swap3A_429 = tpu.vector_load %arg8[%swap3A_428] {strides = array<i32>} : memref<512xi32, #tpu.memory_space<vmem>>, vector<16xi32>,
    tpu.vector_store %arg8[%swap3A_428], %min3A_427 {strides = array<i32>} : memref<512xi32, #tpu.memory_space<vmem>>, vector<16xi32>,
    %shift_right_arithmetic3A_430 = arith.constant 7 : i32
    %shift_right_arithmetic3A_431 = vector.broadcast %shift_right_arithmetic3A_430 : i32 to vector<16xi32>
    %shift_right_arithmetic3A_432 = arith.shrsi %convert_element_type3A_412, %shift_right_arithmetic3A_431 : vector<16xi32>
    %shift_left3A_433 = arith.constant 7 : i32
    %shift_left3A_434 = vector.broadcast %shift_left3A_433 : i32 to vector<16xi32>
    %shift_left3A_435 = arith.shli %shift_right_arithmetic3A_432, %shift_left3A_434 : vector<16xi32>
    %swap3A_436 = arith.constant 176 : index
    %swap3A_437 = tpu.vector_load %arg9[%swap3A_436] {strides = array<i32>} : memref<512xi32, #tpu.memory_space<vmem>>, vector<16xi32>,
    tpu.vector_store %arg9[%swap3A_436], %shift_left3A_435 {strides = array<i32>} : memref<512xi32, #tpu.memory_space<vmem>>, vector<16xi32>,
    %get3A_438 = arith.constant 192 : index
    %get3A_439 = tpu.vector_load %arg5[%get3A_438] {strides = array<i32>} : memref<512xf32, #tpu.memory_space<vmem>>, vector<16xf32>,
    %max3A_440 = arith.constant 0.000000e+00 : f32
    %max3A_441 = vector.broadcast %max3A_440 : f32 to vector<16xf32>
    %max3A_442 = arith.maximumf %get3A_439, %max3A_441 : vector<16xf32>
    %min3A_443 = arith.constant 1.000000e+00 : f32
    %min3A_444 = vector.broadcast %min3A_443 : f32 to vector<16xf32>
    %min3A_445 = arith.minimumf %max3A_442, %min3A_444 : vector<16xf32>
    %mul3A_446 = arith.constant 9.999990e+05 : f32
    %mul3A_447 = vector.broadcast %mul3A_446 : f32 to vector<16xf32>
    %mul3A_448 = arith.mulf %min3A_445, %mul3A_447 : vector<16xf32>
    %convert_element_type3A_449 = arith.fptosi %mul3A_448 : vector<16xf32> to vector<16xi32>
    %convert_element_type3A_450 = arith.sitofp %convert_element_type3A_449 : vector<16xi32> to vector<16xf32>
    %sub3A_451 = arith.subf %mul3A_448, %convert_element_type3A_450 : vector<16xf32>
    %and3A_452 = arith.constant 127 : i32
    %and3A_453 = vector.broadcast %and3A_452 : i32 to vector<16xi32>
    %and3A_454 = arith.andi %convert_element_type3A_449, %and3A_453 : vector<16xi32>
    %swap3A_455 = arith.constant 192 : index
    %swap3A_456 = tpu.vector_load %arg6[%swap3A_455] {strides = array<i32>} : memref<512xf32, #tpu.memory_space<vmem>>, vector<16xf32>,
    tpu.vector_store %arg6[%swap3A_455], %sub3A_451 {strides = array<i32>} : memref<512xf32, #tpu.memory_space<vmem>>, vector<16xf32>,
    %swap3A_457 = arith.constant 192 : index
    %swap3A_458 = tpu.vector_load %arg7[%swap3A_457] {strides = array<i32>} : memref<512xi32, #tpu.memory_space<vmem>>, vector<16xi32>,
    tpu.vector_store %arg7[%swap3A_457], %and3A_454 {strides = array<i32>} : memref<512xi32, #tpu.memory_space<vmem>>, vector<16xi32>,
    %add3A_459 = arith.constant 1 : i32
    %add3A_460 = vector.broadcast %add3A_459 : i32 to vector<16xi32>
    %add3A_461 = arith.addi %and3A_454, %add3A_460 : vector<16xi32>
    %min3A_462 = arith.constant 127 : i32
    %min3A_463 = vector.broadcast %min3A_462 : i32 to vector<16xi32>
    %min3A_464 = arith.minsi %add3A_461, %min3A_463 : vector<16xi32>
    %swap3A_465 = arith.constant 192 : index
    %swap3A_466 = tpu.vector_load %arg8[%swap3A_465] {strides = array<i32>} : memref<512xi32, #tpu.memory_space<vmem>>, vector<16xi32>,
    tpu.vector_store %arg8[%swap3A_465], %min3A_464 {strides = array<i32>} : memref<512xi32, #tpu.memory_space<vmem>>, vector<16xi32>,
    %shift_right_arithmetic3A_467 = arith.constant 7 : i32
    %shift_right_arithmetic3A_468 = vector.broadcast %shift_right_arithmetic3A_467 : i32 to vector<16xi32>
    %shift_right_arithmetic3A_469 = arith.shrsi %convert_element_type3A_449, %shift_right_arithmetic3A_468 : vector<16xi32>
    %shift_left3A_470 = arith.constant 7 : i32
    %shift_left3A_471 = vector.broadcast %shift_left3A_470 : i32 to vector<16xi32>
    %shift_left3A_472 = arith.shli %shift_right_arithmetic3A_469, %shift_left3A_471 : vector<16xi32>
    %swap3A_473 = arith.constant 192 : index
    %swap3A_474 = tpu.vector_load %arg9[%swap3A_473] {strides = array<i32>} : memref<512xi32, #tpu.memory_space<vmem>>, vector<16xi32>,
    tpu.vector_store %arg9[%swap3A_473], %shift_left3A_472 {strides = array<i32>} : memref<512xi32, #tpu.memory_space<vmem>>, vector<16xi32>,
    %get3A_475 = arith.constant 208 : index
    %get3A_476 = tpu.vector_load %arg5[%get3A_475] {strides = array<i32>} : memref<512xf32, #tpu.memory_space<vmem>>, vector<16xf32>,
    %max3A_477 = arith.constant 0.000000e+00 : f32
    %max3A_478 = vector.broadcast %max3A_477 : f32 to vector<16xf32>
    %max3A_479 = arith.maximumf %get3A_476, %max3A_478 : vector<16xf32>
    %min3A_480 = arith.constant 1.000000e+00 : f32
    %min3A_481 = vector.broadcast %min3A_480 : f32 to vector<16xf32>
    %min3A_482 = arith.minimumf %max3A_479, %min3A_481 : vector<16xf32>
    %mul3A_483 = arith.constant 9.999990e+05 : f32
    %mul3A_484 = vector.broadcast %mul3A_483 : f32 to vector<16xf32>
    %mul3A_485 = arith.mulf %min3A_482, %mul3A_484 : vector<16xf32>
    %convert_element_type3A_486 = arith.fptosi %mul3A_485 : vector<16xf32> to vector<16xi32>
    %convert_element_type3A_487 = arith.sitofp %convert_element_type3A_486 : vector<16xi32> to vector<16xf32>
    %sub3A_488 = arith.subf %mul3A_485, %convert_element_type3A_487 : vector<16xf32>
    %and3A_489 = arith.constant 127 : i32
    %and3A_490 = vector.broadcast %and3A_489 : i32 to vector<16xi32>
    %and3A_491 = arith.andi %convert_element_type3A_486, %and3A_490 : vector<16xi32>
    %swap3A_492 = arith.constant 208 : index
    %swap3A_493 = tpu.vector_load %arg6[%swap3A_492] {strides = array<i32>} : memref<512xf32, #tpu.memory_space<vmem>>, vector<16xf32>,
    tpu.vector_store %arg6[%swap3A_492], %sub3A_488 {strides = array<i32>} : memref<512xf32, #tpu.memory_space<vmem>>, vector<16xf32>,
    %swap3A_494 = arith.constant 208 : index
    %swap3A_495 = tpu.vector_load %arg7[%swap3A_494] {strides = array<i32>} : memref<512xi32, #tpu.memory_space<vmem>>, vector<16xi32>,
    tpu.vector_store %arg7[%swap3A_494], %and3A_491 {strides = array<i32>} : memref<512xi32, #tpu.memory_space<vmem>>, vector<16xi32>,
    %add3A_496 = arith.constant 1 : i32
    %add3A_497 = vector.broadcast %add3A_496 : i32 to vector<16xi32>
    %add3A_498 = arith.addi %and3A_491, %add3A_497 : vector<16xi32>
    %min3A_499 = arith.constant 127 : i32
    %min3A_500 = vector.broadcast %min3A_499 : i32 to vector<16xi32>
    %min3A_501 = arith.minsi %add3A_498, %min3A_500 : vector<16xi32>
    %swap3A_502 = arith.constant 208 : index
    %swap3A_503 = tpu.vector_load %arg8[%swap3A_502] {strides = array<i32>} : memref<512xi32, #tpu.memory_space<vmem>>, vector<16xi32>,
    tpu.vector_store %arg8[%swap3A_502], %min3A_501 {strides = array<i32>} : memref<512xi32, #tpu.memory_space<vmem>>, vector<16xi32>,
    %shift_right_arithmetic3A_504 = arith.constant 7 : i32
    %shift_right_arithmetic3A_505 = vector.broadcast %shift_right_arithmetic3A_504 : i32 to vector<16xi32>
    %shift_right_arithmetic3A_506 = arith.shrsi %convert_element_type3A_486, %shift_right_arithmetic3A_505 : vector<16xi32>
    %shift_left3A_507 = arith.constant 7 : i32
    %shift_left3A_508 = vector.broadcast %shift_left3A_507 : i32 to vector<16xi32>
    %shift_left3A_509 = arith.shli %shift_right_arithmetic3A_506, %shift_left3A_508 : vector<16xi32>
    %swap3A_510 = arith.constant 208 : index
    %swap3A_511 = tpu.vector_load %arg9[%swap3A_510] {strides = array<i32>} : memref<512xi32, #tpu.memory_space<vmem>>, vector<16xi32>,
    tpu.vector_store %arg9[%swap3A_510], %shift_left3A_509 {strides = array<i32>} : memref<512xi32, #tpu.memory_space<vmem>>, vector<16xi32>,
    %get3A_512 = arith.constant 224 : index
    %get3A_513 = tpu.vector_load %arg5[%get3A_512] {strides = array<i32>} : memref<512xf32, #tpu.memory_space<vmem>>, vector<16xf32>,
    %max3A_514 = arith.constant 0.000000e+00 : f32
    %max3A_515 = vector.broadcast %max3A_514 : f32 to vector<16xf32>
    %max3A_516 = arith.maximumf %get3A_513, %max3A_515 : vector<16xf32>
    %min3A_517 = arith.constant 1.000000e+00 : f32
    %min3A_518 = vector.broadcast %min3A_517 : f32 to vector<16xf32>
    %min3A_519 = arith.minimumf %max3A_516, %min3A_518 : vector<16xf32>
    %mul3A_520 = arith.constant 9.999990e+05 : f32
    %mul3A_521 = vector.broadcast %mul3A_520 : f32 to vector<16xf32>
    %mul3A_522 = arith.mulf %min3A_519, %mul3A_521 : vector<16xf32>
    %convert_element_type3A_523 = arith.fptosi %mul3A_522 : vector<16xf32> to vector<16xi32>
    %convert_element_type3A_524 = arith.sitofp %convert_element_type3A_523 : vector<16xi32> to vector<16xf32>
    %sub3A_525 = arith.subf %mul3A_522, %convert_element_type3A_524 : vector<16xf32>
    %and3A_526 = arith.constant 127 : i32
    %and3A_527 = vector.broadcast %and3A_526 : i32 to vector<16xi32>
    %and3A_528 = arith.andi %convert_element_type3A_523, %and3A_527 : vector<16xi32>
    %swap3A_529 = arith.constant 224 : index
    %swap3A_530 = tpu.vector_load %arg6[%swap3A_529] {strides = array<i32>} : memref<512xf32, #tpu.memory_space<vmem>>, vector<16xf32>,
    tpu.vector_store %arg6[%swap3A_529], %sub3A_525 {strides = array<i32>} : memref<512xf32, #tpu.memory_space<vmem>>, vector<16xf32>,
    %swap3A_531 = arith.constant 224 : index
    %swap3A_532 = tpu.vector_load %arg7[%swap3A_531] {strides = array<i32>} : memref<512xi32, #tpu.memory_space<vmem>>, vector<16xi32>,
    tpu.vector_store %arg7[%swap3A_531], %and3A_528 {strides = array<i32>} : memref<512xi32, #tpu.memory_space<vmem>>, vector<16xi32>,
    %add3A_533 = arith.constant 1 : i32
    %add3A_534 = vector.broadcast %add3A_533 : i32 to vector<16xi32>
    %add3A_535 = arith.addi %and3A_528, %add3A_534 : vector<16xi32>
    %min3A_536 = arith.constant 127 : i32
    %min3A_537 = vector.broadcast %min3A_536 : i32 to vector<16xi32>
    %min3A_538 = arith.minsi %add3A_535, %min3A_537 : vector<16xi32>
    %swap3A_539 = arith.constant 224 : index
    %swap3A_540 = tpu.vector_load %arg8[%swap3A_539] {strides = array<i32>} : memref<512xi32, #tpu.memory_space<vmem>>, vector<16xi32>,
    tpu.vector_store %arg8[%swap3A_539], %min3A_538 {strides = array<i32>} : memref<512xi32, #tpu.memory_space<vmem>>, vector<16xi32>,
    %shift_right_arithmetic3A_541 = arith.constant 7 : i32
    %shift_right_arithmetic3A_542 = vector.broadcast %shift_right_arithmetic3A_541 : i32 to vector<16xi32>
    %shift_right_arithmetic3A_543 = arith.shrsi %convert_element_type3A_523, %shift_right_arithmetic3A_542 : vector<16xi32>
    %shift_left3A_544 = arith.constant 7 : i32
    %shift_left3A_545 = vector.broadcast %shift_left3A_544 : i32 to vector<16xi32>
    %shift_left3A_546 = arith.shli %shift_right_arithmetic3A_543, %shift_left3A_545 : vector<16xi32>
    %swap3A_547 = arith.constant 224 : index
    %swap3A_548 = tpu.vector_load %arg9[%swap3A_547] {strides = array<i32>} : memref<512xi32, #tpu.memory_space<vmem>>, vector<16xi32>,
    tpu.vector_store %arg9[%swap3A_547], %shift_left3A_546 {strides = array<i32>} : memref<512xi32, #tpu.memory_space<vmem>>, vector<16xi32>,
    %get3A_549 = arith.constant 240 : index
    %get3A_550 = tpu.vector_load %arg5[%get3A_549] {strides = array<i32>} : memref<512xf32, #tpu.memory_space<vmem>>, vector<16xf32>,
    %max3A_551 = arith.constant 0.000000e+00 : f32
    %max3A_552 = vector.broadcast %max3A_551 : f32 to vector<16xf32>
    %max3A_553 = arith.maximumf %get3A_550, %max3A_552 : vector<16xf32>
    %min3A_554 = arith.constant 1.000000e+00 : f32
    %min3A_555 = vector.broadcast %min3A_554 : f32 to vector<16xf32>
    %min3A_556 = arith.minimumf %max3A_553, %min3A_555 : vector<16xf32>
    %mul3A_557 = arith.constant 9.999990e+05 : f32
    %mul3A_558 = vector.broadcast %mul3A_557 : f32 to vector<16xf32>
    %mul3A_559 = arith.mulf %min3A_556, %mul3A_558 : vector<16xf32>
    %convert_element_type3A_560 = arith.fptosi %mul3A_559 : vector<16xf32> to vector<16xi32>
    %convert_element_type3A_561 = arith.sitofp %convert_element_type3A_560 : vector<16xi32> to vector<16xf32>
    %sub3A_562 = arith.subf %mul3A_559, %convert_element_type3A_561 : vector<16xf32>
    %and3A_563 = arith.constant 127 : i32
    %and3A_564 = vector.broadcast %and3A_563 : i32 to vector<16xi32>
    %and3A_565 = arith.andi %convert_element_type3A_560, %and3A_564 : vector<16xi32>
    %swap3A_566 = arith.constant 240 : index
    %swap3A_567 = tpu.vector_load %arg6[%swap3A_566] {strides = array<i32>} : memref<512xf32, #tpu.memory_space<vmem>>, vector<16xf32>,
    tpu.vector_store %arg6[%swap3A_566], %sub3A_562 {strides = array<i32>} : memref<512xf32, #tpu.memory_space<vmem>>, vector<16xf32>,
    %swap3A_568 = arith.constant 240 : index
    %swap3A_569 = tpu.vector_load %arg7[%swap3A_568] {strides = array<i32>} : memref<512xi32, #tpu.memory_space<vmem>>, vector<16xi32>,
    tpu.vector_store %arg7[%swap3A_568], %and3A_565 {strides = array<i32>} : memref<512xi32, #tpu.memory_space<vmem>>, vector<16xi32>,
    %add3A_570 = arith.constant 1 : i32
    %add3A_571 = vector.broadcast %add3A_570 : i32 to vector<16xi32>
    %add3A_572 = arith.addi %and3A_565, %add3A_571 : vector<16xi32>
    %min3A_573 = arith.constant 127 : i32
    %min3A_574 = vector.broadcast %min3A_573 : i32 to vector<16xi32>
    %min3A_575 = arith.minsi %add3A_572, %min3A_574 : vector<16xi32>
    %swap3A_576 = arith.constant 240 : index
    %swap3A_577 = tpu.vector_load %arg8[%swap3A_576] {strides = array<i32>} : memref<512xi32, #tpu.memory_space<vmem>>, vector<16xi32>,
    tpu.vector_store %arg8[%swap3A_576], %min3A_575 {strides = array<i32>} : memref<512xi32, #tpu.memory_space<vmem>>, vector<16xi32>,
    %shift_right_arithmetic3A_578 = arith.constant 7 : i32
    %shift_right_arithmetic3A_579 = vector.broadcast %shift_right_arithmetic3A_578 : i32 to vector<16xi32>
    %shift_right_arithmetic3A_580 = arith.shrsi %convert_element_type3A_560, %shift_right_arithmetic3A_579 : vector<16xi32>
    %shift_left3A_581 = arith.constant 7 : i32
    %shift_left3A_582 = vector.broadcast %shift_left3A_581 : i32 to vector<16xi32>
    %shift_left3A_583 = arith.shli %shift_right_arithmetic3A_580, %shift_left3A_582 : vector<16xi32>
    %swap3A_584 = arith.constant 240 : index
    %swap3A_585 = tpu.vector_load %arg9[%swap3A_584] {strides = array<i32>} : memref<512xi32, #tpu.memory_space<vmem>>, vector<16xi32>,
    tpu.vector_store %arg9[%swap3A_584], %shift_left3A_583 {strides = array<i32>} : memref<512xi32, #tpu.memory_space<vmem>>, vector<16xi32>,
    %get3A_586 = arith.constant 256 : index
    %get3A_587 = tpu.vector_load %arg5[%get3A_586] {strides = array<i32>} : memref<512xf32, #tpu.memory_space<vmem>>, vector<16xf32>,
    %max3A_588 = arith.constant 0.000000e+00 : f32
    %max3A_589 = vector.broadcast %max3A_588 : f32 to vector<16xf32>
    %max3A_590 = arith.maximumf %get3A_587, %max3A_589 : vector<16xf32>
    %min3A_591 = arith.constant 1.000000e+00 : f32
    %min3A_592 = vector.broadcast %min3A_591 : f32 to vector<16xf32>
    %min3A_593 = arith.minimumf %max3A_590, %min3A_592 : vector<16xf32>
    %mul3A_594 = arith.constant 9.999990e+05 : f32
    %mul3A_595 = vector.broadcast %mul3A_594 : f32 to vector<16xf32>
    %mul3A_596 = arith.mulf %min3A_593, %mul3A_595 : vector<16xf32>
    %convert_element_type3A_597 = arith.fptosi %mul3A_596 : vector<16xf32> to vector<16xi32>
    %convert_element_type3A_598 = arith.sitofp %convert_element_type3A_597 : vector<16xi32> to vector<16xf32>
    %sub3A_599 = arith.subf %mul3A_596, %convert_element_type3A_598 : vector<16xf32>
    %and3A_600 = arith.constant 127 : i32
    %and3A_601 = vector.broadcast %and3A_600 : i32 to vector<16xi32>
    %and3A_602 = arith.andi %convert_element_type3A_597, %and3A_601 : vector<16xi32>
    %swap3A_603 = arith.constant 256 : index
    %swap3A_604 = tpu.vector_load %arg6[%swap3A_603] {strides = array<i32>} : memref<512xf32, #tpu.memory_space<vmem>>, vector<16xf32>,
    tpu.vector_store %arg6[%swap3A_603], %sub3A_599 {strides = array<i32>} : memref<512xf32, #tpu.memory_space<vmem>>, vector<16xf32>,
    %swap3A_605 = arith.constant 256 : index
    %swap3A_606 = tpu.vector_load %arg7[%swap3A_605] {strides = array<i32>} : memref<512xi32, #tpu.memory_space<vmem>>, vector<16xi32>,
    tpu.vector_store %arg7[%swap3A_605], %and3A_602 {strides = array<i32>} : memref<512xi32, #tpu.memory_space<vmem>>, vector<16xi32>,
    %add3A_607 = arith.constant 1 : i32
    %add3A_608 = vector.broadcast %add3A_607 : i32 to vector<16xi32>
    %add3A_609 = arith.addi %and3A_602, %add3A_608 : vector<16xi32>
    %min3A_610 = arith.constant 127 : i32
    %min3A_611 = vector.broadcast %min3A_610 : i32 to vector<16xi32>
    %min3A_612 = arith.minsi %add3A_609, %min3A_611 : vector<16xi32>
    %swap3A_613 = arith.constant 256 : index
    %swap3A_614 = tpu.vector_load %arg8[%swap3A_613] {strides = array<i32>} : memref<512xi32, #tpu.memory_space<vmem>>, vector<16xi32>,
    tpu.vector_store %arg8[%swap3A_613], %min3A_612 {strides = array<i32>} : memref<512xi32, #tpu.memory_space<vmem>>, vector<16xi32>,
    %shift_right_arithmetic3A_615 = arith.constant 7 : i32
    %shift_right_arithmetic3A_616 = vector.broadcast %shift_right_arithmetic3A_615 : i32 to vector<16xi32>
    %shift_right_arithmetic3A_617 = arith.shrsi %convert_element_type3A_597, %shift_right_arithmetic3A_616 : vector<16xi32>
    %shift_left3A_618 = arith.constant 7 : i32
    %shift_left3A_619 = vector.broadcast %shift_left3A_618 : i32 to vector<16xi32>
    %shift_left3A_620 = arith.shli %shift_right_arithmetic3A_617, %shift_left3A_619 : vector<16xi32>
    %swap3A_621 = arith.constant 256 : index
    %swap3A_622 = tpu.vector_load %arg9[%swap3A_621] {strides = array<i32>} : memref<512xi32, #tpu.memory_space<vmem>>, vector<16xi32>,
    tpu.vector_store %arg9[%swap3A_621], %shift_left3A_620 {strides = array<i32>} : memref<512xi32, #tpu.memory_space<vmem>>, vector<16xi32>,
    %get3A_623 = arith.constant 272 : index
    %get3A_624 = tpu.vector_load %arg5[%get3A_623] {strides = array<i32>} : memref<512xf32, #tpu.memory_space<vmem>>, vector<16xf32>,
    %max3A_625 = arith.constant 0.000000e+00 : f32
    %max3A_626 = vector.broadcast %max3A_625 : f32 to vector<16xf32>
    %max3A_627 = arith.maximumf %get3A_624, %max3A_626 : vector<16xf32>
    %min3A_628 = arith.constant 1.000000e+00 : f32
    %min3A_629 = vector.broadcast %min3A_628 : f32 to vector<16xf32>
    %min3A_630 = arith.minimumf %max3A_627, %min3A_629 : vector<16xf32>
    %mul3A_631 = arith.constant 9.999990e+05 : f32
    %mul3A_632 = vector.broadcast %mul3A_631 : f32 to vector<16xf32>
    %mul3A_633 = arith.mulf %min3A_630, %mul3A_632 : vector<16xf32>
    %convert_element_type3A_634 = arith.fptosi %mul3A_633 : vector<16xf32> to vector<16xi32>
    %convert_element_type3A_635 = arith.sitofp %convert_element_type3A_634 : vector<16xi32> to vector<16xf32>
    %sub3A_636 = arith.subf %mul3A_633, %convert_element_type3A_635 : vector<16xf32>
    %and3A_637 = arith.constant 127 : i32
    %and3A_638 = vector.broadcast %and3A_637 : i32 to vector<16xi32>
    %and3A_639 = arith.andi %convert_element_type3A_634, %and3A_638 : vector<16xi32>
    %swap3A_640 = arith.constant 272 : index
    %swap3A_641 = tpu.vector_load %arg6[%swap3A_640] {strides = array<i32>} : memref<512xf32, #tpu.memory_space<vmem>>, vector<16xf32>,
    tpu.vector_store %arg6[%swap3A_640], %sub3A_636 {strides = array<i32>} : memref<512xf32, #tpu.memory_space<vmem>>, vector<16xf32>,
    %swap3A_642 = arith.constant 272 : index
    %swap3A_643 = tpu.vector_load %arg7[%swap3A_642] {strides = array<i32>} : memref<512xi32, #tpu.memory_space<vmem>>, vector<16xi32>,
    tpu.vector_store %arg7[%swap3A_642], %and3A_639 {strides = array<i32>} : memref<512xi32, #tpu.memory_space<vmem>>, vector<16xi32>,
    %add3A_644 = arith.constant 1 : i32
    %add3A_645 = vector.broadcast %add3A_644 : i32 to vector<16xi32>
    %add3A_646 = arith.addi %and3A_639, %add3A_645 : vector<16xi32>
    %min3A_647 = arith.constant 127 : i32
    %min3A_648 = vector.broadcast %min3A_647 : i32 to vector<16xi32>
    %min3A_649 = arith.minsi %add3A_646, %min3A_648 : vector<16xi32>
    %swap3A_650 = arith.constant 272 : index
    %swap3A_651 = tpu.vector_load %arg8[%swap3A_650] {strides = array<i32>} : memref<512xi32, #tpu.memory_space<vmem>>, vector<16xi32>,
    tpu.vector_store %arg8[%swap3A_650], %min3A_649 {strides = array<i32>} : memref<512xi32, #tpu.memory_space<vmem>>, vector<16xi32>,
    %shift_right_arithmetic3A_652 = arith.constant 7 : i32
    %shift_right_arithmetic3A_653 = vector.broadcast %shift_right_arithmetic3A_652 : i32 to vector<16xi32>
    %shift_right_arithmetic3A_654 = arith.shrsi %convert_element_type3A_634, %shift_right_arithmetic3A_653 : vector<16xi32>
    %shift_left3A_655 = arith.constant 7 : i32
    %shift_left3A_656 = vector.broadcast %shift_left3A_655 : i32 to vector<16xi32>
    %shift_left3A_657 = arith.shli %shift_right_arithmetic3A_654, %shift_left3A_656 : vector<16xi32>
    %swap3A_658 = arith.constant 272 : index
    %swap3A_659 = tpu.vector_load %arg9[%swap3A_658] {strides = array<i32>} : memref<512xi32, #tpu.memory_space<vmem>>, vector<16xi32>,
    tpu.vector_store %arg9[%swap3A_658], %shift_left3A_657 {strides = array<i32>} : memref<512xi32, #tpu.memory_space<vmem>>, vector<16xi32>,
    %get3A_660 = arith.constant 288 : index
    %get3A_661 = tpu.vector_load %arg5[%get3A_660] {strides = array<i32>} : memref<512xf32, #tpu.memory_space<vmem>>, vector<16xf32>,
    %max3A_662 = arith.constant 0.000000e+00 : f32
    %max3A_663 = vector.broadcast %max3A_662 : f32 to vector<16xf32>
    %max3A_664 = arith.maximumf %get3A_661, %max3A_663 : vector<16xf32>
    %min3A_665 = arith.constant 1.000000e+00 : f32
    %min3A_666 = vector.broadcast %min3A_665 : f32 to vector<16xf32>
    %min3A_667 = arith.minimumf %max3A_664, %min3A_666 : vector<16xf32>
    %mul3A_668 = arith.constant 9.999990e+05 : f32
    %mul3A_669 = vector.broadcast %mul3A_668 : f32 to vector<16xf32>
    %mul3A_670 = arith.mulf %min3A_667, %mul3A_669 : vector<16xf32>
    %convert_element_type3A_671 = arith.fptosi %mul3A_670 : vector<16xf32> to vector<16xi32>
    %convert_element_type3A_672 = arith.sitofp %convert_element_type3A_671 : vector<16xi32> to vector<16xf32>
    %sub3A_673 = arith.subf %mul3A_670, %convert_element_type3A_672 : vector<16xf32>
    %and3A_674 = arith.constant 127 : i32
    %and3A_675 = vector.broadcast %and3A_674 : i32 to vector<16xi32>
    %and3A_676 = arith.andi %convert_element_type3A_671, %and3A_675 : vector<16xi32>
    %swap3A_677 = arith.constant 288 : index
    %swap3A_678 = tpu.vector_load %arg6[%swap3A_677] {strides = array<i32>} : memref<512xf32, #tpu.memory_space<vmem>>, vector<16xf32>,
    tpu.vector_store %arg6[%swap3A_677], %sub3A_673 {strides = array<i32>} : memref<512xf32, #tpu.memory_space<vmem>>, vector<16xf32>,
    %swap3A_679 = arith.constant 288 : index
    %swap3A_680 = tpu.vector_load %arg7[%swap3A_679] {strides = array<i32>} : memref<512xi32, #tpu.memory_space<vmem>>, vector<16xi32>,
    tpu.vector_store %arg7[%swap3A_679], %and3A_676 {strides = array<i32>} : memref<512xi32, #tpu.memory_space<vmem>>, vector<16xi32>,
    %add3A_681 = arith.constant 1 : i32
    %add3A_682 = vector.broadcast %add3A_681 : i32 to vector<16xi32>
    %add3A_683 = arith.addi %and3A_676, %add3A_682 : vector<16xi32>
    %min3A_684 = arith.constant 127 : i32
    %min3A_685 = vector.broadcast %min3A_684 : i32 to vector<16xi32>
    %min3A_686 = arith.minsi %add3A_683, %min3A_685 : vector<16xi32>
    %swap3A_687 = arith.constant 288 : index
    %swap3A_688 = tpu.vector_load %arg8[%swap3A_687] {strides = array<i32>} : memref<512xi32, #tpu.memory_space<vmem>>, vector<16xi32>,
    tpu.vector_store %arg8[%swap3A_687], %min3A_686 {strides = array<i32>} : memref<512xi32, #tpu.memory_space<vmem>>, vector<16xi32>,
    %shift_right_arithmetic3A_689 = arith.constant 7 : i32
    %shift_right_arithmetic3A_690 = vector.broadcast %shift_right_arithmetic3A_689 : i32 to vector<16xi32>
    %shift_right_arithmetic3A_691 = arith.shrsi %convert_element_type3A_671, %shift_right_arithmetic3A_690 : vector<16xi32>
    %shift_left3A_692 = arith.constant 7 : i32
    %shift_left3A_693 = vector.broadcast %shift_left3A_692 : i32 to vector<16xi32>
    %shift_left3A_694 = arith.shli %shift_right_arithmetic3A_691, %shift_left3A_693 : vector<16xi32>
    %swap3A_695 = arith.constant 288 : index
    %swap3A_696 = tpu.vector_load %arg9[%swap3A_695] {strides = array<i32>} : memref<512xi32, #tpu.memory_space<vmem>>, vector<16xi32>,
    tpu.vector_store %arg9[%swap3A_695], %shift_left3A_694 {strides = array<i32>} : memref<512xi32, #tpu.memory_space<vmem>>, vector<16xi32>,
    %get3A_697 = arith.constant 304 : index
    %get3A_698 = tpu.vector_load %arg5[%get3A_697] {strides = array<i32>} : memref<512xf32, #tpu.memory_space<vmem>>, vector<16xf32>,
    %max3A_699 = arith.constant 0.000000e+00 : f32
    %max3A_700 = vector.broadcast %max3A_699 : f32 to vector<16xf32>
    %max3A_701 = arith.maximumf %get3A_698, %max3A_700 : vector<16xf32>
    %min3A_702 = arith.constant 1.000000e+00 : f32
    %min3A_703 = vector.broadcast %min3A_702 : f32 to vector<16xf32>
    %min3A_704 = arith.minimumf %max3A_701, %min3A_703 : vector<16xf32>
    %mul3A_705 = arith.constant 9.999990e+05 : f32
    %mul3A_706 = vector.broadcast %mul3A_705 : f32 to vector<16xf32>
    %mul3A_707 = arith.mulf %min3A_704, %mul3A_706 : vector<16xf32>
    %convert_element_type3A_708 = arith.fptosi %mul3A_707 : vector<16xf32> to vector<16xi32>
    %convert_element_type3A_709 = arith.sitofp %convert_element_type3A_708 : vector<16xi32> to vector<16xf32>
    %sub3A_710 = arith.subf %mul3A_707, %convert_element_type3A_709 : vector<16xf32>
    %and3A_711 = arith.constant 127 : i32
    %and3A_712 = vector.broadcast %and3A_711 : i32 to vector<16xi32>
    %and3A_713 = arith.andi %convert_element_type3A_708, %and3A_712 : vector<16xi32>
    %swap3A_714 = arith.constant 304 : index
    %swap3A_715 = tpu.vector_load %arg6[%swap3A_714] {strides = array<i32>} : memref<512xf32, #tpu.memory_space<vmem>>, vector<16xf32>,
    tpu.vector_store %arg6[%swap3A_714], %sub3A_710 {strides = array<i32>} : memref<512xf32, #tpu.memory_space<vmem>>, vector<16xf32>,
    %swap3A_716 = arith.constant 304 : index
    %swap3A_717 = tpu.vector_load %arg7[%swap3A_716] {strides = array<i32>} : memref<512xi32, #tpu.memory_space<vmem>>, vector<16xi32>,
    tpu.vector_store %arg7[%swap3A_716], %and3A_713 {strides = array<i32>} : memref<512xi32, #tpu.memory_space<vmem>>, vector<16xi32>,
    %add3A_718 = arith.constant 1 : i32
    %add3A_719 = vector.broadcast %add3A_718 : i32 to vector<16xi32>
    %add3A_720 = arith.addi %and3A_713, %add3A_719 : vector<16xi32>
    %min3A_721 = arith.constant 127 : i32
    %min3A_722 = vector.broadcast %min3A_721 : i32 to vector<16xi32>
    %min3A_723 = arith.minsi %add3A_720, %min3A_722 : vector<16xi32>
    %swap3A_724 = arith.constant 304 : index
    %swap3A_725 = tpu.vector_load %arg8[%swap3A_724] {strides = array<i32>} : memref<512xi32, #tpu.memory_space<vmem>>, vector<16xi32>,
    tpu.vector_store %arg8[%swap3A_724], %min3A_723 {strides = array<i32>} : memref<512xi32, #tpu.memory_space<vmem>>, vector<16xi32>,
    %shift_right_arithmetic3A_726 = arith.constant 7 : i32
    %shift_right_arithmetic3A_727 = vector.broadcast %shift_right_arithmetic3A_726 : i32 to vector<16xi32>
    %shift_right_arithmetic3A_728 = arith.shrsi %convert_element_type3A_708, %shift_right_arithmetic3A_727 : vector<16xi32>
    %shift_left3A_729 = arith.constant 7 : i32
    %shift_left3A_730 = vector.broadcast %shift_left3A_729 : i32 to vector<16xi32>
    %shift_left3A_731 = arith.shli %shift_right_arithmetic3A_728, %shift_left3A_730 : vector<16xi32>
    %swap3A_732 = arith.constant 304 : index
    %swap3A_733 = tpu.vector_load %arg9[%swap3A_732] {strides = array<i32>} : memref<512xi32, #tpu.memory_space<vmem>>, vector<16xi32>,
    tpu.vector_store %arg9[%swap3A_732], %shift_left3A_731 {strides = array<i32>} : memref<512xi32, #tpu.memory_space<vmem>>, vector<16xi32>,
    %get3A_734 = arith.constant 320 : index
    %get3A_735 = tpu.vector_load %arg5[%get3A_734] {strides = array<i32>} : memref<512xf32, #tpu.memory_space<vmem>>, vector<16xf32>,
    %max3A_736 = arith.constant 0.000000e+00 : f32
    %max3A_737 = vector.broadcast %max3A_736 : f32 to vector<16xf32>
    %max3A_738 = arith.maximumf %get3A_735, %max3A_737 : vector<16xf32>
    %min3A_739 = arith.constant 1.000000e+00 : f32
    %min3A_740 = vector.broadcast %min3A_739 : f32 to vector<16xf32>
    %min3A_741 = arith.minimumf %max3A_738, %min3A_740 : vector<16xf32>
    %mul3A_742 = arith.constant 9.999990e+05 : f32
    %mul3A_743 = vector.broadcast %mul3A_742 : f32 to vector<16xf32>
    %mul3A_744 = arith.mulf %min3A_741, %mul3A_743 : vector<16xf32>
    %convert_element_type3A_745 = arith.fptosi %mul3A_744 : vector<16xf32> to vector<16xi32>
    %convert_element_type3A_746 = arith.sitofp %convert_element_type3A_745 : vector<16xi32> to vector<16xf32>
    %sub3A_747 = arith.subf %mul3A_744, %convert_element_type3A_746 : vector<16xf32>
    %and3A_748 = arith.constant 127 : i32
    %and3A_749 = vector.broadcast %and3A_748 : i32 to vector<16xi32>
    %and3A_750 = arith.andi %convert_element_type3A_745, %and3A_749 : vector<16xi32>
    %swap3A_751 = arith.constant 320 : index
    %swap3A_752 = tpu.vector_load %arg6[%swap3A_751] {strides = array<i32>} : memref<512xf32, #tpu.memory_space<vmem>>, vector<16xf32>,
    tpu.vector_store %arg6[%swap3A_751], %sub3A_747 {strides = array<i32>} : memref<512xf32, #tpu.memory_space<vmem>>, vector<16xf32>,
    %swap3A_753 = arith.constant 320 : index
    %swap3A_754 = tpu.vector_load %arg7[%swap3A_753] {strides = array<i32>} : memref<512xi32, #tpu.memory_space<vmem>>, vector<16xi32>,
    tpu.vector_store %arg7[%swap3A_753], %and3A_750 {strides = array<i32>} : memref<512xi32, #tpu.memory_space<vmem>>, vector<16xi32>,
    %add3A_755 = arith.constant 1 : i32
    %add3A_756 = vector.broadcast %add3A_755 : i32 to vector<16xi32>
    %add3A_757 = arith.addi %and3A_750, %add3A_756 : vector<16xi32>
    %min3A_758 = arith.constant 127 : i32
    %min3A_759 = vector.broadcast %min3A_758 : i32 to vector<16xi32>
    %min3A_760 = arith.minsi %add3A_757, %min3A_759 : vector<16xi32>
    %swap3A_761 = arith.constant 320 : index
    %swap3A_762 = tpu.vector_load %arg8[%swap3A_761] {strides = array<i32>} : memref<512xi32, #tpu.memory_space<vmem>>, vector<16xi32>,
    tpu.vector_store %arg8[%swap3A_761], %min3A_760 {strides = array<i32>} : memref<512xi32, #tpu.memory_space<vmem>>, vector<16xi32>,
    %shift_right_arithmetic3A_763 = arith.constant 7 : i32
    %shift_right_arithmetic3A_764 = vector.broadcast %shift_right_arithmetic3A_763 : i32 to vector<16xi32>
    %shift_right_arithmetic3A_765 = arith.shrsi %convert_element_type3A_745, %shift_right_arithmetic3A_764 : vector<16xi32>
    %shift_left3A_766 = arith.constant 7 : i32
    %shift_left3A_767 = vector.broadcast %shift_left3A_766 : i32 to vector<16xi32>
    %shift_left3A_768 = arith.shli %shift_right_arithmetic3A_765, %shift_left3A_767 : vector<16xi32>
    %swap3A_769 = arith.constant 320 : index
    %swap3A_770 = tpu.vector_load %arg9[%swap3A_769] {strides = array<i32>} : memref<512xi32, #tpu.memory_space<vmem>>, vector<16xi32>,
    tpu.vector_store %arg9[%swap3A_769], %shift_left3A_768 {strides = array<i32>} : memref<512xi32, #tpu.memory_space<vmem>>, vector<16xi32>,
    %get3A_771 = arith.constant 336 : index
    %get3A_772 = tpu.vector_load %arg5[%get3A_771] {strides = array<i32>} : memref<512xf32, #tpu.memory_space<vmem>>, vector<16xf32>,
    %max3A_773 = arith.constant 0.000000e+00 : f32
    %max3A_774 = vector.broadcast %max3A_773 : f32 to vector<16xf32>
    %max3A_775 = arith.maximumf %get3A_772, %max3A_774 : vector<16xf32>
    %min3A_776 = arith.constant 1.000000e+00 : f32
    %min3A_777 = vector.broadcast %min3A_776 : f32 to vector<16xf32>
    %min3A_778 = arith.minimumf %max3A_775, %min3A_777 : vector<16xf32>
    %mul3A_779 = arith.constant 9.999990e+05 : f32
    %mul3A_780 = vector.broadcast %mul3A_779 : f32 to vector<16xf32>
    %mul3A_781 = arith.mulf %min3A_778, %mul3A_780 : vector<16xf32>
    %convert_element_type3A_782 = arith.fptosi %mul3A_781 : vector<16xf32> to vector<16xi32>
    %convert_element_type3A_783 = arith.sitofp %convert_element_type3A_782 : vector<16xi32> to vector<16xf32>
    %sub3A_784 = arith.subf %mul3A_781, %convert_element_type3A_783 : vector<16xf32>
    %and3A_785 = arith.constant 127 : i32
    %and3A_786 = vector.broadcast %and3A_785 : i32 to vector<16xi32>
    %and3A_787 = arith.andi %convert_element_type3A_782, %and3A_786 : vector<16xi32>
    %swap3A_788 = arith.constant 336 : index
    %swap3A_789 = tpu.vector_load %arg6[%swap3A_788] {strides = array<i32>} : memref<512xf32, #tpu.memory_space<vmem>>, vector<16xf32>,
    tpu.vector_store %arg6[%swap3A_788], %sub3A_784 {strides = array<i32>} : memref<512xf32, #tpu.memory_space<vmem>>, vector<16xf32>,
    %swap3A_790 = arith.constant 336 : index
    %swap3A_791 = tpu.vector_load %arg7[%swap3A_790] {strides = array<i32>} : memref<512xi32, #tpu.memory_space<vmem>>, vector<16xi32>,
    tpu.vector_store %arg7[%swap3A_790], %and3A_787 {strides = array<i32>} : memref<512xi32, #tpu.memory_space<vmem>>, vector<16xi32>,
    %add3A_792 = arith.constant 1 : i32
    %add3A_793 = vector.broadcast %add3A_792 : i32 to vector<16xi32>
    %add3A_794 = arith.addi %and3A_787, %add3A_793 : vector<16xi32>
    %min3A_795 = arith.constant 127 : i32
    %min3A_796 = vector.broadcast %min3A_795 : i32 to vector<16xi32>
    %min3A_797 = arith.minsi %add3A_794, %min3A_796 : vector<16xi32>
    %swap3A_798 = arith.constant 336 : index
    %swap3A_799 = tpu.vector_load %arg8[%swap3A_798] {strides = array<i32>} : memref<512xi32, #tpu.memory_space<vmem>>, vector<16xi32>,
    tpu.vector_store %arg8[%swap3A_798], %min3A_797 {strides = array<i32>} : memref<512xi32, #tpu.memory_space<vmem>>, vector<16xi32>,
    %shift_right_arithmetic3A_800 = arith.constant 7 : i32
    %shift_right_arithmetic3A_801 = vector.broadcast %shift_right_arithmetic3A_800 : i32 to vector<16xi32>
    %shift_right_arithmetic3A_802 = arith.shrsi %convert_element_type3A_782, %shift_right_arithmetic3A_801 : vector<16xi32>
    %shift_left3A_803 = arith.constant 7 : i32
    %shift_left3A_804 = vector.broadcast %shift_left3A_803 : i32 to vector<16xi32>
    %shift_left3A_805 = arith.shli %shift_right_arithmetic3A_802, %shift_left3A_804 : vector<16xi32>
    %swap3A_806 = arith.constant 336 : index
    %swap3A_807 = tpu.vector_load %arg9[%swap3A_806] {strides = array<i32>} : memref<512xi32, #tpu.memory_space<vmem>>, vector<16xi32>,
    tpu.vector_store %arg9[%swap3A_806], %shift_left3A_805 {strides = array<i32>} : memref<512xi32, #tpu.memory_space<vmem>>, vector<16xi32>,
    %get3A_808 = arith.constant 352 : index
    %get3A_809 = tpu.vector_load %arg5[%get3A_808] {strides = array<i32>} : memref<512xf32, #tpu.memory_space<vmem>>, vector<16xf32>,
    %max3A_810 = arith.constant 0.000000e+00 : f32
    %max3A_811 = vector.broadcast %max3A_810 : f32 to vector<16xf32>
    %max3A_812 = arith.maximumf %get3A_809, %max3A_811 : vector<16xf32>
    %min3A_813 = arith.constant 1.000000e+00 : f32
    %min3A_814 = vector.broadcast %min3A_813 : f32 to vector<16xf32>
    %min3A_815 = arith.minimumf %max3A_812, %min3A_814 : vector<16xf32>
    %mul3A_816 = arith.constant 9.999990e+05 : f32
    %mul3A_817 = vector.broadcast %mul3A_816 : f32 to vector<16xf32>
    %mul3A_818 = arith.mulf %min3A_815, %mul3A_817 : vector<16xf32>
    %convert_element_type3A_819 = arith.fptosi %mul3A_818 : vector<16xf32> to vector<16xi32>
    %convert_element_type3A_820 = arith.sitofp %convert_element_type3A_819 : vector<16xi32> to vector<16xf32>
    %sub3A_821 = arith.subf %mul3A_818, %convert_element_type3A_820 : vector<16xf32>
    %and3A_822 = arith.constant 127 : i32
    %and3A_823 = vector.broadcast %and3A_822 : i32 to vector<16xi32>
    %and3A_824 = arith.andi %convert_element_type3A_819, %and3A_823 : vector<16xi32>
    %swap3A_825 = arith.constant 352 : index
    %swap3A_826 = tpu.vector_load %arg6[%swap3A_825] {strides = array<i32>} : memref<512xf32, #tpu.memory_space<vmem>>, vector<16xf32>,
    tpu.vector_store %arg6[%swap3A_825], %sub3A_821 {strides = array<i32>} : memref<512xf32, #tpu.memory_space<vmem>>, vector<16xf32>,
    %swap3A_827 = arith.constant 352 : index
    %swap3A_828 = tpu.vector_load %arg7[%swap3A_827] {strides = array<i32>} : memref<512xi32, #tpu.memory_space<vmem>>, vector<16xi32>,
    tpu.vector_store %arg7[%swap3A_827], %and3A_824 {strides = array<i32>} : memref<512xi32, #tpu.memory_space<vmem>>, vector<16xi32>,
    %add3A_829 = arith.constant 1 : i32
    %add3A_830 = vector.broadcast %add3A_829 : i32 to vector<16xi32>
    %add3A_831 = arith.addi %and3A_824, %add3A_830 : vector<16xi32>
    %min3A_832 = arith.constant 127 : i32
    %min3A_833 = vector.broadcast %min3A_832 : i32 to vector<16xi32>
    %min3A_834 = arith.minsi %add3A_831, %min3A_833 : vector<16xi32>
    %swap3A_835 = arith.constant 352 : index
    %swap3A_836 = tpu.vector_load %arg8[%swap3A_835] {strides = array<i32>} : memref<512xi32, #tpu.memory_space<vmem>>, vector<16xi32>,
    tpu.vector_store %arg8[%swap3A_835], %min3A_834 {strides = array<i32>} : memref<512xi32, #tpu.memory_space<vmem>>, vector<16xi32>,
    %shift_right_arithmetic3A_837 = arith.constant 7 : i32
    %shift_right_arithmetic3A_838 = vector.broadcast %shift_right_arithmetic3A_837 : i32 to vector<16xi32>
    %shift_right_arithmetic3A_839 = arith.shrsi %convert_element_type3A_819, %shift_right_arithmetic3A_838 : vector<16xi32>
    %shift_left3A_840 = arith.constant 7 : i32
    %shift_left3A_841 = vector.broadcast %shift_left3A_840 : i32 to vector<16xi32>
    %shift_left3A_842 = arith.shli %shift_right_arithmetic3A_839, %shift_left3A_841 : vector<16xi32>
    %swap3A_843 = arith.constant 352 : index
    %swap3A_844 = tpu.vector_load %arg9[%swap3A_843] {strides = array<i32>} : memref<512xi32, #tpu.memory_space<vmem>>, vector<16xi32>,
    tpu.vector_store %arg9[%swap3A_843], %shift_left3A_842 {strides = array<i32>} : memref<512xi32, #tpu.memory_space<vmem>>, vector<16xi32>,
    %get3A_845 = arith.constant 368 : index
    %get3A_846 = tpu.vector_load %arg5[%get3A_845] {strides = array<i32>} : memref<512xf32, #tpu.memory_space<vmem>>, vector<16xf32>,
    %max3A_847 = arith.constant 0.000000e+00 : f32
    %max3A_848 = vector.broadcast %max3A_847 : f32 to vector<16xf32>
    %max3A_849 = arith.maximumf %get3A_846, %max3A_848 : vector<16xf32>
    %min3A_850 = arith.constant 1.000000e+00 : f32
    %min3A_851 = vector.broadcast %min3A_850 : f32 to vector<16xf32>
    %min3A_852 = arith.minimumf %max3A_849, %min3A_851 : vector<16xf32>
    %mul3A_853 = arith.constant 9.999990e+05 : f32
    %mul3A_854 = vector.broadcast %mul3A_853 : f32 to vector<16xf32>
    %mul3A_855 = arith.mulf %min3A_852, %mul3A_854 : vector<16xf32>
    %convert_element_type3A_856 = arith.fptosi %mul3A_855 : vector<16xf32> to vector<16xi32>
    %convert_element_type3A_857 = arith.sitofp %convert_element_type3A_856 : vector<16xi32> to vector<16xf32>
    %sub3A_858 = arith.subf %mul3A_855, %convert_element_type3A_857 : vector<16xf32>
    %and3A_859 = arith.constant 127 : i32
    %and3A_860 = vector.broadcast %and3A_859 : i32 to vector<16xi32>
    %and3A_861 = arith.andi %convert_element_type3A_856, %and3A_860 : vector<16xi32>
    %swap3A_862 = arith.constant 368 : index
    %swap3A_863 = tpu.vector_load %arg6[%swap3A_862] {strides = array<i32>} : memref<512xf32, #tpu.memory_space<vmem>>, vector<16xf32>,
    tpu.vector_store %arg6[%swap3A_862], %sub3A_858 {strides = array<i32>} : memref<512xf32, #tpu.memory_space<vmem>>, vector<16xf32>,
    %swap3A_864 = arith.constant 368 : index
    %swap3A_865 = tpu.vector_load %arg7[%swap3A_864] {strides = array<i32>} : memref<512xi32, #tpu.memory_space<vmem>>, vector<16xi32>,
    tpu.vector_store %arg7[%swap3A_864], %and3A_861 {strides = array<i32>} : memref<512xi32, #tpu.memory_space<vmem>>, vector<16xi32>,
    %add3A_866 = arith.constant 1 : i32
    %add3A_867 = vector.broadcast %add3A_866 : i32 to vector<16xi32>
    %add3A_868 = arith.addi %and3A_861, %add3A_867 : vector<16xi32>
    %min3A_869 = arith.constant 127 : i32
    %min3A_870 = vector.broadcast %min3A_869 : i32 to vector<16xi32>
    %min3A_871 = arith.minsi %add3A_868, %min3A_870 : vector<16xi32>
    %swap3A_872 = arith.constant 368 : index
    %swap3A_873 = tpu.vector_load %arg8[%swap3A_872] {strides = array<i32>} : memref<512xi32, #tpu.memory_space<vmem>>, vector<16xi32>,
    tpu.vector_store %arg8[%swap3A_872], %min3A_871 {strides = array<i32>} : memref<512xi32, #tpu.memory_space<vmem>>, vector<16xi32>,
    %shift_right_arithmetic3A_874 = arith.constant 7 : i32
    %shift_right_arithmetic3A_875 = vector.broadcast %shift_right_arithmetic3A_874 : i32 to vector<16xi32>
    %shift_right_arithmetic3A_876 = arith.shrsi %convert_element_type3A_856, %shift_right_arithmetic3A_875 : vector<16xi32>
    %shift_left3A_877 = arith.constant 7 : i32
    %shift_left3A_878 = vector.broadcast %shift_left3A_877 : i32 to vector<16xi32>
    %shift_left3A_879 = arith.shli %shift_right_arithmetic3A_876, %shift_left3A_878 : vector<16xi32>
    %swap3A_880 = arith.constant 368 : index
    %swap3A_881 = tpu.vector_load %arg9[%swap3A_880] {strides = array<i32>} : memref<512xi32, #tpu.memory_space<vmem>>, vector<16xi32>,
    tpu.vector_store %arg9[%swap3A_880], %shift_left3A_879 {strides = array<i32>} : memref<512xi32, #tpu.memory_space<vmem>>, vector<16xi32>,
    %get3A_882 = arith.constant 384 : index
    %get3A_883 = tpu.vector_load %arg5[%get3A_882] {strides = array<i32>} : memref<512xf32, #tpu.memory_space<vmem>>, vector<16xf32>,
    %max3A_884 = arith.constant 0.000000e+00 : f32
    %max3A_885 = vector.broadcast %max3A_884 : f32 to vector<16xf32>
    %max3A_886 = arith.maximumf %get3A_883, %max3A_885 : vector<16xf32>
    %min3A_887 = arith.constant 1.000000e+00 : f32
    %min3A_888 = vector.broadcast %min3A_887 : f32 to vector<16xf32>
    %min3A_889 = arith.minimumf %max3A_886, %min3A_888 : vector<16xf32>
    %mul3A_890 = arith.constant 9.999990e+05 : f32
    %mul3A_891 = vector.broadcast %mul3A_890 : f32 to vector<16xf32>
    %mul3A_892 = arith.mulf %min3A_889, %mul3A_891 : vector<16xf32>
    %convert_element_type3A_893 = arith.fptosi %mul3A_892 : vector<16xf32> to vector<16xi32>
    %convert_element_type3A_894 = arith.sitofp %convert_element_type3A_893 : vector<16xi32> to vector<16xf32>
    %sub3A_895 = arith.subf %mul3A_892, %convert_element_type3A_894 : vector<16xf32>
    %and3A_896 = arith.constant 127 : i32
    %and3A_897 = vector.broadcast %and3A_896 : i32 to vector<16xi32>
    %and3A_898 = arith.andi %convert_element_type3A_893, %and3A_897 : vector<16xi32>
    %swap3A_899 = arith.constant 384 : index
    %swap3A_900 = tpu.vector_load %arg6[%swap3A_899] {strides = array<i32>} : memref<512xf32, #tpu.memory_space<vmem>>, vector<16xf32>,
    tpu.vector_store %arg6[%swap3A_899], %sub3A_895 {strides = array<i32>} : memref<512xf32, #tpu.memory_space<vmem>>, vector<16xf32>,
    %swap3A_901 = arith.constant 384 : index
    %swap3A_902 = tpu.vector_load %arg7[%swap3A_901] {strides = array<i32>} : memref<512xi32, #tpu.memory_space<vmem>>, vector<16xi32>,
    tpu.vector_store %arg7[%swap3A_901], %and3A_898 {strides = array<i32>} : memref<512xi32, #tpu.memory_space<vmem>>, vector<16xi32>,
    %add3A_903 = arith.constant 1 : i32
    %add3A_904 = vector.broadcast %add3A_903 : i32 to vector<16xi32>
    %add3A_905 = arith.addi %and3A_898, %add3A_904 : vector<16xi32>
    %min3A_906 = arith.constant 127 : i32
    %min3A_907 = vector.broadcast %min3A_906 : i32 to vector<16xi32>
    %min3A_908 = arith.minsi %add3A_905, %min3A_907 : vector<16xi32>
    %swap3A_909 = arith.constant 384 : index
    %swap3A_910 = tpu.vector_load %arg8[%swap3A_909] {strides = array<i32>} : memref<512xi32, #tpu.memory_space<vmem>>, vector<16xi32>,
    tpu.vector_store %arg8[%swap3A_909], %min3A_908 {strides = array<i32>} : memref<512xi32, #tpu.memory_space<vmem>>, vector<16xi32>,
    %shift_right_arithmetic3A_911 = arith.constant 7 : i32
    %shift_right_arithmetic3A_912 = vector.broadcast %shift_right_arithmetic3A_911 : i32 to vector<16xi32>
    %shift_right_arithmetic3A_913 = arith.shrsi %convert_element_type3A_893, %shift_right_arithmetic3A_912 : vector<16xi32>
    %shift_left3A_914 = arith.constant 7 : i32
    %shift_left3A_915 = vector.broadcast %shift_left3A_914 : i32 to vector<16xi32>
    %shift_left3A_916 = arith.shli %shift_right_arithmetic3A_913, %shift_left3A_915 : vector<16xi32>
    %swap3A_917 = arith.constant 384 : index
    %swap3A_918 = tpu.vector_load %arg9[%swap3A_917] {strides = array<i32>} : memref<512xi32, #tpu.memory_space<vmem>>, vector<16xi32>,
    tpu.vector_store %arg9[%swap3A_917], %shift_left3A_916 {strides = array<i32>} : memref<512xi32, #tpu.memory_space<vmem>>, vector<16xi32>,
    %get3A_919 = arith.constant 400 : index
    %get3A_920 = tpu.vector_load %arg5[%get3A_919] {strides = array<i32>} : memref<512xf32, #tpu.memory_space<vmem>>, vector<16xf32>,
    %max3A_921 = arith.constant 0.000000e+00 : f32
    %max3A_922 = vector.broadcast %max3A_921 : f32 to vector<16xf32>
    %max3A_923 = arith.maximumf %get3A_920, %max3A_922 : vector<16xf32>
    %min3A_924 = arith.constant 1.000000e+00 : f32
    %min3A_925 = vector.broadcast %min3A_924 : f32 to vector<16xf32>
    %min3A_926 = arith.minimumf %max3A_923, %min3A_925 : vector<16xf32>
    %mul3A_927 = arith.constant 9.999990e+05 : f32
    %mul3A_928 = vector.broadcast %mul3A_927 : f32 to vector<16xf32>
    %mul3A_929 = arith.mulf %min3A_926, %mul3A_928 : vector<16xf32>
    %convert_element_type3A_930 = arith.fptosi %mul3A_929 : vector<16xf32> to vector<16xi32>
    %convert_element_type3A_931 = arith.sitofp %convert_element_type3A_930 : vector<16xi32> to vector<16xf32>
    %sub3A_932 = arith.subf %mul3A_929, %convert_element_type3A_931 : vector<16xf32>
    %and3A_933 = arith.constant 127 : i32
    %and3A_934 = vector.broadcast %and3A_933 : i32 to vector<16xi32>
    %and3A_935 = arith.andi %convert_element_type3A_930, %and3A_934 : vector<16xi32>
    %swap3A_936 = arith.constant 400 : index
    %swap3A_937 = tpu.vector_load %arg6[%swap3A_936] {strides = array<i32>} : memref<512xf32, #tpu.memory_space<vmem>>, vector<16xf32>,
    tpu.vector_store %arg6[%swap3A_936], %sub3A_932 {strides = array<i32>} : memref<512xf32, #tpu.memory_space<vmem>>, vector<16xf32>,
    %swap3A_938 = arith.constant 400 : index
    %swap3A_939 = tpu.vector_load %arg7[%swap3A_938] {strides = array<i32>} : memref<512xi32, #tpu.memory_space<vmem>>, vector<16xi32>,
    tpu.vector_store %arg7[%swap3A_938], %and3A_935 {strides = array<i32>} : memref<512xi32, #tpu.memory_space<vmem>>, vector<16xi32>,
    %add3A_940 = arith.constant 1 : i32
    %add3A_941 = vector.broadcast %add3A_940 : i32 to vector<16xi32>
    %add3A_942 = arith.addi %and3A_935, %add3A_941 : vector<16xi32>
    %min3A_943 = arith.constant 127 : i32
    %min3A_944 = vector.broadcast %min3A_943 : i32 to vector<16xi32>
    %min3A_945 = arith.minsi %add3A_942, %min3A_944 : vector<16xi32>
    %swap3A_946 = arith.constant 400 : index
    %swap3A_947 = tpu.vector_load %arg8[%swap3A_946] {strides = array<i32>} : memref<512xi32, #tpu.memory_space<vmem>>, vector<16xi32>,
    tpu.vector_store %arg8[%swap3A_946], %min3A_945 {strides = array<i32>} : memref<512xi32, #tpu.memory_space<vmem>>, vector<16xi32>,
    %shift_right_arithmetic3A_948 = arith.constant 7 : i32
    %shift_right_arithmetic3A_949 = vector.broadcast %shift_right_arithmetic3A_948 : i32 to vector<16xi32>
    %shift_right_arithmetic3A_950 = arith.shrsi %convert_element_type3A_930, %shift_right_arithmetic3A_949 : vector<16xi32>
    %shift_left3A_951 = arith.constant 7 : i32
    %shift_left3A_952 = vector.broadcast %shift_left3A_951 : i32 to vector<16xi32>
    %shift_left3A_953 = arith.shli %shift_right_arithmetic3A_950, %shift_left3A_952 : vector<16xi32>
    %swap3A_954 = arith.constant 400 : index
    %swap3A_955 = tpu.vector_load %arg9[%swap3A_954] {strides = array<i32>} : memref<512xi32, #tpu.memory_space<vmem>>, vector<16xi32>,
    tpu.vector_store %arg9[%swap3A_954], %shift_left3A_953 {strides = array<i32>} : memref<512xi32, #tpu.memory_space<vmem>>, vector<16xi32>,
    %get3A_956 = arith.constant 416 : index
    %get3A_957 = tpu.vector_load %arg5[%get3A_956] {strides = array<i32>} : memref<512xf32, #tpu.memory_space<vmem>>, vector<16xf32>,
    %max3A_958 = arith.constant 0.000000e+00 : f32
    %max3A_959 = vector.broadcast %max3A_958 : f32 to vector<16xf32>
    %max3A_960 = arith.maximumf %get3A_957, %max3A_959 : vector<16xf32>
    %min3A_961 = arith.constant 1.000000e+00 : f32
    %min3A_962 = vector.broadcast %min3A_961 : f32 to vector<16xf32>
    %min3A_963 = arith.minimumf %max3A_960, %min3A_962 : vector<16xf32>
    %mul3A_964 = arith.constant 9.999990e+05 : f32
    %mul3A_965 = vector.broadcast %mul3A_964 : f32 to vector<16xf32>
    %mul3A_966 = arith.mulf %min3A_963, %mul3A_965 : vector<16xf32>
    %convert_element_type3A_967 = arith.fptosi %mul3A_966 : vector<16xf32> to vector<16xi32>
    %convert_element_type3A_968 = arith.sitofp %convert_element_type3A_967 : vector<16xi32> to vector<16xf32>
    %sub3A_969 = arith.subf %mul3A_966, %convert_element_type3A_968 : vector<16xf32>
    %and3A_970 = arith.constant 127 : i32
    %and3A_971 = vector.broadcast %and3A_970 : i32 to vector<16xi32>
    %and3A_972 = arith.andi %convert_element_type3A_967, %and3A_971 : vector<16xi32>
    %swap3A_973 = arith.constant 416 : index
    %swap3A_974 = tpu.vector_load %arg6[%swap3A_973] {strides = array<i32>} : memref<512xf32, #tpu.memory_space<vmem>>, vector<16xf32>,
    tpu.vector_store %arg6[%swap3A_973], %sub3A_969 {strides = array<i32>} : memref<512xf32, #tpu.memory_space<vmem>>, vector<16xf32>,
    %swap3A_975 = arith.constant 416 : index
    %swap3A_976 = tpu.vector_load %arg7[%swap3A_975] {strides = array<i32>} : memref<512xi32, #tpu.memory_space<vmem>>, vector<16xi32>,
    tpu.vector_store %arg7[%swap3A_975], %and3A_972 {strides = array<i32>} : memref<512xi32, #tpu.memory_space<vmem>>, vector<16xi32>,
    %add3A_977 = arith.constant 1 : i32
    %add3A_978 = vector.broadcast %add3A_977 : i32 to vector<16xi32>
    %add3A_979 = arith.addi %and3A_972, %add3A_978 : vector<16xi32>
    %min3A_980 = arith.constant 127 : i32
    %min3A_981 = vector.broadcast %min3A_980 : i32 to vector<16xi32>
    %min3A_982 = arith.minsi %add3A_979, %min3A_981 : vector<16xi32>
    %swap3A_983 = arith.constant 416 : index
    %swap3A_984 = tpu.vector_load %arg8[%swap3A_983] {strides = array<i32>} : memref<512xi32, #tpu.memory_space<vmem>>, vector<16xi32>,
    tpu.vector_store %arg8[%swap3A_983], %min3A_982 {strides = array<i32>} : memref<512xi32, #tpu.memory_space<vmem>>, vector<16xi32>,
    %shift_right_arithmetic3A_985 = arith.constant 7 : i32
    %shift_right_arithmetic3A_986 = vector.broadcast %shift_right_arithmetic3A_985 : i32 to vector<16xi32>
    %shift_right_arithmetic3A_987 = arith.shrsi %convert_element_type3A_967, %shift_right_arithmetic3A_986 : vector<16xi32>
    %shift_left3A_988 = arith.constant 7 : i32
    %shift_left3A_989 = vector.broadcast %shift_left3A_988 : i32 to vector<16xi32>
    %shift_left3A_990 = arith.shli %shift_right_arithmetic3A_987, %shift_left3A_989 : vector<16xi32>
    %swap3A_991 = arith.constant 416 : index
    %swap3A_992 = tpu.vector_load %arg9[%swap3A_991] {strides = array<i32>} : memref<512xi32, #tpu.memory_space<vmem>>, vector<16xi32>,
    tpu.vector_store %arg9[%swap3A_991], %shift_left3A_990 {strides = array<i32>} : memref<512xi32, #tpu.memory_space<vmem>>, vector<16xi32>,
    %get3A_993 = arith.constant 432 : index
    %get3A_994 = tpu.vector_load %arg5[%get3A_993] {strides = array<i32>} : memref<512xf32, #tpu.memory_space<vmem>>, vector<16xf32>,
    %max3A_995 = arith.constant 0.000000e+00 : f32
    %max3A_996 = vector.broadcast %max3A_995 : f32 to vector<16xf32>
    %max3A_997 = arith.maximumf %get3A_994, %max3A_996 : vector<16xf32>
    %min3A_998 = arith.constant 1.000000e+00 : f32
    %min3A_999 = vector.broadcast %min3A_998 : f32 to vector<16xf32>
    %min3A_1000 = arith.minimumf %max3A_997, %min3A_999 : vector<16xf32>
    %mul3A_1001 = arith.constant 9.999990e+05 : f32
    %mul3A_1002 = vector.broadcast %mul3A_1001 : f32 to vector<16xf32>
    %mul3A_1003 = arith.mulf %min3A_1000, %mul3A_1002 : vector<16xf32>
    %convert_element_type3A_1004 = arith.fptosi %mul3A_1003 : vector<16xf32> to vector<16xi32>
    %convert_element_type3A_1005 = arith.sitofp %convert_element_type3A_1004 : vector<16xi32> to vector<16xf32>
    %sub3A_1006 = arith.subf %mul3A_1003, %convert_element_type3A_1005 : vector<16xf32>
    %and3A_1007 = arith.constant 127 : i32
    %and3A_1008 = vector.broadcast %and3A_1007 : i32 to vector<16xi32>
    %and3A_1009 = arith.andi %convert_element_type3A_1004, %and3A_1008 : vector<16xi32>
    %swap3A_1010 = arith.constant 432 : index
    %swap3A_1011 = tpu.vector_load %arg6[%swap3A_1010] {strides = array<i32>} : memref<512xf32, #tpu.memory_space<vmem>>, vector<16xf32>,
    tpu.vector_store %arg6[%swap3A_1010], %sub3A_1006 {strides = array<i32>} : memref<512xf32, #tpu.memory_space<vmem>>, vector<16xf32>,
    %swap3A_1012 = arith.constant 432 : index
    %swap3A_1013 = tpu.vector_load %arg7[%swap3A_1012] {strides = array<i32>} : memref<512xi32, #tpu.memory_space<vmem>>, vector<16xi32>,
    tpu.vector_store %arg7[%swap3A_1012], %and3A_1009 {strides = array<i32>} : memref<512xi32, #tpu.memory_space<vmem>>, vector<16xi32>,
    %add3A_1014 = arith.constant 1 : i32
    %add3A_1015 = vector.broadcast %add3A_1014 : i32 to vector<16xi32>
    %add3A_1016 = arith.addi %and3A_1009, %add3A_1015 : vector<16xi32>
    %min3A_1017 = arith.constant 127 : i32
    %min3A_1018 = vector.broadcast %min3A_1017 : i32 to vector<16xi32>
    %min3A_1019 = arith.minsi %add3A_1016, %min3A_1018 : vector<16xi32>
    %swap3A_1020 = arith.constant 432 : index
    %swap3A_1021 = tpu.vector_load %arg8[%swap3A_1020] {strides = array<i32>} : memref<512xi32, #tpu.memory_space<vmem>>, vector<16xi32>,
    tpu.vector_store %arg8[%swap3A_1020], %min3A_1019 {strides = array<i32>} : memref<512xi32, #tpu.memory_space<vmem>>, vector<16xi32>,
    %shift_right_arithmetic3A_1022 = arith.constant 7 : i32
    %shift_right_arithmetic3A_1023 = vector.broadcast %shift_right_arithmetic3A_1022 : i32 to vector<16xi32>
    %shift_right_arithmetic3A_1024 = arith.shrsi %convert_element_type3A_1004, %shift_right_arithmetic3A_1023 : vector<16xi32>
    %shift_left3A_1025 = arith.constant 7 : i32
    %shift_left3A_1026 = vector.broadcast %shift_left3A_1025 : i32 to vector<16xi32>
    %shift_left3A_1027 = arith.shli %shift_right_arithmetic3A_1024, %shift_left3A_1026 : vector<16xi32>
    %swap3A_1028 = arith.constant 432 : index
    %swap3A_1029 = tpu.vector_load %arg9[%swap3A_1028] {strides = array<i32>} : memref<512xi32, #tpu.memory_space<vmem>>, vector<16xi32>,
    tpu.vector_store %arg9[%swap3A_1028], %shift_left3A_1027 {strides = array<i32>} : memref<512xi32, #tpu.memory_space<vmem>>, vector<16xi32>,
    %get3A_1030 = arith.constant 448 : index
    %get3A_1031 = tpu.vector_load %arg5[%get3A_1030] {strides = array<i32>} : memref<512xf32, #tpu.memory_space<vmem>>, vector<16xf32>,
    %max3A_1032 = arith.constant 0.000000e+00 : f32
    %max3A_1033 = vector.broadcast %max3A_1032 : f32 to vector<16xf32>
    %max3A_1034 = arith.maximumf %get3A_1031, %max3A_1033 : vector<16xf32>
    %min3A_1035 = arith.constant 1.000000e+00 : f32
    %min3A_1036 = vector.broadcast %min3A_1035 : f32 to vector<16xf32>
    %min3A_1037 = arith.minimumf %max3A_1034, %min3A_1036 : vector<16xf32>
    %mul3A_1038 = arith.constant 9.999990e+05 : f32
    %mul3A_1039 = vector.broadcast %mul3A_1038 : f32 to vector<16xf32>
    %mul3A_1040 = arith.mulf %min3A_1037, %mul3A_1039 : vector<16xf32>
    %convert_element_type3A_1041 = arith.fptosi %mul3A_1040 : vector<16xf32> to vector<16xi32>
    %convert_element_type3A_1042 = arith.sitofp %convert_element_type3A_1041 : vector<16xi32> to vector<16xf32>
    %sub3A_1043 = arith.subf %mul3A_1040, %convert_element_type3A_1042 : vector<16xf32>
    %and3A_1044 = arith.constant 127 : i32
    %and3A_1045 = vector.broadcast %and3A_1044 : i32 to vector<16xi32>
    %and3A_1046 = arith.andi %convert_element_type3A_1041, %and3A_1045 : vector<16xi32>
    %swap3A_1047 = arith.constant 448 : index
    %swap3A_1048 = tpu.vector_load %arg6[%swap3A_1047] {strides = array<i32>} : memref<512xf32, #tpu.memory_space<vmem>>, vector<16xf32>,
    tpu.vector_store %arg6[%swap3A_1047], %sub3A_1043 {strides = array<i32>} : memref<512xf32, #tpu.memory_space<vmem>>, vector<16xf32>,
    %swap3A_1049 = arith.constant 448 : index
    %swap3A_1050 = tpu.vector_load %arg7[%swap3A_1049] {strides = array<i32>} : memref<512xi32, #tpu.memory_space<vmem>>, vector<16xi32>,
    tpu.vector_store %arg7[%swap3A_1049], %and3A_1046 {strides = array<i32>} : memref<512xi32, #tpu.memory_space<vmem>>, vector<16xi32>,
    %add3A_1051 = arith.constant 1 : i32
    %add3A_1052 = vector.broadcast %add3A_1051 : i32 to vector<16xi32>
    %add3A_1053 = arith.addi %and3A_1046, %add3A_1052 : vector<16xi32>
    %min3A_1054 = arith.constant 127 : i32
    %min3A_1055 = vector.broadcast %min3A_1054 : i32 to vector<16xi32>
    %min3A_1056 = arith.minsi %add3A_1053, %min3A_1055 : vector<16xi32>
    %swap3A_1057 = arith.constant 448 : index
    %swap3A_1058 = tpu.vector_load %arg8[%swap3A_1057] {strides = array<i32>} : memref<512xi32, #tpu.memory_space<vmem>>, vector<16xi32>,
    tpu.vector_store %arg8[%swap3A_1057], %min3A_1056 {strides = array<i32>} : memref<512xi32, #tpu.memory_space<vmem>>, vector<16xi32>,
    %shift_right_arithmetic3A_1059 = arith.constant 7 : i32
    %shift_right_arithmetic3A_1060 = vector.broadcast %shift_right_arithmetic3A_1059 : i32 to vector<16xi32>
    %shift_right_arithmetic3A_1061 = arith.shrsi %convert_element_type3A_1041, %shift_right_arithmetic3A_1060 : vector<16xi32>
    %shift_left3A_1062 = arith.constant 7 : i32
    %shift_left3A_1063 = vector.broadcast %shift_left3A_1062 : i32 to vector<16xi32>
    %shift_left3A_1064 = arith.shli %shift_right_arithmetic3A_1061, %shift_left3A_1063 : vector<16xi32>
    %swap3A_1065 = arith.constant 448 : index
    %swap3A_1066 = tpu.vector_load %arg9[%swap3A_1065] {strides = array<i32>} : memref<512xi32, #tpu.memory_space<vmem>>, vector<16xi32>,
    tpu.vector_store %arg9[%swap3A_1065], %shift_left3A_1064 {strides = array<i32>} : memref<512xi32, #tpu.memory_space<vmem>>, vector<16xi32>,
    %get3A_1067 = arith.constant 464 : index
    %get3A_1068 = tpu.vector_load %arg5[%get3A_1067] {strides = array<i32>} : memref<512xf32, #tpu.memory_space<vmem>>, vector<16xf32>,
    %max3A_1069 = arith.constant 0.000000e+00 : f32
    %max3A_1070 = vector.broadcast %max3A_1069 : f32 to vector<16xf32>
    %max3A_1071 = arith.maximumf %get3A_1068, %max3A_1070 : vector<16xf32>
    %min3A_1072 = arith.constant 1.000000e+00 : f32
    %min3A_1073 = vector.broadcast %min3A_1072 : f32 to vector<16xf32>
    %min3A_1074 = arith.minimumf %max3A_1071, %min3A_1073 : vector<16xf32>
    %mul3A_1075 = arith.constant 9.999990e+05 : f32
    %mul3A_1076 = vector.broadcast %mul3A_1075 : f32 to vector<16xf32>
    %mul3A_1077 = arith.mulf %min3A_1074, %mul3A_1076 : vector<16xf32>
    %convert_element_type3A_1078 = arith.fptosi %mul3A_1077 : vector<16xf32> to vector<16xi32>
    %convert_element_type3A_1079 = arith.sitofp %convert_element_type3A_1078 : vector<16xi32> to vector<16xf32>
    %sub3A_1080 = arith.subf %mul3A_1077, %convert_element_type3A_1079 : vector<16xf32>
    %and3A_1081 = arith.constant 127 : i32
    %and3A_1082 = vector.broadcast %and3A_1081 : i32 to vector<16xi32>
    %and3A_1083 = arith.andi %convert_element_type3A_1078, %and3A_1082 : vector<16xi32>
    %swap3A_1084 = arith.constant 464 : index
    %swap3A_1085 = tpu.vector_load %arg6[%swap3A_1084] {strides = array<i32>} : memref<512xf32, #tpu.memory_space<vmem>>, vector<16xf32>,
    tpu.vector_store %arg6[%swap3A_1084], %sub3A_1080 {strides = array<i32>} : memref<512xf32, #tpu.memory_space<vmem>>, vector<16xf32>,
    %swap3A_1086 = arith.constant 464 : index
    %swap3A_1087 = tpu.vector_load %arg7[%swap3A_1086] {strides = array<i32>} : memref<512xi32, #tpu.memory_space<vmem>>, vector<16xi32>,
    tpu.vector_store %arg7[%swap3A_1086], %and3A_1083 {strides = array<i32>} : memref<512xi32, #tpu.memory_space<vmem>>, vector<16xi32>,
    %add3A_1088 = arith.constant 1 : i32
    %add3A_1089 = vector.broadcast %add3A_1088 : i32 to vector<16xi32>
    %add3A_1090 = arith.addi %and3A_1083, %add3A_1089 : vector<16xi32>
    %min3A_1091 = arith.constant 127 : i32
    %min3A_1092 = vector.broadcast %min3A_1091 : i32 to vector<16xi32>
    %min3A_1093 = arith.minsi %add3A_1090, %min3A_1092 : vector<16xi32>
    %swap3A_1094 = arith.constant 464 : index
    %swap3A_1095 = tpu.vector_load %arg8[%swap3A_1094] {strides = array<i32>} : memref<512xi32, #tpu.memory_space<vmem>>, vector<16xi32>,
    tpu.vector_store %arg8[%swap3A_1094], %min3A_1093 {strides = array<i32>} : memref<512xi32, #tpu.memory_space<vmem>>, vector<16xi32>,
    %shift_right_arithmetic3A_1096 = arith.constant 7 : i32
    %shift_right_arithmetic3A_1097 = vector.broadcast %shift_right_arithmetic3A_1096 : i32 to vector<16xi32>
    %shift_right_arithmetic3A_1098 = arith.shrsi %convert_element_type3A_1078, %shift_right_arithmetic3A_1097 : vector<16xi32>
    %shift_left3A_1099 = arith.constant 7 : i32
    %shift_left3A_1100 = vector.broadcast %shift_left3A_1099 : i32 to vector<16xi32>
    %shift_left3A_1101 = arith.shli %shift_right_arithmetic3A_1098, %shift_left3A_1100 : vector<16xi32>
    %swap3A_1102 = arith.constant 464 : index
    %swap3A_1103 = tpu.vector_load %arg9[%swap3A_1102] {strides = array<i32>} : memref<512xi32, #tpu.memory_space<vmem>>, vector<16xi32>,
    tpu.vector_store %arg9[%swap3A_1102], %shift_left3A_1101 {strides = array<i32>} : memref<512xi32, #tpu.memory_space<vmem>>, vector<16xi32>,
    %get3A_1104 = arith.constant 480 : index
    %get3A_1105 = tpu.vector_load %arg5[%get3A_1104] {strides = array<i32>} : memref<512xf32, #tpu.memory_space<vmem>>, vector<16xf32>,
    %max3A_1106 = arith.constant 0.000000e+00 : f32
    %max3A_1107 = vector.broadcast %max3A_1106 : f32 to vector<16xf32>
    %max3A_1108 = arith.maximumf %get3A_1105, %max3A_1107 : vector<16xf32>
    %min3A_1109 = arith.constant 1.000000e+00 : f32
    %min3A_1110 = vector.broadcast %min3A_1109 : f32 to vector<16xf32>
    %min3A_1111 = arith.minimumf %max3A_1108, %min3A_1110 : vector<16xf32>
    %mul3A_1112 = arith.constant 9.999990e+05 : f32
    %mul3A_1113 = vector.broadcast %mul3A_1112 : f32 to vector<16xf32>
    %mul3A_1114 = arith.mulf %min3A_1111, %mul3A_1113 : vector<16xf32>
    %convert_element_type3A_1115 = arith.fptosi %mul3A_1114 : vector<16xf32> to vector<16xi32>
    %convert_element_type3A_1116 = arith.sitofp %convert_element_type3A_1115 : vector<16xi32> to vector<16xf32>
    %sub3A_1117 = arith.subf %mul3A_1114, %convert_element_type3A_1116 : vector<16xf32>
    %and3A_1118 = arith.constant 127 : i32
    %and3A_1119 = vector.broadcast %and3A_1118 : i32 to vector<16xi32>
    %and3A_1120 = arith.andi %convert_element_type3A_1115, %and3A_1119 : vector<16xi32>
    %swap3A_1121 = arith.constant 480 : index
    %swap3A_1122 = tpu.vector_load %arg6[%swap3A_1121] {strides = array<i32>} : memref<512xf32, #tpu.memory_space<vmem>>, vector<16xf32>,
    tpu.vector_store %arg6[%swap3A_1121], %sub3A_1117 {strides = array<i32>} : memref<512xf32, #tpu.memory_space<vmem>>, vector<16xf32>,
    %swap3A_1123 = arith.constant 480 : index
    %swap3A_1124 = tpu.vector_load %arg7[%swap3A_1123] {strides = array<i32>} : memref<512xi32, #tpu.memory_space<vmem>>, vector<16xi32>,
    tpu.vector_store %arg7[%swap3A_1123], %and3A_1120 {strides = array<i32>} : memref<512xi32, #tpu.memory_space<vmem>>, vector<16xi32>,
    %add3A_1125 = arith.constant 1 : i32
    %add3A_1126 = vector.broadcast %add3A_1125 : i32 to vector<16xi32>
    %add3A_1127 = arith.addi %and3A_1120, %add3A_1126 : vector<16xi32>
    %min3A_1128 = arith.constant 127 : i32
    %min3A_1129 = vector.broadcast %min3A_1128 : i32 to vector<16xi32>
    %min3A_1130 = arith.minsi %add3A_1127, %min3A_1129 : vector<16xi32>
    %swap3A_1131 = arith.constant 480 : index
    %swap3A_1132 = tpu.vector_load %arg8[%swap3A_1131] {strides = array<i32>} : memref<512xi32, #tpu.memory_space<vmem>>, vector<16xi32>,
    tpu.vector_store %arg8[%swap3A_1131], %min3A_1130 {strides = array<i32>} : memref<512xi32, #tpu.memory_space<vmem>>, vector<16xi32>,
    %shift_right_arithmetic3A_1133 = arith.constant 7 : i32
    %shift_right_arithmetic3A_1134 = vector.broadcast %shift_right_arithmetic3A_1133 : i32 to vector<16xi32>
    %shift_right_arithmetic3A_1135 = arith.shrsi %convert_element_type3A_1115, %shift_right_arithmetic3A_1134 : vector<16xi32>
    %shift_left3A_1136 = arith.constant 7 : i32
    %shift_left3A_1137 = vector.broadcast %shift_left3A_1136 : i32 to vector<16xi32>
    %shift_left3A_1138 = arith.shli %shift_right_arithmetic3A_1135, %shift_left3A_1137 : vector<16xi32>
    %swap3A_1139 = arith.constant 480 : index
    %swap3A_1140 = tpu.vector_load %arg9[%swap3A_1139] {strides = array<i32>} : memref<512xi32, #tpu.memory_space<vmem>>, vector<16xi32>,
    tpu.vector_store %arg9[%swap3A_1139], %shift_left3A_1138 {strides = array<i32>} : memref<512xi32, #tpu.memory_space<vmem>>, vector<16xi32>,
    %get3A_1141 = arith.constant 496 : index
    %get3A_1142 = tpu.vector_load %arg5[%get3A_1141] {strides = array<i32>} : memref<512xf32, #tpu.memory_space<vmem>>, vector<16xf32>,
    %max3A_1143 = arith.constant 0.000000e+00 : f32
    %max3A_1144 = vector.broadcast %max3A_1143 : f32 to vector<16xf32>
    %max3A_1145 = arith.maximumf %get3A_1142, %max3A_1144 : vector<16xf32>
    %min3A_1146 = arith.constant 1.000000e+00 : f32
    %min3A_1147 = vector.broadcast %min3A_1146 : f32 to vector<16xf32>
    %min3A_1148 = arith.minimumf %max3A_1145, %min3A_1147 : vector<16xf32>
    %mul3A_1149 = arith.constant 9.999990e+05 : f32
    %mul3A_1150 = vector.broadcast %mul3A_1149 : f32 to vector<16xf32>
    %mul3A_1151 = arith.mulf %min3A_1148, %mul3A_1150 : vector<16xf32>
    %convert_element_type3A_1152 = arith.fptosi %mul3A_1151 : vector<16xf32> to vector<16xi32>
    %convert_element_type3A_1153 = arith.sitofp %convert_element_type3A_1152 : vector<16xi32> to vector<16xf32>
    %sub3A_1154 = arith.subf %mul3A_1151, %convert_element_type3A_1153 : vector<16xf32>
    %and3A_1155 = arith.constant 127 : i32
    %and3A_1156 = vector.broadcast %and3A_1155 : i32 to vector<16xi32>
    %and3A_1157 = arith.andi %convert_element_type3A_1152, %and3A_1156 : vector<16xi32>
    %swap3A_1158 = arith.constant 496 : index
    %swap3A_1159 = tpu.vector_load %arg6[%swap3A_1158] {strides = array<i32>} : memref<512xf32, #tpu.memory_space<vmem>>, vector<16xf32>,
    tpu.vector_store %arg6[%swap3A_1158], %sub3A_1154 {strides = array<i32>} : memref<512xf32, #tpu.memory_space<vmem>>, vector<16xf32>,
    %swap3A_1160 = arith.constant 496 : index
    %swap3A_1161 = tpu.vector_load %arg7[%swap3A_1160] {strides = array<i32>} : memref<512xi32, #tpu.memory_space<vmem>>, vector<16xi32>,
    tpu.vector_store %arg7[%swap3A_1160], %and3A_1157 {strides = array<i32>} : memref<512xi32, #tpu.memory_space<vmem>>, vector<16xi32>,
    %add3A_1162 = arith.constant 1 : i32
    %add3A_1163 = vector.broadcast %add3A_1162 : i32 to vector<16xi32>
    %add3A_1164 = arith.addi %and3A_1157, %add3A_1163 : vector<16xi32>
    %min3A_1165 = arith.constant 127 : i32
    %min3A_1166 = vector.broadcast %min3A_1165 : i32 to vector<16xi32>
    %min3A_1167 = arith.minsi %add3A_1164, %min3A_1166 : vector<16xi32>
    %swap3A_1168 = arith.constant 496 : index
    %swap3A_1169 = tpu.vector_load %arg8[%swap3A_1168] {strides = array<i32>} : memref<512xi32, #tpu.memory_space<vmem>>, vector<16xi32>,
    tpu.vector_store %arg8[%swap3A_1168], %min3A_1167 {strides = array<i32>} : memref<512xi32, #tpu.memory_space<vmem>>, vector<16xi32>,
    %shift_right_arithmetic3A_1170 = arith.constant 7 : i32
    %shift_right_arithmetic3A_1171 = vector.broadcast %shift_right_arithmetic3A_1170 : i32 to vector<16xi32>
    %shift_right_arithmetic3A_1172 = arith.shrsi %convert_element_type3A_1152, %shift_right_arithmetic3A_1171 : vector<16xi32>
    %shift_left3A_1173 = arith.constant 7 : i32
    %shift_left3A_1174 = vector.broadcast %shift_left3A_1173 : i32 to vector<16xi32>
    %shift_left3A_1175 = arith.shli %shift_right_arithmetic3A_1172, %shift_left3A_1174 : vector<16xi32>
    %swap3A_1176 = arith.constant 496 : index
    %swap3A_1177 = tpu.vector_load %arg9[%swap3A_1176] {strides = array<i32>} : memref<512xi32, #tpu.memory_space<vmem>>, vector<16xi32>,
    tpu.vector_store %arg9[%swap3A_1176], %shift_left3A_1175 {strides = array<i32>} : memref<512xi32, #tpu.memory_space<vmem>>, vector<16xi32>,
    %iota3A = tpu.iota {dimensions = array<i32: 0>} : vector<16xi32>
    %shift_right_arithmetic3A_1178 = arith.constant 2 : i32
    %shift_right_arithmetic3A_1179 = vector.broadcast %shift_right_arithmetic3A_1178 : i32 to vector<16xi32>
    %shift_right_arithmetic3A_1180 = arith.shrsi %iota3A, %shift_right_arithmetic3A_1179 : vector<16xi32>
    %and3A_1181 = arith.constant 3 : i32
    %and3A_1182 = vector.broadcast %and3A_1181 : i32 to vector<16xi32>
    %and3A_1183 = arith.andi %iota3A, %and3A_1182 : vector<16xi32>
    %broadcast_in_dim3A = arith.constant 0 : i32
    %broadcast_in_dim3A_1184 = vector.broadcast %broadcast_in_dim3A : i32 to vector<16xi32>
    %add3A_1185 = arith.constant 0 : i32
    %add3A_1186 = vector.broadcast %add3A_1185 : i32 to vector<16xi32>
    %add3A_1187 = arith.addi %add3A_1186, %shift_right_arithmetic3A_1180 : vector<16xi32>
    %gather3A = tpu.vector_load_idx %arg9[%add3A_1187] : memref<512xi32, #tpu.memory_space<vmem>>[vector<16xi32>], vector<16xi32>,
    %slice3A = vector.extract_strided_slice %gather3A {offsets = [0], sizes = [1], strides = [1]} : vector<16xi32> to vector<1xi32>
    %squeeze3A = vector.extract %slice3A[0] : i32 from vector<1xi32>
    %multiple_of3A = tpu.assume_multiple %squeeze3A, 128 : i32
    %dma_start3A = arith.constant 0 : i32
    %dma_start3A_1188 = arith.constant 0 : i32
    %dma_start3A_1189 = arith.constant 0 : i32
    %dma_start3A_1190 = arith.constant 0 : i32
    %dma_start3A_1191 = tpu.memref_slice %arg10[%dma_start3A, %dma_start3A_1188, %dma_start3A_1189, %dma_start3A_1190] : memref<3x4x64x128xf32, #tpu.memory_space<vmem>> -> memref<1x1x64x128xf32, #tpu.memory_space<vmem>>
    %dma_start3A_1192 = tpu.memref_squeeze %dma_start3A_1191 : memref<1x1x64x128xf32, #tpu.memory_space<vmem>> -> memref<64x128xf32, #tpu.memory_space<vmem>>
    %dma_start3A_1193 = arith.constant 0 : i32
    %dma_start3A_1194 = tpu.memref_slice %arg2[%dma_start3A_1193, %multiple_of3A] : memref<64x1000000xf32, #tpu.memory_space<hbm>> -> memref<64x128xf32, #tpu.memory_space<hbm>>
    %dma_start3A_1195 = arith.constant 0 : i32
    %dma_start3A_1196 = arith.constant 0 : i32
    %dma_start3A_1197 = tpu.memref_slice %arg10[%dma_start3A, %dma_start3A_1188, %dma_start3A_1195, %dma_start3A_1196] : memref<3x4x64x128xf32, #tpu.memory_space<vmem>> -> memref<1x1x64x128xf32, #tpu.memory_space<vmem>>
    %dma_start3A_1198 = tpu.memref_squeeze %dma_start3A_1197 : memref<1x1x64x128xf32, #tpu.memory_space<vmem>> -> memref<64x128xf32, #tpu.memory_space<vmem>>
    %dma_start3A_1199 = arith.constant 0 : i32
    %dma_start3A_1200 = tpu.memref_slice %arg2[%dma_start3A_1199, %multiple_of3A] : memref<64x1000000xf32, #tpu.memory_space<hbm>> -> memref<64x128xf32, #tpu.memory_space<hbm>>
    tpu.enqueue_dma source(%dma_start3A_1200 : memref<64x128xf32, #tpu.memory_space<hbm>>) target(%dma_start3A_1198 : memref<64x128xf32, #tpu.memory_space<vmem>>) target_semaphore(%arg13 : memref<!tpu.dma_semaphore, #tpu.memory_space<semaphore_mem>>)
    %slice3A_1201 = vector.extract_strided_slice %gather3A {offsets = [4], sizes = [1], strides = [1]} : vector<16xi32> to vector<1xi32>
    %squeeze3A_1202 = vector.extract %slice3A_1201[0] : i32 from vector<1xi32>
    %multiple_of3A_1203 = tpu.assume_multiple %squeeze3A_1202, 128 : i32
    %dma_start3A_1204 = arith.constant 0 : i32
    %dma_start3A_1205 = arith.constant 1 : i32
    %dma_start3A_1206 = arith.constant 0 : i32
    %dma_start3A_1207 = arith.constant 0 : i32
    %dma_start3A_1208 = tpu.memref_slice %arg10[%dma_start3A_1204, %dma_start3A_1205, %dma_start3A_1206, %dma_start3A_1207] : memref<3x4x64x128xf32, #tpu.memory_space<vmem>> -> memref<1x1x64x128xf32, #tpu.memory_space<vmem>>
    %dma_start3A_1209 = tpu.memref_squeeze %dma_start3A_1208 : memref<1x1x64x128xf32, #tpu.memory_space<vmem>> -> memref<64x128xf32, #tpu.memory_space<vmem>>
    %dma_start3A_1210 = arith.constant 0 : i32
    %dma_start3A_1211 = tpu.memref_slice %arg2[%dma_start3A_1210, %multiple_of3A_1203] : memref<64x1000000xf32, #tpu.memory_space<hbm>> -> memref<64x128xf32, #tpu.memory_space<hbm>>
    %dma_start3A_1212 = arith.constant 0 : i32
    %dma_start3A_1213 = arith.constant 0 : i32
    %dma_start3A_1214 = tpu.memref_slice %arg10[%dma_start3A_1204, %dma_start3A_1205, %dma_start3A_1212, %dma_start3A_1213] : memref<3x4x64x128xf32, #tpu.memory_space<vmem>> -> memref<1x1x64x128xf32, #tpu.memory_space<vmem>>
    %dma_start3A_1215 = tpu.memref_squeeze %dma_start3A_1214 : memref<1x1x64x128xf32, #tpu.memory_space<vmem>> -> memref<64x128xf32, #tpu.memory_space<vmem>>
    %dma_start3A_1216 = arith.constant 0 : i32
    %dma_start3A_1217 = tpu.memref_slice %arg2[%dma_start3A_1216, %multiple_of3A_1203] : memref<64x1000000xf32, #tpu.memory_space<hbm>> -> memref<64x128xf32, #tpu.memory_space<hbm>>
    tpu.enqueue_dma source(%dma_start3A_1217 : memref<64x128xf32, #tpu.memory_space<hbm>>) target(%dma_start3A_1215 : memref<64x128xf32, #tpu.memory_space<vmem>>) target_semaphore(%arg13 : memref<!tpu.dma_semaphore, #tpu.memory_space<semaphore_mem>>)
    %slice3A_1218 = vector.extract_strided_slice %gather3A {offsets = [8], sizes = [1], strides = [1]} : vector<16xi32> to vector<1xi32>
    %squeeze3A_1219 = vector.extract %slice3A_1218[0] : i32 from vector<1xi32>
    %multiple_of3A_1220 = tpu.assume_multiple %squeeze3A_1219, 128 : i32
    %dma_start3A_1221 = arith.constant 0 : i32
    %dma_start3A_1222 = arith.constant 2 : i32
    %dma_start3A_1223 = arith.constant 0 : i32
    %dma_start3A_1224 = arith.constant 0 : i32
    %dma_start3A_1225 = tpu.memref_slice %arg10[%dma_start3A_1221, %dma_start3A_1222, %dma_start3A_1223, %dma_start3A_1224] : memref<3x4x64x128xf32, #tpu.memory_space<vmem>> -> memref<1x1x64x128xf32, #tpu.memory_space<vmem>>
    %dma_start3A_1226 = tpu.memref_squeeze %dma_start3A_1225 : memref<1x1x64x128xf32, #tpu.memory_space<vmem>> -> memref<64x128xf32, #tpu.memory_space<vmem>>
    %dma_start3A_1227 = arith.constant 0 : i32
    %dma_start3A_1228 = tpu.memref_slice %arg2[%dma_start3A_1227, %multiple_of3A_1220] : memref<64x1000000xf32, #tpu.memory_space<hbm>> -> memref<64x128xf32, #tpu.memory_space<hbm>>
    %dma_start3A_1229 = arith.constant 0 : i32
    %dma_start3A_1230 = arith.constant 0 : i32
    %dma_start3A_1231 = tpu.memref_slice %arg10[%dma_start3A_1221, %dma_start3A_1222, %dma_start3A_1229, %dma_start3A_1230] : memref<3x4x64x128xf32, #tpu.memory_space<vmem>> -> memref<1x1x64x128xf32, #tpu.memory_space<vmem>>
    %dma_start3A_1232 = tpu.memref_squeeze %dma_start3A_1231 : memref<1x1x64x128xf32, #tpu.memory_space<vmem>> -> memref<64x128xf32, #tpu.memory_space<vmem>>
    %dma_start3A_1233 = arith.constant 0 : i32
    %dma_start3A_1234 = tpu.memref_slice %arg2[%dma_start3A_1233, %multiple_of3A_1220] : memref<64x1000000xf32, #tpu.memory_space<hbm>> -> memref<64x128xf32, #tpu.memory_space<hbm>>
    tpu.enqueue_dma source(%dma_start3A_1234 : memref<64x128xf32, #tpu.memory_space<hbm>>) target(%dma_start3A_1232 : memref<64x128xf32, #tpu.memory_space<vmem>>) target_semaphore(%arg13 : memref<!tpu.dma_semaphore, #tpu.memory_space<semaphore_mem>>)
    %slice3A_1235 = vector.extract_strided_slice %gather3A {offsets = [12], sizes = [1], strides = [1]} : vector<16xi32> to vector<1xi32>
    %squeeze3A_1236 = vector.extract %slice3A_1235[0] : i32 from vector<1xi32>
    %multiple_of3A_1237 = tpu.assume_multiple %squeeze3A_1236, 128 : i32
    %dma_start3A_1238 = arith.constant 0 : i32
    %dma_start3A_1239 = arith.constant 3 : i32
    %dma_start3A_1240 = arith.constant 0 : i32
    %dma_start3A_1241 = arith.constant 0 : i32
    %dma_start3A_1242 = tpu.memref_slice %arg10[%dma_start3A_1238, %dma_start3A_1239, %dma_start3A_1240, %dma_start3A_1241] : memref<3x4x64x128xf32, #tpu.memory_space<vmem>> -> memref<1x1x64x128xf32, #tpu.memory_space<vmem>>
    %dma_start3A_1243 = tpu.memref_squeeze %dma_start3A_1242 : memref<1x1x64x128xf32, #tpu.memory_space<vmem>> -> memref<64x128xf32, #tpu.memory_space<vmem>>
    %dma_start3A_1244 = arith.constant 0 : i32
    %dma_start3A_1245 = tpu.memref_slice %arg2[%dma_start3A_1244, %multiple_of3A_1237] : memref<64x1000000xf32, #tpu.memory_space<hbm>> -> memref<64x128xf32, #tpu.memory_space<hbm>>
    %dma_start3A_1246 = arith.constant 0 : i32
    %dma_start3A_1247 = arith.constant 0 : i32
    %dma_start3A_1248 = tpu.memref_slice %arg10[%dma_start3A_1238, %dma_start3A_1239, %dma_start3A_1246, %dma_start3A_1247] : memref<3x4x64x128xf32, #tpu.memory_space<vmem>> -> memref<1x1x64x128xf32, #tpu.memory_space<vmem>>
    %dma_start3A_1249 = tpu.memref_squeeze %dma_start3A_1248 : memref<1x1x64x128xf32, #tpu.memory_space<vmem>> -> memref<64x128xf32, #tpu.memory_space<vmem>>
    %dma_start3A_1250 = arith.constant 0 : i32
    %dma_start3A_1251 = tpu.memref_slice %arg2[%dma_start3A_1250, %multiple_of3A_1237] : memref<64x1000000xf32, #tpu.memory_space<hbm>> -> memref<64x128xf32, #tpu.memory_space<hbm>>
    tpu.enqueue_dma source(%dma_start3A_1251 : memref<64x128xf32, #tpu.memory_space<hbm>>) target(%dma_start3A_1249 : memref<64x128xf32, #tpu.memory_space<vmem>>) target_semaphore(%arg13 : memref<!tpu.dma_semaphore, #tpu.memory_space<semaphore_mem>>)
    %add3A_1252 = arith.constant 4 : i32
    %add3A_1253 = vector.broadcast %add3A_1252 : i32 to vector<16xi32>
    %add3A_1254 = arith.addi %add3A_1253, %shift_right_arithmetic3A_1180 : vector<16xi32>
    %gather3A_1255 = tpu.vector_load_idx %arg9[%add3A_1254] : memref<512xi32, #tpu.memory_space<vmem>>[vector<16xi32>], vector<16xi32>,
    %slice3A_1256 = vector.extract_strided_slice %gather3A_1255 {offsets = [0], sizes = [1], strides = [1]} : vector<16xi32> to vector<1xi32>
    %squeeze3A_1257 = vector.extract %slice3A_1256[0] : i32 from vector<1xi32>
    %multiple_of3A_1258 = tpu.assume_multiple %squeeze3A_1257, 128 : i32
    %dma_start3A_1259 = arith.constant 1 : i32
    %dma_start3A_1260 = arith.constant 0 : i32
    %dma_start3A_1261 = arith.constant 0 : i32
    %dma_start3A_1262 = arith.constant 0 : i32
    %dma_start3A_1263 = tpu.memref_slice %arg10[%dma_start3A_1259, %dma_start3A_1260, %dma_start3A_1261, %dma_start3A_1262] : memref<3x4x64x128xf32, #tpu.memory_space<vmem>> -> memref<1x1x64x128xf32, #tpu.memory_space<vmem>>
    %dma_start3A_1264 = tpu.memref_squeeze %dma_start3A_1263 : memref<1x1x64x128xf32, #tpu.memory_space<vmem>> -> memref<64x128xf32, #tpu.memory_space<vmem>>
    %dma_start3A_1265 = arith.constant 0 : i32
    %dma_start3A_1266 = tpu.memref_slice %arg2[%dma_start3A_1265, %multiple_of3A_1258] : memref<64x1000000xf32, #tpu.memory_space<hbm>> -> memref<64x128xf32, #tpu.memory_space<hbm>>
    %dma_start3A_1267 = arith.constant 0 : i32
    %dma_start3A_1268 = arith.constant 0 : i32
    %dma_start3A_1269 = tpu.memref_slice %arg10[%dma_start3A_1259, %dma_start3A_1260, %dma_start3A_1267, %dma_start3A_1268] : memref<3x4x64x128xf32, #tpu.memory_space<vmem>> -> memref<1x1x64x128xf32, #tpu.memory_space<vmem>>
    %dma_start3A_1270 = tpu.memref_squeeze %dma_start3A_1269 : memref<1x1x64x128xf32, #tpu.memory_space<vmem>> -> memref<64x128xf32, #tpu.memory_space<vmem>>
    %dma_start3A_1271 = arith.constant 0 : i32
    %dma_start3A_1272 = tpu.memref_slice %arg2[%dma_start3A_1271, %multiple_of3A_1258] : memref<64x1000000xf32, #tpu.memory_space<hbm>> -> memref<64x128xf32, #tpu.memory_space<hbm>>
    tpu.enqueue_dma source(%dma_start3A_1272 : memref<64x128xf32, #tpu.memory_space<hbm>>) target(%dma_start3A_1270 : memref<64x128xf32, #tpu.memory_space<vmem>>) target_semaphore(%arg13 : memref<!tpu.dma_semaphore, #tpu.memory_space<semaphore_mem>>)
    %slice3A_1273 = vector.extract_strided_slice %gather3A_1255 {offsets = [4], sizes = [1], strides = [1]} : vector<16xi32> to vector<1xi32>
    %squeeze3A_1274 = vector.extract %slice3A_1273[0] : i32 from vector<1xi32>
    %multiple_of3A_1275 = tpu.assume_multiple %squeeze3A_1274, 128 : i32
    %dma_start3A_1276 = arith.constant 1 : i32
    %dma_start3A_1277 = arith.constant 1 : i32
    %dma_start3A_1278 = arith.constant 0 : i32
    %dma_start3A_1279 = arith.constant 0 : i32
    %dma_start3A_1280 = tpu.memref_slice %arg10[%dma_start3A_1276, %dma_start3A_1277, %dma_start3A_1278, %dma_start3A_1279] : memref<3x4x64x128xf32, #tpu.memory_space<vmem>> -> memref<1x1x64x128xf32, #tpu.memory_space<vmem>>
    %dma_start3A_1281 = tpu.memref_squeeze %dma_start3A_1280 : memref<1x1x64x128xf32, #tpu.memory_space<vmem>> -> memref<64x128xf32, #tpu.memory_space<vmem>>
    %dma_start3A_1282 = arith.constant 0 : i32
    %dma_start3A_1283 = tpu.memref_slice %arg2[%dma_start3A_1282, %multiple_of3A_1275] : memref<64x1000000xf32, #tpu.memory_space<hbm>> -> memref<64x128xf32, #tpu.memory_space<hbm>>
    %dma_start3A_1284 = arith.constant 0 : i32
    %dma_start3A_1285 = arith.constant 0 : i32
    %dma_start3A_1286 = tpu.memref_slice %arg10[%dma_start3A_1276, %dma_start3A_1277, %dma_start3A_1284, %dma_start3A_1285] : memref<3x4x64x128xf32, #tpu.memory_space<vmem>> -> memref<1x1x64x128xf32, #tpu.memory_space<vmem>>
    %dma_start3A_1287 = tpu.memref_squeeze %dma_start3A_1286 : memref<1x1x64x128xf32, #tpu.memory_space<vmem>> -> memref<64x128xf32, #tpu.memory_space<vmem>>
    %dma_start3A_1288 = arith.constant 0 : i32
    %dma_start3A_1289 = tpu.memref_slice %arg2[%dma_start3A_1288, %multiple_of3A_1275] : memref<64x1000000xf32, #tpu.memory_space<hbm>> -> memref<64x128xf32, #tpu.memory_space<hbm>>
    tpu.enqueue_dma source(%dma_start3A_1289 : memref<64x128xf32, #tpu.memory_space<hbm>>) target(%dma_start3A_1287 : memref<64x128xf32, #tpu.memory_space<vmem>>) target_semaphore(%arg13 : memref<!tpu.dma_semaphore, #tpu.memory_space<semaphore_mem>>)
    %slice3A_1290 = vector.extract_strided_slice %gather3A_1255 {offsets = [8], sizes = [1], strides = [1]} : vector<16xi32> to vector<1xi32>
    %squeeze3A_1291 = vector.extract %slice3A_1290[0] : i32 from vector<1xi32>
    %multiple_of3A_1292 = tpu.assume_multiple %squeeze3A_1291, 128 : i32
    %dma_start3A_1293 = arith.constant 1 : i32
    %dma_start3A_1294 = arith.constant 2 : i32
    %dma_start3A_1295 = arith.constant 0 : i32
    %dma_start3A_1296 = arith.constant 0 : i32
    %dma_start3A_1297 = tpu.memref_slice %arg10[%dma_start3A_1293, %dma_start3A_1294, %dma_start3A_1295, %dma_start3A_1296] : memref<3x4x64x128xf32, #tpu.memory_space<vmem>> -> memref<1x1x64x128xf32, #tpu.memory_space<vmem>>
    %dma_start3A_1298 = tpu.memref_squeeze %dma_start3A_1297 : memref<1x1x64x128xf32, #tpu.memory_space<vmem>> -> memref<64x128xf32, #tpu.memory_space<vmem>>
    %dma_start3A_1299 = arith.constant 0 : i32
    %dma_start3A_1300 = tpu.memref_slice %arg2[%dma_start3A_1299, %multiple_of3A_1292] : memref<64x1000000xf32, #tpu.memory_space<hbm>> -> memref<64x128xf32, #tpu.memory_space<hbm>>
    %dma_start3A_1301 = arith.constant 0 : i32
    %dma_start3A_1302 = arith.constant 0 : i32
    %dma_start3A_1303 = tpu.memref_slice %arg10[%dma_start3A_1293, %dma_start3A_1294, %dma_start3A_1301, %dma_start3A_1302] : memref<3x4x64x128xf32, #tpu.memory_space<vmem>> -> memref<1x1x64x128xf32, #tpu.memory_space<vmem>>
    %dma_start3A_1304 = tpu.memref_squeeze %dma_start3A_1303 : memref<1x1x64x128xf32, #tpu.memory_space<vmem>> -> memref<64x128xf32, #tpu.memory_space<vmem>>
    %dma_start3A_1305 = arith.constant 0 : i32
    %dma_start3A_1306 = tpu.memref_slice %arg2[%dma_start3A_1305, %multiple_of3A_1292] : memref<64x1000000xf32, #tpu.memory_space<hbm>> -> memref<64x128xf32, #tpu.memory_space<hbm>>
    tpu.enqueue_dma source(%dma_start3A_1306 : memref<64x128xf32, #tpu.memory_space<hbm>>) target(%dma_start3A_1304 : memref<64x128xf32, #tpu.memory_space<vmem>>) target_semaphore(%arg13 : memref<!tpu.dma_semaphore, #tpu.memory_space<semaphore_mem>>)
    %slice3A_1307 = vector.extract_strided_slice %gather3A_1255 {offsets = [12], sizes = [1], strides = [1]} : vector<16xi32> to vector<1xi32>
    %squeeze3A_1308 = vector.extract %slice3A_1307[0] : i32 from vector<1xi32>
    %multiple_of3A_1309 = tpu.assume_multiple %squeeze3A_1308, 128 : i32
    %dma_start3A_1310 = arith.constant 1 : i32
    %dma_start3A_1311 = arith.constant 3 : i32
    %dma_start3A_1312 = arith.constant 0 : i32
    %dma_start3A_1313 = arith.constant 0 : i32
    %dma_start3A_1314 = tpu.memref_slice %arg10[%dma_start3A_1310, %dma_start3A_1311, %dma_start3A_1312, %dma_start3A_1313] : memref<3x4x64x128xf32, #tpu.memory_space<vmem>> -> memref<1x1x64x128xf32, #tpu.memory_space<vmem>>
    %dma_start3A_1315 = tpu.memref_squeeze %dma_start3A_1314 : memref<1x1x64x128xf32, #tpu.memory_space<vmem>> -> memref<64x128xf32, #tpu.memory_space<vmem>>
    %dma_start3A_1316 = arith.constant 0 : i32
    %dma_start3A_1317 = tpu.memref_slice %arg2[%dma_start3A_1316, %multiple_of3A_1309] : memref<64x1000000xf32, #tpu.memory_space<hbm>> -> memref<64x128xf32, #tpu.memory_space<hbm>>
    %dma_start3A_1318 = arith.constant 0 : i32
    %dma_start3A_1319 = arith.constant 0 : i32
    %dma_start3A_1320 = tpu.memref_slice %arg10[%dma_start3A_1310, %dma_start3A_1311, %dma_start3A_1318, %dma_start3A_1319] : memref<3x4x64x128xf32, #tpu.memory_space<vmem>> -> memref<1x1x64x128xf32, #tpu.memory_space<vmem>>
    %dma_start3A_1321 = tpu.memref_squeeze %dma_start3A_1320 : memref<1x1x64x128xf32, #tpu.memory_space<vmem>> -> memref<64x128xf32, #tpu.memory_space<vmem>>
    %dma_start3A_1322 = arith.constant 0 : i32
    %dma_start3A_1323 = tpu.memref_slice %arg2[%dma_start3A_1322, %multiple_of3A_1309] : memref<64x1000000xf32, #tpu.memory_space<hbm>> -> memref<64x128xf32, #tpu.memory_space<hbm>>
    tpu.enqueue_dma source(%dma_start3A_1323 : memref<64x128xf32, #tpu.memory_space<hbm>>) target(%dma_start3A_1321 : memref<64x128xf32, #tpu.memory_space<vmem>>) target_semaphore(%arg13 : memref<!tpu.dma_semaphore, #tpu.memory_space<semaphore_mem>>)
    %scan3A = arith.constant 0 : i32
    %scan3A_1324 = arith.constant 0 : i32
    %scan3A_1325 = arith.constant 128 : i32
    %scan3A_1326 = arith.addi %scan3A_1324, %scan3A_1325 : i32
    %scan3A_1327 = arith.constant 1 : i32
    scf.for %scan3A_1329 = %scan3A_1324 to %scan3A_1326 step %scan3A_1327  : i32 {
      %add3A_1330 = arith.constant 2 : i32
      %add3A_1331 = arith.addi %scan3A_1329, %add3A_1330 : i32
      %lt3A = arith.constant 128 : i32
      %lt3A_1332 = arith.cmpi slt, %add3A_1331, %lt3A : i32
      %convert_element_type3A_1333 = arith.extui %lt3A_1332 : i1 to i32
      %cond3A = arith.constant 0 : i32
      %cond3A_1334 = arith.cmpi ne, %convert_element_type3A_1333, %cond3A : i32
      scf.if %cond3A_1334 {
        %add3A_1642 = arith.constant 2 : i32
        %add3A_1643 = arith.addi %scan3A_1329, %add3A_1642 : i32
        %add3A_1644 = arith.constant 2 : i32
        %add3A_1645 = arith.addi %scan3A_1329, %add3A_1644 : i32
        %jit3A_1646 = arith.constant 3 : i32
        %eq3A_1647 = arith.constant 0 : i32
        %eq3A_1648 = arith.cmpi eq, %jit3A_1646, %eq3A_1647 : i32
        %jit3A_1649 = arith.constant 1 : i32
        %select_n3A_1650 = arith.select %eq3A_1648, %jit3A_1649, %jit3A_1646 : i32
        %rem3A_1651 = arith.remsi %add3A_1645, %select_n3A_1650 : i32
        %ne3A_1652 = arith.constant 0 : i32
        %ne3A_1653 = arith.cmpi ne, %rem3A_1651, %ne3A_1652 : i32
        %lt3A_1654 = arith.constant 0 : i32
        %lt3A_1655 = arith.cmpi slt, %rem3A_1651, %lt3A_1654 : i32
        %lt3A_1656 = arith.constant 0 : i32
        %lt3A_1657 = arith.cmpi slt, %select_n3A_1650, %lt3A_1656 : i32
        %ne3A_1658 = arith.xori %lt3A_1655, %lt3A_1657 : i1
        %and3A_1659 = arith.andi %ne3A_1658, %ne3A_1653 : i1
        %add3A_1660 = arith.addi %rem3A_1651, %select_n3A_1650 : i32
        %select_n3A_1661 = arith.select %and3A_1659, %add3A_1660, %rem3A_1651 : i32
        %mul3A_1662 = arith.constant 4 : i32
        %mul3A_1663 = arith.muli %add3A_1643, %mul3A_1662 : i32
        %add3A_1664 = vector.broadcast %mul3A_1663 : i32 to vector<16xi32>
        %add3A_1665 = arith.addi %add3A_1664, %shift_right_arithmetic3A_1180 : vector<16xi32>
        %gather3A_1666 = tpu.vector_load_idx %arg9[%add3A_1665] : memref<512xi32, #tpu.memory_space<vmem>>[vector<16xi32>], vector<16xi32>,
        %slice3A_1667 = vector.extract_strided_slice %gather3A_1666 {offsets = [0], sizes = [1], strides = [1]} : vector<16xi32> to vector<1xi32>
        %squeeze3A_1668 = vector.extract %slice3A_1667[0] : i32 from vector<1xi32>
        %multiple_of3A_1669 = tpu.assume_multiple %squeeze3A_1668, 128 : i32
        %dma_start3A_1670 = arith.constant 0 : i32
        %dma_start3A_1671 = arith.constant 0 : i32
        %dma_start3A_1672 = arith.constant 0 : i32
        %dma_start3A_1673 = tpu.memref_slice %arg10[%select_n3A_1661, %dma_start3A_1670, %dma_start3A_1671, %dma_start3A_1672] : memref<3x4x64x128xf32, #tpu.memory_space<vmem>> -> memref<1x1x64x128xf32, #tpu.memory_space<vmem>>
        %dma_start3A_1674 = tpu.memref_squeeze %dma_start3A_1673 : memref<1x1x64x128xf32, #tpu.memory_space<vmem>> -> memref<64x128xf32, #tpu.memory_space<vmem>>
        %dma_start3A_1675 = arith.constant 0 : i32
        %dma_start3A_1676 = tpu.memref_slice %arg2[%dma_start3A_1675, %multiple_of3A_1669] : memref<64x1000000xf32, #tpu.memory_space<hbm>> -> memref<64x128xf32, #tpu.memory_space<hbm>>
        %dma_start3A_1677 = arith.constant 0 : i32
        %dma_start3A_1678 = arith.constant 0 : i32
        %dma_start3A_1679 = tpu.memref_slice %arg10[%select_n3A_1661, %dma_start3A_1670, %dma_start3A_1677, %dma_start3A_1678] : memref<3x4x64x128xf32, #tpu.memory_space<vmem>> -> memref<1x1x64x128xf32, #tpu.memory_space<vmem>>
        %dma_start3A_1680 = tpu.memref_squeeze %dma_start3A_1679 : memref<1x1x64x128xf32, #tpu.memory_space<vmem>> -> memref<64x128xf32, #tpu.memory_space<vmem>>
        %dma_start3A_1681 = arith.constant 0 : i32
        %dma_start3A_1682 = tpu.memref_slice %arg2[%dma_start3A_1681, %multiple_of3A_1669] : memref<64x1000000xf32, #tpu.memory_space<hbm>> -> memref<64x128xf32, #tpu.memory_space<hbm>>
        tpu.enqueue_dma source(%dma_start3A_1682 : memref<64x128xf32, #tpu.memory_space<hbm>>) target(%dma_start3A_1680 : memref<64x128xf32, #tpu.memory_space<vmem>>) target_semaphore(%arg13 : memref<!tpu.dma_semaphore, #tpu.memory_space<semaphore_mem>>)
        %slice3A_1683 = vector.extract_strided_slice %gather3A_1666 {offsets = [4], sizes = [1], strides = [1]} : vector<16xi32> to vector<1xi32>
        %squeeze3A_1684 = vector.extract %slice3A_1683[0] : i32 from vector<1xi32>
        %multiple_of3A_1685 = tpu.assume_multiple %squeeze3A_1684, 128 : i32
        %dma_start3A_1686 = arith.constant 1 : i32
        %dma_start3A_1687 = arith.constant 0 : i32
        %dma_start3A_1688 = arith.constant 0 : i32
        %dma_start3A_1689 = tpu.memref_slice %arg10[%select_n3A_1661, %dma_start3A_1686, %dma_start3A_1687, %dma_start3A_1688] : memref<3x4x64x128xf32, #tpu.memory_space<vmem>> -> memref<1x1x64x128xf32, #tpu.memory_space<vmem>>
        %dma_start3A_1690 = tpu.memref_squeeze %dma_start3A_1689 : memref<1x1x64x128xf32, #tpu.memory_space<vmem>> -> memref<64x128xf32, #tpu.memory_space<vmem>>
        %dma_start3A_1691 = arith.constant 0 : i32
        %dma_start3A_1692 = tpu.memref_slice %arg2[%dma_start3A_1691, %multiple_of3A_1685] : memref<64x1000000xf32, #tpu.memory_space<hbm>> -> memref<64x128xf32, #tpu.memory_space<hbm>>
        %dma_start3A_1693 = arith.constant 0 : i32
        %dma_start3A_1694 = arith.constant 0 : i32
        %dma_start3A_1695 = tpu.memref_slice %arg10[%select_n3A_1661, %dma_start3A_1686, %dma_start3A_1693, %dma_start3A_1694] : memref<3x4x64x128xf32, #tpu.memory_space<vmem>> -> memref<1x1x64x128xf32, #tpu.memory_space<vmem>>
        %dma_start3A_1696 = tpu.memref_squeeze %dma_start3A_1695 : memref<1x1x64x128xf32, #tpu.memory_space<vmem>> -> memref<64x128xf32, #tpu.memory_space<vmem>>
        %dma_start3A_1697 = arith.constant 0 : i32
        %dma_start3A_1698 = tpu.memref_slice %arg2[%dma_start3A_1697, %multiple_of3A_1685] : memref<64x1000000xf32, #tpu.memory_space<hbm>> -> memref<64x128xf32, #tpu.memory_space<hbm>>
        tpu.enqueue_dma source(%dma_start3A_1698 : memref<64x128xf32, #tpu.memory_space<hbm>>) target(%dma_start3A_1696 : memref<64x128xf32, #tpu.memory_space<vmem>>) target_semaphore(%arg13 : memref<!tpu.dma_semaphore, #tpu.memory_space<semaphore_mem>>)
        %slice3A_1699 = vector.extract_strided_slice %gather3A_1666 {offsets = [8], sizes = [1], strides = [1]} : vector<16xi32> to vector<1xi32>
        %squeeze3A_1700 = vector.extract %slice3A_1699[0] : i32 from vector<1xi32>
        %multiple_of3A_1701 = tpu.assume_multiple %squeeze3A_1700, 128 : i32
        %dma_start3A_1702 = arith.constant 2 : i32
        %dma_start3A_1703 = arith.constant 0 : i32
        %dma_start3A_1704 = arith.constant 0 : i32
        %dma_start3A_1705 = tpu.memref_slice %arg10[%select_n3A_1661, %dma_start3A_1702, %dma_start3A_1703, %dma_start3A_1704] : memref<3x4x64x128xf32, #tpu.memory_space<vmem>> -> memref<1x1x64x128xf32, #tpu.memory_space<vmem>>
        %dma_start3A_1706 = tpu.memref_squeeze %dma_start3A_1705 : memref<1x1x64x128xf32, #tpu.memory_space<vmem>> -> memref<64x128xf32, #tpu.memory_space<vmem>>
        %dma_start3A_1707 = arith.constant 0 : i32
        %dma_start3A_1708 = tpu.memref_slice %arg2[%dma_start3A_1707, %multiple_of3A_1701] : memref<64x1000000xf32, #tpu.memory_space<hbm>> -> memref<64x128xf32, #tpu.memory_space<hbm>>
        %dma_start3A_1709 = arith.constant 0 : i32
        %dma_start3A_1710 = arith.constant 0 : i32
        %dma_start3A_1711 = tpu.memref_slice %arg10[%select_n3A_1661, %dma_start3A_1702, %dma_start3A_1709, %dma_start3A_1710] : memref<3x4x64x128xf32, #tpu.memory_space<vmem>> -> memref<1x1x64x128xf32, #tpu.memory_space<vmem>>
        %dma_start3A_1712 = tpu.memref_squeeze %dma_start3A_1711 : memref<1x1x64x128xf32, #tpu.memory_space<vmem>> -> memref<64x128xf32, #tpu.memory_space<vmem>>
        %dma_start3A_1713 = arith.constant 0 : i32
        %dma_start3A_1714 = tpu.memref_slice %arg2[%dma_start3A_1713, %multiple_of3A_1701] : memref<64x1000000xf32, #tpu.memory_space<hbm>> -> memref<64x128xf32, #tpu.memory_space<hbm>>
        tpu.enqueue_dma source(%dma_start3A_1714 : memref<64x128xf32, #tpu.memory_space<hbm>>) target(%dma_start3A_1712 : memref<64x128xf32, #tpu.memory_space<vmem>>) target_semaphore(%arg13 : memref<!tpu.dma_semaphore, #tpu.memory_space<semaphore_mem>>)
        %slice3A_1715 = vector.extract_strided_slice %gather3A_1666 {offsets = [12], sizes = [1], strides = [1]} : vector<16xi32> to vector<1xi32>
        %squeeze3A_1716 = vector.extract %slice3A_1715[0] : i32 from vector<1xi32>
        %multiple_of3A_1717 = tpu.assume_multiple %squeeze3A_1716, 128 : i32
        %dma_start3A_1718 = arith.constant 3 : i32
        %dma_start3A_1719 = arith.constant 0 : i32
        %dma_start3A_1720 = arith.constant 0 : i32
        %dma_start3A_1721 = tpu.memref_slice %arg10[%select_n3A_1661, %dma_start3A_1718, %dma_start3A_1719, %dma_start3A_1720] : memref<3x4x64x128xf32, #tpu.memory_space<vmem>> -> memref<1x1x64x128xf32, #tpu.memory_space<vmem>>
        %dma_start3A_1722 = tpu.memref_squeeze %dma_start3A_1721 : memref<1x1x64x128xf32, #tpu.memory_space<vmem>> -> memref<64x128xf32, #tpu.memory_space<vmem>>
        %dma_start3A_1723 = arith.constant 0 : i32
        %dma_start3A_1724 = tpu.memref_slice %arg2[%dma_start3A_1723, %multiple_of3A_1717] : memref<64x1000000xf32, #tpu.memory_space<hbm>> -> memref<64x128xf32, #tpu.memory_space<hbm>>
        %dma_start3A_1725 = arith.constant 0 : i32
        %dma_start3A_1726 = arith.constant 0 : i32
        %dma_start3A_1727 = tpu.memref_slice %arg10[%select_n3A_1661, %dma_start3A_1718, %dma_start3A_1725, %dma_start3A_1726] : memref<3x4x64x128xf32, #tpu.memory_space<vmem>> -> memref<1x1x64x128xf32, #tpu.memory_space<vmem>>
        %dma_start3A_1728 = tpu.memref_squeeze %dma_start3A_1727 : memref<1x1x64x128xf32, #tpu.memory_space<vmem>> -> memref<64x128xf32, #tpu.memory_space<vmem>>
        %dma_start3A_1729 = arith.constant 0 : i32
        %dma_start3A_1730 = tpu.memref_slice %arg2[%dma_start3A_1729, %multiple_of3A_1717] : memref<64x1000000xf32, #tpu.memory_space<hbm>> -> memref<64x128xf32, #tpu.memory_space<hbm>>
        tpu.enqueue_dma source(%dma_start3A_1730 : memref<64x128xf32, #tpu.memory_space<hbm>>) target(%dma_start3A_1728 : memref<64x128xf32, #tpu.memory_space<vmem>>) target_semaphore(%arg13 : memref<!tpu.dma_semaphore, #tpu.memory_space<semaphore_mem>>)
      } else {
      }
      %jit3A = arith.constant 3 : i32
      %eq3A = arith.constant 0 : i32
      %eq3A_1335 = arith.cmpi eq, %jit3A, %eq3A : i32
      %jit3A_1336 = arith.constant 1 : i32
      %select_n3A = arith.select %eq3A_1335, %jit3A_1336, %jit3A : i32
      %rem3A = arith.remsi %scan3A_1329, %select_n3A : i32
      %ne3A = arith.constant 0 : i32
      %ne3A_1337 = arith.cmpi ne, %rem3A, %ne3A : i32
      %lt3A_1338 = arith.constant 0 : i32
      %lt3A_1339 = arith.cmpi slt, %rem3A, %lt3A_1338 : i32
      %lt3A_1340 = arith.constant 0 : i32
      %lt3A_1341 = arith.cmpi slt, %select_n3A, %lt3A_1340 : i32
      %ne3A_1342 = arith.xori %lt3A_1339, %lt3A_1341 : i1
      %and3A_1343 = arith.andi %ne3A_1342, %ne3A_1337 : i1
      %add3A_1344 = arith.addi %rem3A, %select_n3A : i32
      %select_n3A_1345 = arith.select %and3A_1343, %add3A_1344, %rem3A : i32
      %dma_wait3A = arith.constant 0 : i32
      %dma_wait3A_1346 = arith.constant 0 : i32
      %dma_wait3A_1347 = arith.constant 0 : i32
      %dma_wait3A_1348 = tpu.memref_slice %arg10[%select_n3A_1345, %dma_wait3A, %dma_wait3A_1346, %dma_wait3A_1347] : memref<3x4x64x128xf32, #tpu.memory_space<vmem>> -> memref<1x1x64x128xf32, #tpu.memory_space<vmem>>
      %dma_wait3A_1349 = tpu.memref_squeeze %dma_wait3A_1348 : memref<1x1x64x128xf32, #tpu.memory_space<vmem>> -> memref<64x128xf32, #tpu.memory_space<vmem>>
      %dma_wait3A_1350 = arith.constant 0 : i32
      %dma_wait3A_1351 = arith.constant 0 : i32
      %dma_wait3A_1352 = tpu.memref_slice %arg2[%dma_wait3A_1350, %dma_wait3A_1351] : memref<64x1000000xf32, #tpu.memory_space<hbm>> -> memref<64x128xf32, #tpu.memory_space<hbm>>
      %dma_wait3A_1353 = arith.constant 0 : i32
      %dma_wait3A_1354 = arith.constant 0 : i32
      %dma_wait3A_1355 = tpu.memref_slice %arg10[%select_n3A_1345, %dma_wait3A, %dma_wait3A_1353, %dma_wait3A_1354] : memref<3x4x64x128xf32, #tpu.memory_space<vmem>> -> memref<1x1x64x128xf32, #tpu.memory_space<vmem>>
      %dma_wait3A_1356 = tpu.memref_squeeze %dma_wait3A_1355 : memref<1x1x64x128xf32, #tpu.memory_space<vmem>> -> memref<64x128xf32, #tpu.memory_space<vmem>>
      %dma_wait3A_1357 = arith.constant 0 : i32
      %dma_wait3A_1358 = arith.constant 0 : i32
      %dma_wait3A_1359 = tpu.memref_slice %arg2[%dma_wait3A_1357, %dma_wait3A_1358] : memref<64x1000000xf32, #tpu.memory_space<hbm>> -> memref<64x128xf32, #tpu.memory_space<hbm>>
      tpu.wait_dma2 semaphore(%arg13 : memref<!tpu.dma_semaphore, #tpu.memory_space<semaphore_mem>>) src(%dma_wait3A_1359 : memref<64x128xf32, #tpu.memory_space<hbm>>) dst(%dma_wait3A_1356 : memref<64x128xf32, #tpu.memory_space<vmem>>)
      %dma_wait3A_1360 = arith.constant 1 : i32
      %dma_wait3A_1361 = arith.constant 0 : i32
      %dma_wait3A_1362 = arith.constant 0 : i32
      %dma_wait3A_1363 = tpu.memref_slice %arg10[%select_n3A_1345, %dma_wait3A_1360, %dma_wait3A_1361, %dma_wait3A_1362] : memref<3x4x64x128xf32, #tpu.memory_space<vmem>> -> memref<1x1x64x128xf32, #tpu.memory_space<vmem>>
      %dma_wait3A_1364 = tpu.memref_squeeze %dma_wait3A_1363 : memref<1x1x64x128xf32, #tpu.memory_space<vmem>> -> memref<64x128xf32, #tpu.memory_space<vmem>>
      %dma_wait3A_1365 = arith.constant 0 : i32
      %dma_wait3A_1366 = arith.constant 0 : i32
      %dma_wait3A_1367 = tpu.memref_slice %arg2[%dma_wait3A_1365, %dma_wait3A_1366] : memref<64x1000000xf32, #tpu.memory_space<hbm>> -> memref<64x128xf32, #tpu.memory_space<hbm>>
      %dma_wait3A_1368 = arith.constant 0 : i32
      %dma_wait3A_1369 = arith.constant 0 : i32
      %dma_wait3A_1370 = tpu.memref_slice %arg10[%select_n3A_1345, %dma_wait3A_1360, %dma_wait3A_1368, %dma_wait3A_1369] : memref<3x4x64x128xf32, #tpu.memory_space<vmem>> -> memref<1x1x64x128xf32, #tpu.memory_space<vmem>>
      %dma_wait3A_1371 = tpu.memref_squeeze %dma_wait3A_1370 : memref<1x1x64x128xf32, #tpu.memory_space<vmem>> -> memref<64x128xf32, #tpu.memory_space<vmem>>
      %dma_wait3A_1372 = arith.constant 0 : i32
      %dma_wait3A_1373 = arith.constant 0 : i32
      %dma_wait3A_1374 = tpu.memref_slice %arg2[%dma_wait3A_1372, %dma_wait3A_1373] : memref<64x1000000xf32, #tpu.memory_space<hbm>> -> memref<64x128xf32, #tpu.memory_space<hbm>>
      tpu.wait_dma2 semaphore(%arg13 : memref<!tpu.dma_semaphore, #tpu.memory_space<semaphore_mem>>) src(%dma_wait3A_1374 : memref<64x128xf32, #tpu.memory_space<hbm>>) dst(%dma_wait3A_1371 : memref<64x128xf32, #tpu.memory_space<vmem>>)
      %dma_wait3A_1375 = arith.constant 2 : i32
      %dma_wait3A_1376 = arith.constant 0 : i32
      %dma_wait3A_1377 = arith.constant 0 : i32
      %dma_wait3A_1378 = tpu.memref_slice %arg10[%select_n3A_1345, %dma_wait3A_1375, %dma_wait3A_1376, %dma_wait3A_1377] : memref<3x4x64x128xf32, #tpu.memory_space<vmem>> -> memref<1x1x64x128xf32, #tpu.memory_space<vmem>>
      %dma_wait3A_1379 = tpu.memref_squeeze %dma_wait3A_1378 : memref<1x1x64x128xf32, #tpu.memory_space<vmem>> -> memref<64x128xf32, #tpu.memory_space<vmem>>
      %dma_wait3A_1380 = arith.constant 0 : i32
      %dma_wait3A_1381 = arith.constant 0 : i32
      %dma_wait3A_1382 = tpu.memref_slice %arg2[%dma_wait3A_1380, %dma_wait3A_1381] : memref<64x1000000xf32, #tpu.memory_space<hbm>> -> memref<64x128xf32, #tpu.memory_space<hbm>>
      %dma_wait3A_1383 = arith.constant 0 : i32
      %dma_wait3A_1384 = arith.constant 0 : i32
      %dma_wait3A_1385 = tpu.memref_slice %arg10[%select_n3A_1345, %dma_wait3A_1375, %dma_wait3A_1383, %dma_wait3A_1384] : memref<3x4x64x128xf32, #tpu.memory_space<vmem>> -> memref<1x1x64x128xf32, #tpu.memory_space<vmem>>
      %dma_wait3A_1386 = tpu.memref_squeeze %dma_wait3A_1385 : memref<1x1x64x128xf32, #tpu.memory_space<vmem>> -> memref<64x128xf32, #tpu.memory_space<vmem>>
      %dma_wait3A_1387 = arith.constant 0 : i32
      %dma_wait3A_1388 = arith.constant 0 : i32
      %dma_wait3A_1389 = tpu.memref_slice %arg2[%dma_wait3A_1387, %dma_wait3A_1388] : memref<64x1000000xf32, #tpu.memory_space<hbm>> -> memref<64x128xf32, #tpu.memory_space<hbm>>
      tpu.wait_dma2 semaphore(%arg13 : memref<!tpu.dma_semaphore, #tpu.memory_space<semaphore_mem>>) src(%dma_wait3A_1389 : memref<64x128xf32, #tpu.memory_space<hbm>>) dst(%dma_wait3A_1386 : memref<64x128xf32, #tpu.memory_space<vmem>>)
      %dma_wait3A_1390 = arith.constant 3 : i32
      %dma_wait3A_1391 = arith.constant 0 : i32
      %dma_wait3A_1392 = arith.constant 0 : i32
      %dma_wait3A_1393 = tpu.memref_slice %arg10[%select_n3A_1345, %dma_wait3A_1390, %dma_wait3A_1391, %dma_wait3A_1392] : memref<3x4x64x128xf32, #tpu.memory_space<vmem>> -> memref<1x1x64x128xf32, #tpu.memory_space<vmem>>
      %dma_wait3A_1394 = tpu.memref_squeeze %dma_wait3A_1393 : memref<1x1x64x128xf32, #tpu.memory_space<vmem>> -> memref<64x128xf32, #tpu.memory_space<vmem>>
      %dma_wait3A_1395 = arith.constant 0 : i32
      %dma_wait3A_1396 = arith.constant 0 : i32
      %dma_wait3A_1397 = tpu.memref_slice %arg2[%dma_wait3A_1395, %dma_wait3A_1396] : memref<64x1000000xf32, #tpu.memory_space<hbm>> -> memref<64x128xf32, #tpu.memory_space<hbm>>
      %dma_wait3A_1398 = arith.constant 0 : i32
      %dma_wait3A_1399 = arith.constant 0 : i32
      %dma_wait3A_1400 = tpu.memref_slice %arg10[%select_n3A_1345, %dma_wait3A_1390, %dma_wait3A_1398, %dma_wait3A_1399] : memref<3x4x64x128xf32, #tpu.memory_space<vmem>> -> memref<1x1x64x128xf32, #tpu.memory_space<vmem>>
      %dma_wait3A_1401 = tpu.memref_squeeze %dma_wait3A_1400 : memref<1x1x64x128xf32, #tpu.memory_space<vmem>> -> memref<64x128xf32, #tpu.memory_space<vmem>>
      %dma_wait3A_1402 = arith.constant 0 : i32
      %dma_wait3A_1403 = arith.constant 0 : i32
      %dma_wait3A_1404 = tpu.memref_slice %arg2[%dma_wait3A_1402, %dma_wait3A_1403] : memref<64x1000000xf32, #tpu.memory_space<hbm>> -> memref<64x128xf32, #tpu.memory_space<hbm>>
      tpu.wait_dma2 semaphore(%arg13 : memref<!tpu.dma_semaphore, #tpu.memory_space<semaphore_mem>>) src(%dma_wait3A_1404 : memref<64x128xf32, #tpu.memory_space<hbm>>) dst(%dma_wait3A_1401 : memref<64x128xf32, #tpu.memory_space<vmem>>)
      %mul3A_1405 = arith.constant 4 : i32
      %mul3A_1406 = arith.muli %scan3A_1329, %mul3A_1405 : i32
      %add3A_1407 = vector.broadcast %mul3A_1406 : i32 to vector<16xi32>
      %add3A_1408 = arith.addi %add3A_1407, %shift_right_arithmetic3A_1180 : vector<16xi32>
      %gather3A_1409 = tpu.vector_load_idx %arg7[%add3A_1408] : memref<512xi32, #tpu.memory_space<vmem>>[vector<16xi32>], vector<16xi32>,
      %gather3A_1410 = tpu.vector_load_idx %arg8[%add3A_1408] : memref<512xi32, #tpu.memory_space<vmem>>[vector<16xi32>], vector<16xi32>,
      %gather3A_1411 = tpu.vector_load_idx %arg6[%add3A_1408] : memref<512xf32, #tpu.memory_space<vmem>>[vector<16xi32>], vector<16xf32>,
      %sub3A_1412 = arith.constant 1.000000e+00 : f32
      %sub3A_1413 = vector.broadcast %sub3A_1412 : f32 to vector<16xf32>
      %sub3A_1414 = arith.subf %sub3A_1413, %gather3A_1411 : vector<16xf32>
      %jit3A_1415 = arith.constant 128 : i32
      %eq3A_1416 = arith.constant 0 : i32
      %eq3A_1417 = arith.cmpi eq, %jit3A_1415, %eq3A_1416 : i32
      %jit3A_1418 = arith.constant 1 : i32
      %select_n3A_1419 = arith.select %eq3A_1417, %jit3A_1418, %jit3A_1415 : i32
      %rem3A_1420 = arith.remsi %mul3A_1406, %select_n3A_1419 : i32
      %ne3A_1421 = arith.constant 0 : i32
      %ne3A_1422 = arith.cmpi ne, %rem3A_1420, %ne3A_1421 : i32
      %lt3A_1423 = arith.constant 0 : i32
      %lt3A_1424 = arith.cmpi slt, %rem3A_1420, %lt3A_1423 : i32
      %lt3A_1425 = arith.constant 0 : i32
      %lt3A_1426 = arith.cmpi slt, %select_n3A_1419, %lt3A_1425 : i32
      %ne3A_1427 = arith.xori %lt3A_1424, %lt3A_1426 : i1
      %and3A_1428 = arith.andi %ne3A_1427, %ne3A_1422 : i1
      %add3A_1429 = arith.addi %rem3A_1420, %select_n3A_1419 : i32
      %select_n3A_1430 = arith.select %and3A_1428, %add3A_1429, %rem3A_1420 : i32
      %add3A_1431 = vector.broadcast %select_n3A_1430 : i32 to vector<16xi32>
      %add3A_1432 = arith.addi %add3A_1431, %shift_right_arithmetic3A_1180 : vector<16xi32>
      %add3A_1433 = arith.constant 0 : i32
      %add3A_1434 = vector.broadcast %add3A_1433 : i32 to vector<16xi32>
      %add3A_1435 = arith.addi %and3A_1183, %add3A_1434 : vector<16xi32>
      %broadcast_in_dim3A_1436 = vector.broadcast %select_n3A_1345 : i32 to vector<16xi32>
      %gather3A_1437 = tpu.vector_load_idx %arg10[%broadcast_in_dim3A_1436, %shift_right_arithmetic3A_1180, %add3A_1435, %gather3A_1409] : memref<3x4x64x128xf32, #tpu.memory_space<vmem>>[vector<16xi32>, vector<16xi32>, vector<16xi32>, vector<16xi32>], vector<16xf32>,
      %broadcast_in_dim3A_1438 = vector.broadcast %select_n3A_1345 : i32 to vector<16xi32>
      %gather3A_1439 = tpu.vector_load_idx %arg10[%broadcast_in_dim3A_1438, %shift_right_arithmetic3A_1180, %add3A_1435, %gather3A_1410] : memref<3x4x64x128xf32, #tpu.memory_space<vmem>>[vector<16xi32>, vector<16xi32>, vector<16xi32>, vector<16xi32>], vector<16xf32>,
      %mul3A_1440 = arith.mulf %gather3A_1437, %sub3A_1414 : vector<16xf32>
      %mul3A_1441 = arith.mulf %gather3A_1439, %gather3A_1411 : vector<16xf32>
      %add3A_1442 = arith.addf %mul3A_1440, %mul3A_1441 : vector<16xf32>
      tpu.vector_store_idx %arg12[%add3A_1435, %add3A_1432], %add3A_1442 : memref<64x128xf32, #tpu.memory_space<vmem>>[vector<16xi32>, vector<16xi32>], vector<16xf32>,
      %add3A_1443 = arith.constant 4 : i32
      %add3A_1444 = vector.broadcast %add3A_1443 : i32 to vector<16xi32>
      %add3A_1445 = arith.addi %and3A_1183, %add3A_1444 : vector<16xi32>
      %broadcast_in_dim3A_1446 = vector.broadcast %select_n3A_1345 : i32 to vector<16xi32>
      %gather3A_1447 = tpu.vector_load_idx %arg10[%broadcast_in_dim3A_1446, %shift_right_arithmetic3A_1180, %add3A_1445, %gather3A_1409] : memref<3x4x64x128xf32, #tpu.memory_space<vmem>>[vector<16xi32>, vector<16xi32>, vector<16xi32>, vector<16xi32>], vector<16xf32>,
      %broadcast_in_dim3A_1448 = vector.broadcast %select_n3A_1345 : i32 to vector<16xi32>
      %gather3A_1449 = tpu.vector_load_idx %arg10[%broadcast_in_dim3A_1448, %shift_right_arithmetic3A_1180, %add3A_1445, %gather3A_1410] : memref<3x4x64x128xf32, #tpu.memory_space<vmem>>[vector<16xi32>, vector<16xi32>, vector<16xi32>, vector<16xi32>], vector<16xf32>,
      %mul3A_1450 = arith.mulf %gather3A_1447, %sub3A_1414 : vector<16xf32>
      %mul3A_1451 = arith.mulf %gather3A_1449, %gather3A_1411 : vector<16xf32>
      %add3A_1452 = arith.addf %mul3A_1450, %mul3A_1451 : vector<16xf32>
      tpu.vector_store_idx %arg12[%add3A_1445, %add3A_1432], %add3A_1452 : memref<64x128xf32, #tpu.memory_space<vmem>>[vector<16xi32>, vector<16xi32>], vector<16xf32>,
      %add3A_1453 = arith.constant 8 : i32
      %add3A_1454 = vector.broadcast %add3A_1453 : i32 to vector<16xi32>
      %add3A_1455 = arith.addi %and3A_1183, %add3A_1454 : vector<16xi32>
      %broadcast_in_dim3A_1456 = vector.broadcast %select_n3A_1345 : i32 to vector<16xi32>
      %gather3A_1457 = tpu.vector_load_idx %arg10[%broadcast_in_dim3A_1456, %shift_right_arithmetic3A_1180, %add3A_1455, %gather3A_1409] : memref<3x4x64x128xf32, #tpu.memory_space<vmem>>[vector<16xi32>, vector<16xi32>, vector<16xi32>, vector<16xi32>], vector<16xf32>,
      %broadcast_in_dim3A_1458 = vector.broadcast %select_n3A_1345 : i32 to vector<16xi32>
      %gather3A_1459 = tpu.vector_load_idx %arg10[%broadcast_in_dim3A_1458, %shift_right_arithmetic3A_1180, %add3A_1455, %gather3A_1410] : memref<3x4x64x128xf32, #tpu.memory_space<vmem>>[vector<16xi32>, vector<16xi32>, vector<16xi32>, vector<16xi32>], vector<16xf32>,
      %mul3A_1460 = arith.mulf %gather3A_1457, %sub3A_1414 : vector<16xf32>
      %mul3A_1461 = arith.mulf %gather3A_1459, %gather3A_1411 : vector<16xf32>
      %add3A_1462 = arith.addf %mul3A_1460, %mul3A_1461 : vector<16xf32>
      tpu.vector_store_idx %arg12[%add3A_1455, %add3A_1432], %add3A_1462 : memref<64x128xf32, #tpu.memory_space<vmem>>[vector<16xi32>, vector<16xi32>], vector<16xf32>,
      %add3A_1463 = arith.constant 12 : i32
      %add3A_1464 = vector.broadcast %add3A_1463 : i32 to vector<16xi32>
      %add3A_1465 = arith.addi %and3A_1183, %add3A_1464 : vector<16xi32>
      %broadcast_in_dim3A_1466 = vector.broadcast %select_n3A_1345 : i32 to vector<16xi32>
      %gather3A_1467 = tpu.vector_load_idx %arg10[%broadcast_in_dim3A_1466, %shift_right_arithmetic3A_1180, %add3A_1465, %gather3A_1409] : memref<3x4x64x128xf32, #tpu.memory_space<vmem>>[vector<16xi32>, vector<16xi32>, vector<16xi32>, vector<16xi32>], vector<16xf32>,
      %broadcast_in_dim3A_1468 = vector.broadcast %select_n3A_1345 : i32 to vector<16xi32>
      %gather3A_1469 = tpu.vector_load_idx %arg10[%broadcast_in_dim3A_1468, %shift_right_arithmetic3A_1180, %add3A_1465, %gather3A_1410] : memref<3x4x64x128xf32, #tpu.memory_space<vmem>>[vector<16xi32>, vector<16xi32>, vector<16xi32>, vector<16xi32>], vector<16xf32>,
      %mul3A_1470 = arith.mulf %gather3A_1467, %sub3A_1414 : vector<16xf32>
      %mul3A_1471 = arith.mulf %gather3A_1469, %gather3A_1411 : vector<16xf32>
      %add3A_1472 = arith.addf %mul3A_1470, %mul3A_1471 : vector<16xf32>
      tpu.vector_store_idx %arg12[%add3A_1465, %add3A_1432], %add3A_1472 : memref<64x128xf32, #tpu.memory_space<vmem>>[vector<16xi32>, vector<16xi32>], vector<16xf32>,
      %add3A_1473 = arith.constant 16 : i32
      %add3A_1474 = vector.broadcast %add3A_1473 : i32 to vector<16xi32>
      %add3A_1475 = arith.addi %and3A_1183, %add3A_1474 : vector<16xi32>
      %broadcast_in_dim3A_1476 = vector.broadcast %select_n3A_1345 : i32 to vector<16xi32>
      %gather3A_1477 = tpu.vector_load_idx %arg10[%broadcast_in_dim3A_1476, %shift_right_arithmetic3A_1180, %add3A_1475, %gather3A_1409] : memref<3x4x64x128xf32, #tpu.memory_space<vmem>>[vector<16xi32>, vector<16xi32>, vector<16xi32>, vector<16xi32>], vector<16xf32>,
      %broadcast_in_dim3A_1478 = vector.broadcast %select_n3A_1345 : i32 to vector<16xi32>
      %gather3A_1479 = tpu.vector_load_idx %arg10[%broadcast_in_dim3A_1478, %shift_right_arithmetic3A_1180, %add3A_1475, %gather3A_1410] : memref<3x4x64x128xf32, #tpu.memory_space<vmem>>[vector<16xi32>, vector<16xi32>, vector<16xi32>, vector<16xi32>], vector<16xf32>,
      %mul3A_1480 = arith.mulf %gather3A_1477, %sub3A_1414 : vector<16xf32>
      %mul3A_1481 = arith.mulf %gather3A_1479, %gather3A_1411 : vector<16xf32>
      %add3A_1482 = arith.addf %mul3A_1480, %mul3A_1481 : vector<16xf32>
      tpu.vector_store_idx %arg12[%add3A_1475, %add3A_1432], %add3A_1482 : memref<64x128xf32, #tpu.memory_space<vmem>>[vector<16xi32>, vector<16xi32>], vector<16xf32>,
      %add3A_1483 = arith.constant 20 : i32
      %add3A_1484 = vector.broadcast %add3A_1483 : i32 to vector<16xi32>
      %add3A_1485 = arith.addi %and3A_1183, %add3A_1484 : vector<16xi32>
      %broadcast_in_dim3A_1486 = vector.broadcast %select_n3A_1345 : i32 to vector<16xi32>
      %gather3A_1487 = tpu.vector_load_idx %arg10[%broadcast_in_dim3A_1486, %shift_right_arithmetic3A_1180, %add3A_1485, %gather3A_1409] : memref<3x4x64x128xf32, #tpu.memory_space<vmem>>[vector<16xi32>, vector<16xi32>, vector<16xi32>, vector<16xi32>], vector<16xf32>,
      %broadcast_in_dim3A_1488 = vector.broadcast %select_n3A_1345 : i32 to vector<16xi32>
      %gather3A_1489 = tpu.vector_load_idx %arg10[%broadcast_in_dim3A_1488, %shift_right_arithmetic3A_1180, %add3A_1485, %gather3A_1410] : memref<3x4x64x128xf32, #tpu.memory_space<vmem>>[vector<16xi32>, vector<16xi32>, vector<16xi32>, vector<16xi32>], vector<16xf32>,
      %mul3A_1490 = arith.mulf %gather3A_1487, %sub3A_1414 : vector<16xf32>
      %mul3A_1491 = arith.mulf %gather3A_1489, %gather3A_1411 : vector<16xf32>
      %add3A_1492 = arith.addf %mul3A_1490, %mul3A_1491 : vector<16xf32>
      tpu.vector_store_idx %arg12[%add3A_1485, %add3A_1432], %add3A_1492 : memref<64x128xf32, #tpu.memory_space<vmem>>[vector<16xi32>, vector<16xi32>], vector<16xf32>,
      %add3A_1493 = arith.constant 24 : i32
      %add3A_1494 = vector.broadcast %add3A_1493 : i32 to vector<16xi32>
      %add3A_1495 = arith.addi %and3A_1183, %add3A_1494 : vector<16xi32>
      %broadcast_in_dim3A_1496 = vector.broadcast %select_n3A_1345 : i32 to vector<16xi32>
      %gather3A_1497 = tpu.vector_load_idx %arg10[%broadcast_in_dim3A_1496, %shift_right_arithmetic3A_1180, %add3A_1495, %gather3A_1409] : memref<3x4x64x128xf32, #tpu.memory_space<vmem>>[vector<16xi32>, vector<16xi32>, vector<16xi32>, vector<16xi32>], vector<16xf32>,
      %broadcast_in_dim3A_1498 = vector.broadcast %select_n3A_1345 : i32 to vector<16xi32>
      %gather3A_1499 = tpu.vector_load_idx %arg10[%broadcast_in_dim3A_1498, %shift_right_arithmetic3A_1180, %add3A_1495, %gather3A_1410] : memref<3x4x64x128xf32, #tpu.memory_space<vmem>>[vector<16xi32>, vector<16xi32>, vector<16xi32>, vector<16xi32>], vector<16xf32>,
      %mul3A_1500 = arith.mulf %gather3A_1497, %sub3A_1414 : vector<16xf32>
      %mul3A_1501 = arith.mulf %gather3A_1499, %gather3A_1411 : vector<16xf32>
      %add3A_1502 = arith.addf %mul3A_1500, %mul3A_1501 : vector<16xf32>
      tpu.vector_store_idx %arg12[%add3A_1495, %add3A_1432], %add3A_1502 : memref<64x128xf32, #tpu.memory_space<vmem>>[vector<16xi32>, vector<16xi32>], vector<16xf32>,
      %add3A_1503 = arith.constant 28 : i32
      %add3A_1504 = vector.broadcast %add3A_1503 : i32 to vector<16xi32>
      %add3A_1505 = arith.addi %and3A_1183, %add3A_1504 : vector<16xi32>
      %broadcast_in_dim3A_1506 = vector.broadcast %select_n3A_1345 : i32 to vector<16xi32>
      %gather3A_1507 = tpu.vector_load_idx %arg10[%broadcast_in_dim3A_1506, %shift_right_arithmetic3A_1180, %add3A_1505, %gather3A_1409] : memref<3x4x64x128xf32, #tpu.memory_space<vmem>>[vector<16xi32>, vector<16xi32>, vector<16xi32>, vector<16xi32>], vector<16xf32>,
      %broadcast_in_dim3A_1508 = vector.broadcast %select_n3A_1345 : i32 to vector<16xi32>
      %gather3A_1509 = tpu.vector_load_idx %arg10[%broadcast_in_dim3A_1508, %shift_right_arithmetic3A_1180, %add3A_1505, %gather3A_1410] : memref<3x4x64x128xf32, #tpu.memory_space<vmem>>[vector<16xi32>, vector<16xi32>, vector<16xi32>, vector<16xi32>], vector<16xf32>,
      %mul3A_1510 = arith.mulf %gather3A_1507, %sub3A_1414 : vector<16xf32>
      %mul3A_1511 = arith.mulf %gather3A_1509, %gather3A_1411 : vector<16xf32>
      %add3A_1512 = arith.addf %mul3A_1510, %mul3A_1511 : vector<16xf32>
      tpu.vector_store_idx %arg12[%add3A_1505, %add3A_1432], %add3A_1512 : memref<64x128xf32, #tpu.memory_space<vmem>>[vector<16xi32>, vector<16xi32>], vector<16xf32>,
      %add3A_1513 = arith.constant 32 : i32
      %add3A_1514 = vector.broadcast %add3A_1513 : i32 to vector<16xi32>
      %add3A_1515 = arith.addi %and3A_1183, %add3A_1514 : vector<16xi32>
      %broadcast_in_dim3A_1516 = vector.broadcast %select_n3A_1345 : i32 to vector<16xi32>
      %gather3A_1517 = tpu.vector_load_idx %arg10[%broadcast_in_dim3A_1516, %shift_right_arithmetic3A_1180, %add3A_1515, %gather3A_1409] : memref<3x4x64x128xf32, #tpu.memory_space<vmem>>[vector<16xi32>, vector<16xi32>, vector<16xi32>, vector<16xi32>], vector<16xf32>,
      %broadcast_in_dim3A_1518 = vector.broadcast %select_n3A_1345 : i32 to vector<16xi32>
      %gather3A_1519 = tpu.vector_load_idx %arg10[%broadcast_in_dim3A_1518, %shift_right_arithmetic3A_1180, %add3A_1515, %gather3A_1410] : memref<3x4x64x128xf32, #tpu.memory_space<vmem>>[vector<16xi32>, vector<16xi32>, vector<16xi32>, vector<16xi32>], vector<16xf32>,
      %mul3A_1520 = arith.mulf %gather3A_1517, %sub3A_1414 : vector<16xf32>
      %mul3A_1521 = arith.mulf %gather3A_1519, %gather3A_1411 : vector<16xf32>
      %add3A_1522 = arith.addf %mul3A_1520, %mul3A_1521 : vector<16xf32>
      tpu.vector_store_idx %arg12[%add3A_1515, %add3A_1432], %add3A_1522 : memref<64x128xf32, #tpu.memory_space<vmem>>[vector<16xi32>, vector<16xi32>], vector<16xf32>,
      %add3A_1523 = arith.constant 36 : i32
      %add3A_1524 = vector.broadcast %add3A_1523 : i32 to vector<16xi32>
      %add3A_1525 = arith.addi %and3A_1183, %add3A_1524 : vector<16xi32>
      %broadcast_in_dim3A_1526 = vector.broadcast %select_n3A_1345 : i32 to vector<16xi32>
      %gather3A_1527 = tpu.vector_load_idx %arg10[%broadcast_in_dim3A_1526, %shift_right_arithmetic3A_1180, %add3A_1525, %gather3A_1409] : memref<3x4x64x128xf32, #tpu.memory_space<vmem>>[vector<16xi32>, vector<16xi32>, vector<16xi32>, vector<16xi32>], vector<16xf32>,
      %broadcast_in_dim3A_1528 = vector.broadcast %select_n3A_1345 : i32 to vector<16xi32>
      %gather3A_1529 = tpu.vector_load_idx %arg10[%broadcast_in_dim3A_1528, %shift_right_arithmetic3A_1180, %add3A_1525, %gather3A_1410] : memref<3x4x64x128xf32, #tpu.memory_space<vmem>>[vector<16xi32>, vector<16xi32>, vector<16xi32>, vector<16xi32>], vector<16xf32>,
      %mul3A_1530 = arith.mulf %gather3A_1527, %sub3A_1414 : vector<16xf32>
      %mul3A_1531 = arith.mulf %gather3A_1529, %gather3A_1411 : vector<16xf32>
      %add3A_1532 = arith.addf %mul3A_1530, %mul3A_1531 : vector<16xf32>
      tpu.vector_store_idx %arg12[%add3A_1525, %add3A_1432], %add3A_1532 : memref<64x128xf32, #tpu.memory_space<vmem>>[vector<16xi32>, vector<16xi32>], vector<16xf32>,
      %add3A_1533 = arith.constant 40 : i32
      %add3A_1534 = vector.broadcast %add3A_1533 : i32 to vector<16xi32>
      %add3A_1535 = arith.addi %and3A_1183, %add3A_1534 : vector<16xi32>
      %broadcast_in_dim3A_1536 = vector.broadcast %select_n3A_1345 : i32 to vector<16xi32>
      %gather3A_1537 = tpu.vector_load_idx %arg10[%broadcast_in_dim3A_1536, %shift_right_arithmetic3A_1180, %add3A_1535, %gather3A_1409] : memref<3x4x64x128xf32, #tpu.memory_space<vmem>>[vector<16xi32>, vector<16xi32>, vector<16xi32>, vector<16xi32>], vector<16xf32>,
      %broadcast_in_dim3A_1538 = vector.broadcast %select_n3A_1345 : i32 to vector<16xi32>
      %gather3A_1539 = tpu.vector_load_idx %arg10[%broadcast_in_dim3A_1538, %shift_right_arithmetic3A_1180, %add3A_1535, %gather3A_1410] : memref<3x4x64x128xf32, #tpu.memory_space<vmem>>[vector<16xi32>, vector<16xi32>, vector<16xi32>, vector<16xi32>], vector<16xf32>,
      %mul3A_1540 = arith.mulf %gather3A_1537, %sub3A_1414 : vector<16xf32>
      %mul3A_1541 = arith.mulf %gather3A_1539, %gather3A_1411 : vector<16xf32>
      %add3A_1542 = arith.addf %mul3A_1540, %mul3A_1541 : vector<16xf32>
      tpu.vector_store_idx %arg12[%add3A_1535, %add3A_1432], %add3A_1542 : memref<64x128xf32, #tpu.memory_space<vmem>>[vector<16xi32>, vector<16xi32>], vector<16xf32>,
      %add3A_1543 = arith.constant 44 : i32
      %add3A_1544 = vector.broadcast %add3A_1543 : i32 to vector<16xi32>
      %add3A_1545 = arith.addi %and3A_1183, %add3A_1544 : vector<16xi32>
      %broadcast_in_dim3A_1546 = vector.broadcast %select_n3A_1345 : i32 to vector<16xi32>
      %gather3A_1547 = tpu.vector_load_idx %arg10[%broadcast_in_dim3A_1546, %shift_right_arithmetic3A_1180, %add3A_1545, %gather3A_1409] : memref<3x4x64x128xf32, #tpu.memory_space<vmem>>[vector<16xi32>, vector<16xi32>, vector<16xi32>, vector<16xi32>], vector<16xf32>,
      %broadcast_in_dim3A_1548 = vector.broadcast %select_n3A_1345 : i32 to vector<16xi32>
      %gather3A_1549 = tpu.vector_load_idx %arg10[%broadcast_in_dim3A_1548, %shift_right_arithmetic3A_1180, %add3A_1545, %gather3A_1410] : memref<3x4x64x128xf32, #tpu.memory_space<vmem>>[vector<16xi32>, vector<16xi32>, vector<16xi32>, vector<16xi32>], vector<16xf32>,
      %mul3A_1550 = arith.mulf %gather3A_1547, %sub3A_1414 : vector<16xf32>
      %mul3A_1551 = arith.mulf %gather3A_1549, %gather3A_1411 : vector<16xf32>
      %add3A_1552 = arith.addf %mul3A_1550, %mul3A_1551 : vector<16xf32>
      tpu.vector_store_idx %arg12[%add3A_1545, %add3A_1432], %add3A_1552 : memref<64x128xf32, #tpu.memory_space<vmem>>[vector<16xi32>, vector<16xi32>], vector<16xf32>,
      %add3A_1553 = arith.constant 48 : i32
      %add3A_1554 = vector.broadcast %add3A_1553 : i32 to vector<16xi32>
      %add3A_1555 = arith.addi %and3A_1183, %add3A_1554 : vector<16xi32>
      %broadcast_in_dim3A_1556 = vector.broadcast %select_n3A_1345 : i32 to vector<16xi32>
      %gather3A_1557 = tpu.vector_load_idx %arg10[%broadcast_in_dim3A_1556, %shift_right_arithmetic3A_1180, %add3A_1555, %gather3A_1409] : memref<3x4x64x128xf32, #tpu.memory_space<vmem>>[vector<16xi32>, vector<16xi32>, vector<16xi32>, vector<16xi32>], vector<16xf32>,
      %broadcast_in_dim3A_1558 = vector.broadcast %select_n3A_1345 : i32 to vector<16xi32>
      %gather3A_1559 = tpu.vector_load_idx %arg10[%broadcast_in_dim3A_1558, %shift_right_arithmetic3A_1180, %add3A_1555, %gather3A_1410] : memref<3x4x64x128xf32, #tpu.memory_space<vmem>>[vector<16xi32>, vector<16xi32>, vector<16xi32>, vector<16xi32>], vector<16xf32>,
      %mul3A_1560 = arith.mulf %gather3A_1557, %sub3A_1414 : vector<16xf32>
      %mul3A_1561 = arith.mulf %gather3A_1559, %gather3A_1411 : vector<16xf32>
      %add3A_1562 = arith.addf %mul3A_1560, %mul3A_1561 : vector<16xf32>
      tpu.vector_store_idx %arg12[%add3A_1555, %add3A_1432], %add3A_1562 : memref<64x128xf32, #tpu.memory_space<vmem>>[vector<16xi32>, vector<16xi32>], vector<16xf32>,
      %add3A_1563 = arith.constant 52 : i32
      %add3A_1564 = vector.broadcast %add3A_1563 : i32 to vector<16xi32>
      %add3A_1565 = arith.addi %and3A_1183, %add3A_1564 : vector<16xi32>
      %broadcast_in_dim3A_1566 = vector.broadcast %select_n3A_1345 : i32 to vector<16xi32>
      %gather3A_1567 = tpu.vector_load_idx %arg10[%broadcast_in_dim3A_1566, %shift_right_arithmetic3A_1180, %add3A_1565, %gather3A_1409] : memref<3x4x64x128xf32, #tpu.memory_space<vmem>>[vector<16xi32>, vector<16xi32>, vector<16xi32>, vector<16xi32>], vector<16xf32>,
      %broadcast_in_dim3A_1568 = vector.broadcast %select_n3A_1345 : i32 to vector<16xi32>
      %gather3A_1569 = tpu.vector_load_idx %arg10[%broadcast_in_dim3A_1568, %shift_right_arithmetic3A_1180, %add3A_1565, %gather3A_1410] : memref<3x4x64x128xf32, #tpu.memory_space<vmem>>[vector<16xi32>, vector<16xi32>, vector<16xi32>, vector<16xi32>], vector<16xf32>,
      %mul3A_1570 = arith.mulf %gather3A_1567, %sub3A_1414 : vector<16xf32>
      %mul3A_1571 = arith.mulf %gather3A_1569, %gather3A_1411 : vector<16xf32>
      %add3A_1572 = arith.addf %mul3A_1570, %mul3A_1571 : vector<16xf32>
      tpu.vector_store_idx %arg12[%add3A_1565, %add3A_1432], %add3A_1572 : memref<64x128xf32, #tpu.memory_space<vmem>>[vector<16xi32>, vector<16xi32>], vector<16xf32>,
      %add3A_1573 = arith.constant 56 : i32
      %add3A_1574 = vector.broadcast %add3A_1573 : i32 to vector<16xi32>
      %add3A_1575 = arith.addi %and3A_1183, %add3A_1574 : vector<16xi32>
      %broadcast_in_dim3A_1576 = vector.broadcast %select_n3A_1345 : i32 to vector<16xi32>
      %gather3A_1577 = tpu.vector_load_idx %arg10[%broadcast_in_dim3A_1576, %shift_right_arithmetic3A_1180, %add3A_1575, %gather3A_1409] : memref<3x4x64x128xf32, #tpu.memory_space<vmem>>[vector<16xi32>, vector<16xi32>, vector<16xi32>, vector<16xi32>], vector<16xf32>,
      %broadcast_in_dim3A_1578 = vector.broadcast %select_n3A_1345 : i32 to vector<16xi32>
      %gather3A_1579 = tpu.vector_load_idx %arg10[%broadcast_in_dim3A_1578, %shift_right_arithmetic3A_1180, %add3A_1575, %gather3A_1410] : memref<3x4x64x128xf32, #tpu.memory_space<vmem>>[vector<16xi32>, vector<16xi32>, vector<16xi32>, vector<16xi32>], vector<16xf32>,
      %mul3A_1580 = arith.mulf %gather3A_1577, %sub3A_1414 : vector<16xf32>
      %mul3A_1581 = arith.mulf %gather3A_1579, %gather3A_1411 : vector<16xf32>
      %add3A_1582 = arith.addf %mul3A_1580, %mul3A_1581 : vector<16xf32>
      tpu.vector_store_idx %arg12[%add3A_1575, %add3A_1432], %add3A_1582 : memref<64x128xf32, #tpu.memory_space<vmem>>[vector<16xi32>, vector<16xi32>], vector<16xf32>,
      %add3A_1583 = arith.constant 60 : i32
      %add3A_1584 = vector.broadcast %add3A_1583 : i32 to vector<16xi32>
      %add3A_1585 = arith.addi %and3A_1183, %add3A_1584 : vector<16xi32>
      %broadcast_in_dim3A_1586 = vector.broadcast %select_n3A_1345 : i32 to vector<16xi32>
      %gather3A_1587 = tpu.vector_load_idx %arg10[%broadcast_in_dim3A_1586, %shift_right_arithmetic3A_1180, %add3A_1585, %gather3A_1409] : memref<3x4x64x128xf32, #tpu.memory_space<vmem>>[vector<16xi32>, vector<16xi32>, vector<16xi32>, vector<16xi32>], vector<16xf32>,
      %broadcast_in_dim3A_1588 = vector.broadcast %select_n3A_1345 : i32 to vector<16xi32>
      %gather3A_1589 = tpu.vector_load_idx %arg10[%broadcast_in_dim3A_1588, %shift_right_arithmetic3A_1180, %add3A_1585, %gather3A_1410] : memref<3x4x64x128xf32, #tpu.memory_space<vmem>>[vector<16xi32>, vector<16xi32>, vector<16xi32>, vector<16xi32>], vector<16xf32>,
      %mul3A_1590 = arith.mulf %gather3A_1587, %sub3A_1414 : vector<16xf32>
      %mul3A_1591 = arith.mulf %gather3A_1589, %gather3A_1411 : vector<16xf32>
      %add3A_1592 = arith.addf %mul3A_1590, %mul3A_1591 : vector<16xf32>
      tpu.vector_store_idx %arg12[%add3A_1585, %add3A_1432], %add3A_1592 : memref<64x128xf32, #tpu.memory_space<vmem>>[vector<16xi32>, vector<16xi32>], vector<16xf32>,
      %slice3A_1593 = vector.extract_strided_slice %gather3A_1409 {offsets = [0], sizes = [1], strides = [1]} : vector<16xi32> to vector<1xi32>
      %squeeze3A_1594 = vector.extract %slice3A_1593[0] : i32 from vector<1xi32>
      %eq3A_1595 = arith.constant 127 : i32
      %eq3A_1596 = arith.cmpi eq, %squeeze3A_1594, %eq3A_1595 : i32
      %convert_element_type3A_1597 = arith.extui %eq3A_1596 : i1 to i32
      %cond3A_1598 = arith.constant 0 : i32
      %cond3A_1599 = arith.cmpi ne, %convert_element_type3A_1597, %cond3A_1598 : i32
      scf.if %cond3A_1599 {
        %add3A_1642 = vector.broadcast %mul3A_1406 : i32 to vector<16xi32>
        %add3A_1643 = arith.addi %add3A_1642, %shift_right_arithmetic3A_1180 : vector<16xi32>
        %gather3A_1644 = tpu.vector_load_idx %arg9[%add3A_1643] : memref<512xi32, #tpu.memory_space<vmem>>[vector<16xi32>], vector<16xi32>,
        %slice3A_1645 = vector.extract_strided_slice %gather3A_1644 {offsets = [0], sizes = [1], strides = [1]} : vector<16xi32> to vector<1xi32>
        %squeeze3A_1646 = vector.extract %slice3A_1645[0] : i32 from vector<1xi32>
        %add3A_1647 = arith.constant 128 : i32
        %add3A_1648 = arith.addi %squeeze3A_1646, %add3A_1647 : i32
        %multiple_of3A_1649 = tpu.assume_multiple %add3A_1648, 128 : i32
        "tpu.region"() ({
          %run_scoped3A = tpu.sem_alloc : memref<!tpu.dma_semaphore, #tpu.memory_space<semaphore_mem>>
          %dma_start3A_1707 = arith.constant 0 : i32
          %dma_start3A_1708 = tpu.memref_slice %arg2[%dma_start3A_1707, %multiple_of3A_1649] : memref<64x1000000xf32, #tpu.memory_space<hbm>> -> memref<64x128xf32, #tpu.memory_space<hbm>>
          %dma_start3A_1709 = arith.constant 0 : i32
          %dma_start3A_1710 = tpu.memref_slice %arg2[%dma_start3A_1709, %multiple_of3A_1649] : memref<64x1000000xf32, #tpu.memory_space<hbm>> -> memref<64x128xf32, #tpu.memory_space<hbm>>
          tpu.enqueue_dma source(%dma_start3A_1710 : memref<64x128xf32, #tpu.memory_space<hbm>>) target(%arg11 : memref<64x128xf32, #tpu.memory_space<vmem>>) target_semaphore(%run_scoped3A : memref<!tpu.dma_semaphore, #tpu.memory_space<semaphore_mem>>)
          %dma_wait3A_1711 = arith.constant 0 : i32
          %dma_wait3A_1712 = tpu.memref_slice %arg2[%dma_wait3A_1711, %multiple_of3A_1649] : memref<64x1000000xf32, #tpu.memory_space<hbm>> -> memref<64x128xf32, #tpu.memory_space<hbm>>
          %dma_wait3A_1713 = arith.constant 0 : i32
          %dma_wait3A_1714 = tpu.memref_slice %arg2[%dma_wait3A_1713, %multiple_of3A_1649] : memref<64x1000000xf32, #tpu.memory_space<hbm>> -> memref<64x128xf32, #tpu.memory_space<hbm>>
          tpu.wait_dma2 semaphore(%run_scoped3A : memref<!tpu.dma_semaphore, #tpu.memory_space<semaphore_mem>>) src(%dma_wait3A_1714 : memref<64x128xf32, #tpu.memory_space<hbm>>) dst(%arg11 : memref<64x128xf32, #tpu.memory_space<vmem>>)
          tpu.yield
        }) : () -> ()
        %slice3A_1650 = vector.extract_strided_slice %gather3A_1411 {offsets = [0], sizes = [1], strides = [1]} : vector<16xf32> to vector<1xf32>
        %squeeze3A_1651 = vector.extract %slice3A_1650[0] : f32 from vector<1xf32>
        %slice3A_1652 = vector.extract_strided_slice %sub3A_1414 {offsets = [0], sizes = [1], strides = [1]} : vector<16xf32> to vector<1xf32>
        %squeeze3A_1653 = vector.extract %slice3A_1652[0] : f32 from vector<1xf32>
        %broadcast_in_dim3A_1654 = arith.constant 0 : i32
        %broadcast_in_dim3A_1655 = vector.broadcast %broadcast_in_dim3A_1654 : i32 to vector<16xi32>
        %slice3A_1656 = vector.extract_strided_slice %add3A_1432 {offsets = [0], sizes = [1], strides = [1]} : vector<16xi32> to vector<1xi32>
        %squeeze3A_1657 = vector.extract %slice3A_1656[0] : i32 from vector<1xi32>
        %add3A_1658 = arith.constant 0 : i32
        %add3A_1659 = arith.addi %squeeze3A_1657, %add3A_1658 : i32
        %add3A_1660 = vector.broadcast %add3A_1659 : i32 to vector<16xi32>
        %add3A_1661 = arith.addi %broadcast_in_dim3A_1655, %add3A_1660 : vector<16xi32>
        %broadcast_in_dim3A_1662 = vector.broadcast %select_n3A_1345 : i32 to vector<16xi32>
        %broadcast_in_dim3A_1663 = arith.constant 0 : i32
        %broadcast_in_dim3A_1664 = vector.broadcast %broadcast_in_dim3A_1663 : i32 to vector<16xi32>
        %broadcast_in_dim3A_1665 = arith.constant 127 : i32
        %broadcast_in_dim3A_1666 = vector.broadcast %broadcast_in_dim3A_1665 : i32 to vector<16xi32>
        %add3A_1667 = arith.constant 0 : i32
        %add3A_1668 = vector.broadcast %add3A_1667 : i32 to vector<16xi32>
        %add3A_1669 = arith.addi %iota3A, %add3A_1668 : vector<16xi32>
        %gather3A_1670 = tpu.vector_load_idx %arg10[%broadcast_in_dim3A_1662, %broadcast_in_dim3A_1664, %add3A_1669, %broadcast_in_dim3A_1666] : memref<3x4x64x128xf32, #tpu.memory_space<vmem>>[vector<16xi32>, vector<16xi32>, vector<16xi32>, vector<16xi32>], vector<16xf32>,
        %gather3A_1671 = tpu.vector_load_idx %arg11[%add3A_1669, %broadcast_in_dim3A_1184] : memref<64x128xf32, #tpu.memory_space<vmem>>[vector<16xi32>, vector<16xi32>], vector<16xf32>,
        %mul3A_1672 = vector.broadcast %squeeze3A_1653 : f32 to vector<16xf32>
        %mul3A_1673 = arith.mulf %gather3A_1670, %mul3A_1672 : vector<16xf32>
        %mul3A_1674 = vector.broadcast %squeeze3A_1651 : f32 to vector<16xf32>
        %mul3A_1675 = arith.mulf %gather3A_1671, %mul3A_1674 : vector<16xf32>
        %add3A_1676 = arith.addf %mul3A_1673, %mul3A_1675 : vector<16xf32>
        tpu.vector_store_idx %arg12[%add3A_1669, %add3A_1661], %add3A_1676 : memref<64x128xf32, #tpu.memory_space<vmem>>[vector<16xi32>, vector<16xi32>], vector<16xf32>,
        %add3A_1677 = arith.constant 16 : i32
        %add3A_1678 = vector.broadcast %add3A_1677 : i32 to vector<16xi32>
        %add3A_1679 = arith.addi %iota3A, %add3A_1678 : vector<16xi32>
        %gather3A_1680 = tpu.vector_load_idx %arg10[%broadcast_in_dim3A_1662, %broadcast_in_dim3A_1664, %add3A_1679, %broadcast_in_dim3A_1666] : memref<3x4x64x128xf32, #tpu.memory_space<vmem>>[vector<16xi32>, vector<16xi32>, vector<16xi32>, vector<16xi32>], vector<16xf32>,
        %gather3A_1681 = tpu.vector_load_idx %arg11[%add3A_1679, %broadcast_in_dim3A_1184] : memref<64x128xf32, #tpu.memory_space<vmem>>[vector<16xi32>, vector<16xi32>], vector<16xf32>,
        %mul3A_1682 = vector.broadcast %squeeze3A_1653 : f32 to vector<16xf32>
        %mul3A_1683 = arith.mulf %gather3A_1680, %mul3A_1682 : vector<16xf32>
        %mul3A_1684 = vector.broadcast %squeeze3A_1651 : f32 to vector<16xf32>
        %mul3A_1685 = arith.mulf %gather3A_1681, %mul3A_1684 : vector<16xf32>
        %add3A_1686 = arith.addf %mul3A_1683, %mul3A_1685 : vector<16xf32>
        tpu.vector_store_idx %arg12[%add3A_1679, %add3A_1661], %add3A_1686 : memref<64x128xf32, #tpu.memory_space<vmem>>[vector<16xi32>, vector<16xi32>], vector<16xf32>,
        %add3A_1687 = arith.constant 32 : i32
        %add3A_1688 = vector.broadcast %add3A_1687 : i32 to vector<16xi32>
        %add3A_1689 = arith.addi %iota3A, %add3A_1688 : vector<16xi32>
        %gather3A_1690 = tpu.vector_load_idx %arg10[%broadcast_in_dim3A_1662, %broadcast_in_dim3A_1664, %add3A_1689, %broadcast_in_dim3A_1666] : memref<3x4x64x128xf32, #tpu.memory_space<vmem>>[vector<16xi32>, vector<16xi32>, vector<16xi32>, vector<16xi32>], vector<16xf32>,
        %gather3A_1691 = tpu.vector_load_idx %arg11[%add3A_1689, %broadcast_in_dim3A_1184] : memref<64x128xf32, #tpu.memory_space<vmem>>[vector<16xi32>, vector<16xi32>], vector<16xf32>,
        %mul3A_1692 = vector.broadcast %squeeze3A_1653 : f32 to vector<16xf32>
        %mul3A_1693 = arith.mulf %gather3A_1690, %mul3A_1692 : vector<16xf32>
        %mul3A_1694 = vector.broadcast %squeeze3A_1651 : f32 to vector<16xf32>
        %mul3A_1695 = arith.mulf %gather3A_1691, %mul3A_1694 : vector<16xf32>
        %add3A_1696 = arith.addf %mul3A_1693, %mul3A_1695 : vector<16xf32>
        tpu.vector_store_idx %arg12[%add3A_1689, %add3A_1661], %add3A_1696 : memref<64x128xf32, #tpu.memory_space<vmem>>[vector<16xi32>, vector<16xi32>], vector<16xf32>,
        %add3A_1697 = arith.constant 48 : i32
        %add3A_1698 = vector.broadcast %add3A_1697 : i32 to vector<16xi32>
        %add3A_1699 = arith.addi %iota3A, %add3A_1698 : vector<16xi32>
        %gather3A_1700 = tpu.vector_load_idx %arg10[%broadcast_in_dim3A_1662, %broadcast_in_dim3A_1664, %add3A_1699, %broadcast_in_dim3A_1666] : memref<3x4x64x128xf32, #tpu.memory_space<vmem>>[vector<16xi32>, vector<16xi32>, vector<16xi32>, vector<16xi32>], vector<16xf32>,
        %gather3A_1701 = tpu.vector_load_idx %arg11[%add3A_1699, %broadcast_in_dim3A_1184] : memref<64x128xf32, #tpu.memory_space<vmem>>[vector<16xi32>, vector<16xi32>], vector<16xf32>,
        %mul3A_1702 = vector.broadcast %squeeze3A_1653 : f32 to vector<16xf32>
        %mul3A_1703 = arith.mulf %gather3A_1700, %mul3A_1702 : vector<16xf32>
        %mul3A_1704 = vector.broadcast %squeeze3A_1651 : f32 to vector<16xf32>
        %mul3A_1705 = arith.mulf %gather3A_1701, %mul3A_1704 : vector<16xf32>
        %add3A_1706 = arith.addf %mul3A_1703, %mul3A_1705 : vector<16xf32>
        tpu.vector_store_idx %arg12[%add3A_1699, %add3A_1661], %add3A_1706 : memref<64x128xf32, #tpu.memory_space<vmem>>[vector<16xi32>, vector<16xi32>], vector<16xf32>,
      } else {
      }
      %slice3A_1600 = vector.extract_strided_slice %gather3A_1409 {offsets = [4], sizes = [1], strides = [1]} : vector<16xi32> to vector<1xi32>
      %squeeze3A_1601 = vector.extract %slice3A_1600[0] : i32 from vector<1xi32>
      %eq3A_1602 = arith.constant 127 : i32
      %eq3A_1603 = arith.cmpi eq, %squeeze3A_1601, %eq3A_1602 : i32
      %convert_element_type3A_1604 = arith.extui %eq3A_1603 : i1 to i32
      %cond3A_1605 = arith.constant 0 : i32
      %cond3A_1606 = arith.cmpi ne, %convert_element_type3A_1604, %cond3A_1605 : i32
      scf.if %cond3A_1606 {
        %add3A_1642 = vector.broadcast %mul3A_1406 : i32 to vector<16xi32>
        %add3A_1643 = arith.addi %add3A_1642, %shift_right_arithmetic3A_1180 : vector<16xi32>
        %gather3A_1644 = tpu.vector_load_idx %arg9[%add3A_1643] : memref<512xi32, #tpu.memory_space<vmem>>[vector<16xi32>], vector<16xi32>,
        %slice3A_1645 = vector.extract_strided_slice %gather3A_1644 {offsets = [4], sizes = [1], strides = [1]} : vector<16xi32> to vector<1xi32>
        %squeeze3A_1646 = vector.extract %slice3A_1645[0] : i32 from vector<1xi32>
        %add3A_1647 = arith.constant 128 : i32
        %add3A_1648 = arith.addi %squeeze3A_1646, %add3A_1647 : i32
        %multiple_of3A_1649 = tpu.assume_multiple %add3A_1648, 128 : i32
        "tpu.region"() ({
          %run_scoped3A = tpu.sem_alloc : memref<!tpu.dma_semaphore, #tpu.memory_space<semaphore_mem>>
          %dma_start3A_1707 = arith.constant 0 : i32
          %dma_start3A_1708 = tpu.memref_slice %arg2[%dma_start3A_1707, %multiple_of3A_1649] : memref<64x1000000xf32, #tpu.memory_space<hbm>> -> memref<64x128xf32, #tpu.memory_space<hbm>>
          %dma_start3A_1709 = arith.constant 0 : i32
          %dma_start3A_1710 = tpu.memref_slice %arg2[%dma_start3A_1709, %multiple_of3A_1649] : memref<64x1000000xf32, #tpu.memory_space<hbm>> -> memref<64x128xf32, #tpu.memory_space<hbm>>
          tpu.enqueue_dma source(%dma_start3A_1710 : memref<64x128xf32, #tpu.memory_space<hbm>>) target(%arg11 : memref<64x128xf32, #tpu.memory_space<vmem>>) target_semaphore(%run_scoped3A : memref<!tpu.dma_semaphore, #tpu.memory_space<semaphore_mem>>)
          %dma_wait3A_1711 = arith.constant 0 : i32
          %dma_wait3A_1712 = tpu.memref_slice %arg2[%dma_wait3A_1711, %multiple_of3A_1649] : memref<64x1000000xf32, #tpu.memory_space<hbm>> -> memref<64x128xf32, #tpu.memory_space<hbm>>
          %dma_wait3A_1713 = arith.constant 0 : i32
          %dma_wait3A_1714 = tpu.memref_slice %arg2[%dma_wait3A_1713, %multiple_of3A_1649] : memref<64x1000000xf32, #tpu.memory_space<hbm>> -> memref<64x128xf32, #tpu.memory_space<hbm>>
          tpu.wait_dma2 semaphore(%run_scoped3A : memref<!tpu.dma_semaphore, #tpu.memory_space<semaphore_mem>>) src(%dma_wait3A_1714 : memref<64x128xf32, #tpu.memory_space<hbm>>) dst(%arg11 : memref<64x128xf32, #tpu.memory_space<vmem>>)
          tpu.yield
        }) : () -> ()
        %slice3A_1650 = vector.extract_strided_slice %gather3A_1411 {offsets = [4], sizes = [1], strides = [1]} : vector<16xf32> to vector<1xf32>
        %squeeze3A_1651 = vector.extract %slice3A_1650[0] : f32 from vector<1xf32>
        %slice3A_1652 = vector.extract_strided_slice %sub3A_1414 {offsets = [4], sizes = [1], strides = [1]} : vector<16xf32> to vector<1xf32>
        %squeeze3A_1653 = vector.extract %slice3A_1652[0] : f32 from vector<1xf32>
        %broadcast_in_dim3A_1654 = arith.constant 0 : i32
        %broadcast_in_dim3A_1655 = vector.broadcast %broadcast_in_dim3A_1654 : i32 to vector<16xi32>
        %slice3A_1656 = vector.extract_strided_slice %add3A_1432 {offsets = [0], sizes = [1], strides = [1]} : vector<16xi32> to vector<1xi32>
        %squeeze3A_1657 = vector.extract %slice3A_1656[0] : i32 from vector<1xi32>
        %add3A_1658 = arith.constant 1 : i32
        %add3A_1659 = arith.addi %squeeze3A_1657, %add3A_1658 : i32
        %add3A_1660 = vector.broadcast %add3A_1659 : i32 to vector<16xi32>
        %add3A_1661 = arith.addi %broadcast_in_dim3A_1655, %add3A_1660 : vector<16xi32>
        %broadcast_in_dim3A_1662 = vector.broadcast %select_n3A_1345 : i32 to vector<16xi32>
        %broadcast_in_dim3A_1663 = arith.constant 1 : i32
        %broadcast_in_dim3A_1664 = vector.broadcast %broadcast_in_dim3A_1663 : i32 to vector<16xi32>
        %broadcast_in_dim3A_1665 = arith.constant 127 : i32
        %broadcast_in_dim3A_1666 = vector.broadcast %broadcast_in_dim3A_1665 : i32 to vector<16xi32>
        %add3A_1667 = arith.constant 0 : i32
        %add3A_1668 = vector.broadcast %add3A_1667 : i32 to vector<16xi32>
        %add3A_1669 = arith.addi %iota3A, %add3A_1668 : vector<16xi32>
        %gather3A_1670 = tpu.vector_load_idx %arg10[%broadcast_in_dim3A_1662, %broadcast_in_dim3A_1664, %add3A_1669, %broadcast_in_dim3A_1666] : memref<3x4x64x128xf32, #tpu.memory_space<vmem>>[vector<16xi32>, vector<16xi32>, vector<16xi32>, vector<16xi32>], vector<16xf32>,
        %gather3A_1671 = tpu.vector_load_idx %arg11[%add3A_1669, %broadcast_in_dim3A_1184] : memref<64x128xf32, #tpu.memory_space<vmem>>[vector<16xi32>, vector<16xi32>], vector<16xf32>,
        %mul3A_1672 = vector.broadcast %squeeze3A_1653 : f32 to vector<16xf32>
        %mul3A_1673 = arith.mulf %gather3A_1670, %mul3A_1672 : vector<16xf32>
        %mul3A_1674 = vector.broadcast %squeeze3A_1651 : f32 to vector<16xf32>
        %mul3A_1675 = arith.mulf %gather3A_1671, %mul3A_1674 : vector<16xf32>
        %add3A_1676 = arith.addf %mul3A_1673, %mul3A_1675 : vector<16xf32>
        tpu.vector_store_idx %arg12[%add3A_1669, %add3A_1661], %add3A_1676 : memref<64x128xf32, #tpu.memory_space<vmem>>[vector<16xi32>, vector<16xi32>], vector<16xf32>,
        %add3A_1677 = arith.constant 16 : i32
        %add3A_1678 = vector.broadcast %add3A_1677 : i32 to vector<16xi32>
        %add3A_1679 = arith.addi %iota3A, %add3A_1678 : vector<16xi32>
        %gather3A_1680 = tpu.vector_load_idx %arg10[%broadcast_in_dim3A_1662, %broadcast_in_dim3A_1664, %add3A_1679, %broadcast_in_dim3A_1666] : memref<3x4x64x128xf32, #tpu.memory_space<vmem>>[vector<16xi32>, vector<16xi32>, vector<16xi32>, vector<16xi32>], vector<16xf32>,
        %gather3A_1681 = tpu.vector_load_idx %arg11[%add3A_1679, %broadcast_in_dim3A_1184] : memref<64x128xf32, #tpu.memory_space<vmem>>[vector<16xi32>, vector<16xi32>], vector<16xf32>,
        %mul3A_1682 = vector.broadcast %squeeze3A_1653 : f32 to vector<16xf32>
        %mul3A_1683 = arith.mulf %gather3A_1680, %mul3A_1682 : vector<16xf32>
        %mul3A_1684 = vector.broadcast %squeeze3A_1651 : f32 to vector<16xf32>
        %mul3A_1685 = arith.mulf %gather3A_1681, %mul3A_1684 : vector<16xf32>
        %add3A_1686 = arith.addf %mul3A_1683, %mul3A_1685 : vector<16xf32>
        tpu.vector_store_idx %arg12[%add3A_1679, %add3A_1661], %add3A_1686 : memref<64x128xf32, #tpu.memory_space<vmem>>[vector<16xi32>, vector<16xi32>], vector<16xf32>,
        %add3A_1687 = arith.constant 32 : i32
        %add3A_1688 = vector.broadcast %add3A_1687 : i32 to vector<16xi32>
        %add3A_1689 = arith.addi %iota3A, %add3A_1688 : vector<16xi32>
        %gather3A_1690 = tpu.vector_load_idx %arg10[%broadcast_in_dim3A_1662, %broadcast_in_dim3A_1664, %add3A_1689, %broadcast_in_dim3A_1666] : memref<3x4x64x128xf32, #tpu.memory_space<vmem>>[vector<16xi32>, vector<16xi32>, vector<16xi32>, vector<16xi32>], vector<16xf32>,
        %gather3A_1691 = tpu.vector_load_idx %arg11[%add3A_1689, %broadcast_in_dim3A_1184] : memref<64x128xf32, #tpu.memory_space<vmem>>[vector<16xi32>, vector<16xi32>], vector<16xf32>,
        %mul3A_1692 = vector.broadcast %squeeze3A_1653 : f32 to vector<16xf32>
        %mul3A_1693 = arith.mulf %gather3A_1690, %mul3A_1692 : vector<16xf32>
        %mul3A_1694 = vector.broadcast %squeeze3A_1651 : f32 to vector<16xf32>
        %mul3A_1695 = arith.mulf %gather3A_1691, %mul3A_1694 : vector<16xf32>
        %add3A_1696 = arith.addf %mul3A_1693, %mul3A_1695 : vector<16xf32>
        tpu.vector_store_idx %arg12[%add3A_1689, %add3A_1661], %add3A_1696 : memref<64x128xf32, #tpu.memory_space<vmem>>[vector<16xi32>, vector<16xi32>], vector<16xf32>,
        %add3A_1697 = arith.constant 48 : i32
        %add3A_1698 = vector.broadcast %add3A_1697 : i32 to vector<16xi32>
        %add3A_1699 = arith.addi %iota3A, %add3A_1698 : vector<16xi32>
        %gather3A_1700 = tpu.vector_load_idx %arg10[%broadcast_in_dim3A_1662, %broadcast_in_dim3A_1664, %add3A_1699, %broadcast_in_dim3A_1666] : memref<3x4x64x128xf32, #tpu.memory_space<vmem>>[vector<16xi32>, vector<16xi32>, vector<16xi32>, vector<16xi32>], vector<16xf32>,
        %gather3A_1701 = tpu.vector_load_idx %arg11[%add3A_1699, %broadcast_in_dim3A_1184] : memref<64x128xf32, #tpu.memory_space<vmem>>[vector<16xi32>, vector<16xi32>], vector<16xf32>,
        %mul3A_1702 = vector.broadcast %squeeze3A_1653 : f32 to vector<16xf32>
        %mul3A_1703 = arith.mulf %gather3A_1700, %mul3A_1702 : vector<16xf32>
        %mul3A_1704 = vector.broadcast %squeeze3A_1651 : f32 to vector<16xf32>
        %mul3A_1705 = arith.mulf %gather3A_1701, %mul3A_1704 : vector<16xf32>
        %add3A_1706 = arith.addf %mul3A_1703, %mul3A_1705 : vector<16xf32>
        tpu.vector_store_idx %arg12[%add3A_1699, %add3A_1661], %add3A_1706 : memref<64x128xf32, #tpu.memory_space<vmem>>[vector<16xi32>, vector<16xi32>], vector<16xf32>,
      } else {
      }
      %slice3A_1607 = vector.extract_strided_slice %gather3A_1409 {offsets = [8], sizes = [1], strides = [1]} : vector<16xi32> to vector<1xi32>
      %squeeze3A_1608 = vector.extract %slice3A_1607[0] : i32 from vector<1xi32>
      %eq3A_1609 = arith.constant 127 : i32
      %eq3A_1610 = arith.cmpi eq, %squeeze3A_1608, %eq3A_1609 : i32
      %convert_element_type3A_1611 = arith.extui %eq3A_1610 : i1 to i32
      %cond3A_1612 = arith.constant 0 : i32
      %cond3A_1613 = arith.cmpi ne, %convert_element_type3A_1611, %cond3A_1612 : i32
      scf.if %cond3A_1613 {
        %add3A_1642 = vector.broadcast %mul3A_1406 : i32 to vector<16xi32>
        %add3A_1643 = arith.addi %add3A_1642, %shift_right_arithmetic3A_1180 : vector<16xi32>
        %gather3A_1644 = tpu.vector_load_idx %arg9[%add3A_1643] : memref<512xi32, #tpu.memory_space<vmem>>[vector<16xi32>], vector<16xi32>,
        %slice3A_1645 = vector.extract_strided_slice %gather3A_1644 {offsets = [8], sizes = [1], strides = [1]} : vector<16xi32> to vector<1xi32>
        %squeeze3A_1646 = vector.extract %slice3A_1645[0] : i32 from vector<1xi32>
        %add3A_1647 = arith.constant 128 : i32
        %add3A_1648 = arith.addi %squeeze3A_1646, %add3A_1647 : i32
        %multiple_of3A_1649 = tpu.assume_multiple %add3A_1648, 128 : i32
        "tpu.region"() ({
          %run_scoped3A = tpu.sem_alloc : memref<!tpu.dma_semaphore, #tpu.memory_space<semaphore_mem>>
          %dma_start3A_1707 = arith.constant 0 : i32
          %dma_start3A_1708 = tpu.memref_slice %arg2[%dma_start3A_1707, %multiple_of3A_1649] : memref<64x1000000xf32, #tpu.memory_space<hbm>> -> memref<64x128xf32, #tpu.memory_space<hbm>>
          %dma_start3A_1709 = arith.constant 0 : i32
          %dma_start3A_1710 = tpu.memref_slice %arg2[%dma_start3A_1709, %multiple_of3A_1649] : memref<64x1000000xf32, #tpu.memory_space<hbm>> -> memref<64x128xf32, #tpu.memory_space<hbm>>
          tpu.enqueue_dma source(%dma_start3A_1710 : memref<64x128xf32, #tpu.memory_space<hbm>>) target(%arg11 : memref<64x128xf32, #tpu.memory_space<vmem>>) target_semaphore(%run_scoped3A : memref<!tpu.dma_semaphore, #tpu.memory_space<semaphore_mem>>)
          %dma_wait3A_1711 = arith.constant 0 : i32
          %dma_wait3A_1712 = tpu.memref_slice %arg2[%dma_wait3A_1711, %multiple_of3A_1649] : memref<64x1000000xf32, #tpu.memory_space<hbm>> -> memref<64x128xf32, #tpu.memory_space<hbm>>
          %dma_wait3A_1713 = arith.constant 0 : i32
          %dma_wait3A_1714 = tpu.memref_slice %arg2[%dma_wait3A_1713, %multiple_of3A_1649] : memref<64x1000000xf32, #tpu.memory_space<hbm>> -> memref<64x128xf32, #tpu.memory_space<hbm>>
          tpu.wait_dma2 semaphore(%run_scoped3A : memref<!tpu.dma_semaphore, #tpu.memory_space<semaphore_mem>>) src(%dma_wait3A_1714 : memref<64x128xf32, #tpu.memory_space<hbm>>) dst(%arg11 : memref<64x128xf32, #tpu.memory_space<vmem>>)
          tpu.yield
        }) : () -> ()
        %slice3A_1650 = vector.extract_strided_slice %gather3A_1411 {offsets = [8], sizes = [1], strides = [1]} : vector<16xf32> to vector<1xf32>
        %squeeze3A_1651 = vector.extract %slice3A_1650[0] : f32 from vector<1xf32>
        %slice3A_1652 = vector.extract_strided_slice %sub3A_1414 {offsets = [8], sizes = [1], strides = [1]} : vector<16xf32> to vector<1xf32>
        %squeeze3A_1653 = vector.extract %slice3A_1652[0] : f32 from vector<1xf32>
        %broadcast_in_dim3A_1654 = arith.constant 0 : i32
        %broadcast_in_dim3A_1655 = vector.broadcast %broadcast_in_dim3A_1654 : i32 to vector<16xi32>
        %slice3A_1656 = vector.extract_strided_slice %add3A_1432 {offsets = [0], sizes = [1], strides = [1]} : vector<16xi32> to vector<1xi32>
        %squeeze3A_1657 = vector.extract %slice3A_1656[0] : i32 from vector<1xi32>
        %add3A_1658 = arith.constant 2 : i32
        %add3A_1659 = arith.addi %squeeze3A_1657, %add3A_1658 : i32
        %add3A_1660 = vector.broadcast %add3A_1659 : i32 to vector<16xi32>
        %add3A_1661 = arith.addi %broadcast_in_dim3A_1655, %add3A_1660 : vector<16xi32>
        %broadcast_in_dim3A_1662 = vector.broadcast %select_n3A_1345 : i32 to vector<16xi32>
        %broadcast_in_dim3A_1663 = arith.constant 2 : i32
        %broadcast_in_dim3A_1664 = vector.broadcast %broadcast_in_dim3A_1663 : i32 to vector<16xi32>
        %broadcast_in_dim3A_1665 = arith.constant 127 : i32
        %broadcast_in_dim3A_1666 = vector.broadcast %broadcast_in_dim3A_1665 : i32 to vector<16xi32>
        %add3A_1667 = arith.constant 0 : i32
        %add3A_1668 = vector.broadcast %add3A_1667 : i32 to vector<16xi32>
        %add3A_1669 = arith.addi %iota3A, %add3A_1668 : vector<16xi32>
        %gather3A_1670 = tpu.vector_load_idx %arg10[%broadcast_in_dim3A_1662, %broadcast_in_dim3A_1664, %add3A_1669, %broadcast_in_dim3A_1666] : memref<3x4x64x128xf32, #tpu.memory_space<vmem>>[vector<16xi32>, vector<16xi32>, vector<16xi32>, vector<16xi32>], vector<16xf32>,
        %gather3A_1671 = tpu.vector_load_idx %arg11[%add3A_1669, %broadcast_in_dim3A_1184] : memref<64x128xf32, #tpu.memory_space<vmem>>[vector<16xi32>, vector<16xi32>], vector<16xf32>,
        %mul3A_1672 = vector.broadcast %squeeze3A_1653 : f32 to vector<16xf32>
        %mul3A_1673 = arith.mulf %gather3A_1670, %mul3A_1672 : vector<16xf32>
        %mul3A_1674 = vector.broadcast %squeeze3A_1651 : f32 to vector<16xf32>
        %mul3A_1675 = arith.mulf %gather3A_1671, %mul3A_1674 : vector<16xf32>
        %add3A_1676 = arith.addf %mul3A_1673, %mul3A_1675 : vector<16xf32>
        tpu.vector_store_idx %arg12[%add3A_1669, %add3A_1661], %add3A_1676 : memref<64x128xf32, #tpu.memory_space<vmem>>[vector<16xi32>, vector<16xi32>], vector<16xf32>,
        %add3A_1677 = arith.constant 16 : i32
        %add3A_1678 = vector.broadcast %add3A_1677 : i32 to vector<16xi32>
        %add3A_1679 = arith.addi %iota3A, %add3A_1678 : vector<16xi32>
        %gather3A_1680 = tpu.vector_load_idx %arg10[%broadcast_in_dim3A_1662, %broadcast_in_dim3A_1664, %add3A_1679, %broadcast_in_dim3A_1666] : memref<3x4x64x128xf32, #tpu.memory_space<vmem>>[vector<16xi32>, vector<16xi32>, vector<16xi32>, vector<16xi32>], vector<16xf32>,
        %gather3A_1681 = tpu.vector_load_idx %arg11[%add3A_1679, %broadcast_in_dim3A_1184] : memref<64x128xf32, #tpu.memory_space<vmem>>[vector<16xi32>, vector<16xi32>], vector<16xf32>,
        %mul3A_1682 = vector.broadcast %squeeze3A_1653 : f32 to vector<16xf32>
        %mul3A_1683 = arith.mulf %gather3A_1680, %mul3A_1682 : vector<16xf32>
        %mul3A_1684 = vector.broadcast %squeeze3A_1651 : f32 to vector<16xf32>
        %mul3A_1685 = arith.mulf %gather3A_1681, %mul3A_1684 : vector<16xf32>
        %add3A_1686 = arith.addf %mul3A_1683, %mul3A_1685 : vector<16xf32>
        tpu.vector_store_idx %arg12[%add3A_1679, %add3A_1661], %add3A_1686 : memref<64x128xf32, #tpu.memory_space<vmem>>[vector<16xi32>, vector<16xi32>], vector<16xf32>,
        %add3A_1687 = arith.constant 32 : i32
        %add3A_1688 = vector.broadcast %add3A_1687 : i32 to vector<16xi32>
        %add3A_1689 = arith.addi %iota3A, %add3A_1688 : vector<16xi32>
        %gather3A_1690 = tpu.vector_load_idx %arg10[%broadcast_in_dim3A_1662, %broadcast_in_dim3A_1664, %add3A_1689, %broadcast_in_dim3A_1666] : memref<3x4x64x128xf32, #tpu.memory_space<vmem>>[vector<16xi32>, vector<16xi32>, vector<16xi32>, vector<16xi32>], vector<16xf32>,
        %gather3A_1691 = tpu.vector_load_idx %arg11[%add3A_1689, %broadcast_in_dim3A_1184] : memref<64x128xf32, #tpu.memory_space<vmem>>[vector<16xi32>, vector<16xi32>], vector<16xf32>,
        %mul3A_1692 = vector.broadcast %squeeze3A_1653 : f32 to vector<16xf32>
        %mul3A_1693 = arith.mulf %gather3A_1690, %mul3A_1692 : vector<16xf32>
        %mul3A_1694 = vector.broadcast %squeeze3A_1651 : f32 to vector<16xf32>
        %mul3A_1695 = arith.mulf %gather3A_1691, %mul3A_1694 : vector<16xf32>
        %add3A_1696 = arith.addf %mul3A_1693, %mul3A_1695 : vector<16xf32>
        tpu.vector_store_idx %arg12[%add3A_1689, %add3A_1661], %add3A_1696 : memref<64x128xf32, #tpu.memory_space<vmem>>[vector<16xi32>, vector<16xi32>], vector<16xf32>,
        %add3A_1697 = arith.constant 48 : i32
        %add3A_1698 = vector.broadcast %add3A_1697 : i32 to vector<16xi32>
        %add3A_1699 = arith.addi %iota3A, %add3A_1698 : vector<16xi32>
        %gather3A_1700 = tpu.vector_load_idx %arg10[%broadcast_in_dim3A_1662, %broadcast_in_dim3A_1664, %add3A_1699, %broadcast_in_dim3A_1666] : memref<3x4x64x128xf32, #tpu.memory_space<vmem>>[vector<16xi32>, vector<16xi32>, vector<16xi32>, vector<16xi32>], vector<16xf32>,
        %gather3A_1701 = tpu.vector_load_idx %arg11[%add3A_1699, %broadcast_in_dim3A_1184] : memref<64x128xf32, #tpu.memory_space<vmem>>[vector<16xi32>, vector<16xi32>], vector<16xf32>,
        %mul3A_1702 = vector.broadcast %squeeze3A_1653 : f32 to vector<16xf32>
        %mul3A_1703 = arith.mulf %gather3A_1700, %mul3A_1702 : vector<16xf32>
        %mul3A_1704 = vector.broadcast %squeeze3A_1651 : f32 to vector<16xf32>
        %mul3A_1705 = arith.mulf %gather3A_1701, %mul3A_1704 : vector<16xf32>
        %add3A_1706 = arith.addf %mul3A_1703, %mul3A_1705 : vector<16xf32>
        tpu.vector_store_idx %arg12[%add3A_1699, %add3A_1661], %add3A_1706 : memref<64x128xf32, #tpu.memory_space<vmem>>[vector<16xi32>, vector<16xi32>], vector<16xf32>,
      } else {
      }
      %slice3A_1614 = vector.extract_strided_slice %gather3A_1409 {offsets = [12], sizes = [1], strides = [1]} : vector<16xi32> to vector<1xi32>
      %squeeze3A_1615 = vector.extract %slice3A_1614[0] : i32 from vector<1xi32>
      %eq3A_1616 = arith.constant 127 : i32
      %eq3A_1617 = arith.cmpi eq, %squeeze3A_1615, %eq3A_1616 : i32
      %convert_element_type3A_1618 = arith.extui %eq3A_1617 : i1 to i32
      %cond3A_1619 = arith.constant 0 : i32
      %cond3A_1620 = arith.cmpi ne, %convert_element_type3A_1618, %cond3A_1619 : i32
      scf.if %cond3A_1620 {
        %add3A_1642 = vector.broadcast %mul3A_1406 : i32 to vector<16xi32>
        %add3A_1643 = arith.addi %add3A_1642, %shift_right_arithmetic3A_1180 : vector<16xi32>
        %gather3A_1644 = tpu.vector_load_idx %arg9[%add3A_1643] : memref<512xi32, #tpu.memory_space<vmem>>[vector<16xi32>], vector<16xi32>,
        %slice3A_1645 = vector.extract_strided_slice %gather3A_1644 {offsets = [12], sizes = [1], strides = [1]} : vector<16xi32> to vector<1xi32>
        %squeeze3A_1646 = vector.extract %slice3A_1645[0] : i32 from vector<1xi32>
        %add3A_1647 = arith.constant 128 : i32
        %add3A_1648 = arith.addi %squeeze3A_1646, %add3A_1647 : i32
        %multiple_of3A_1649 = tpu.assume_multiple %add3A_1648, 128 : i32
        "tpu.region"() ({
          %run_scoped3A = tpu.sem_alloc : memref<!tpu.dma_semaphore, #tpu.memory_space<semaphore_mem>>
          %dma_start3A_1707 = arith.constant 0 : i32
          %dma_start3A_1708 = tpu.memref_slice %arg2[%dma_start3A_1707, %multiple_of3A_1649] : memref<64x1000000xf32, #tpu.memory_space<hbm>> -> memref<64x128xf32, #tpu.memory_space<hbm>>
          %dma_start3A_1709 = arith.constant 0 : i32
          %dma_start3A_1710 = tpu.memref_slice %arg2[%dma_start3A_1709, %multiple_of3A_1649] : memref<64x1000000xf32, #tpu.memory_space<hbm>> -> memref<64x128xf32, #tpu.memory_space<hbm>>
          tpu.enqueue_dma source(%dma_start3A_1710 : memref<64x128xf32, #tpu.memory_space<hbm>>) target(%arg11 : memref<64x128xf32, #tpu.memory_space<vmem>>) target_semaphore(%run_scoped3A : memref<!tpu.dma_semaphore, #tpu.memory_space<semaphore_mem>>)
          %dma_wait3A_1711 = arith.constant 0 : i32
          %dma_wait3A_1712 = tpu.memref_slice %arg2[%dma_wait3A_1711, %multiple_of3A_1649] : memref<64x1000000xf32, #tpu.memory_space<hbm>> -> memref<64x128xf32, #tpu.memory_space<hbm>>
          %dma_wait3A_1713 = arith.constant 0 : i32
          %dma_wait3A_1714 = tpu.memref_slice %arg2[%dma_wait3A_1713, %multiple_of3A_1649] : memref<64x1000000xf32, #tpu.memory_space<hbm>> -> memref<64x128xf32, #tpu.memory_space<hbm>>
          tpu.wait_dma2 semaphore(%run_scoped3A : memref<!tpu.dma_semaphore, #tpu.memory_space<semaphore_mem>>) src(%dma_wait3A_1714 : memref<64x128xf32, #tpu.memory_space<hbm>>) dst(%arg11 : memref<64x128xf32, #tpu.memory_space<vmem>>)
          tpu.yield
        }) : () -> ()
        %slice3A_1650 = vector.extract_strided_slice %gather3A_1411 {offsets = [12], sizes = [1], strides = [1]} : vector<16xf32> to vector<1xf32>
        %squeeze3A_1651 = vector.extract %slice3A_1650[0] : f32 from vector<1xf32>
        %slice3A_1652 = vector.extract_strided_slice %sub3A_1414 {offsets = [12], sizes = [1], strides = [1]} : vector<16xf32> to vector<1xf32>
        %squeeze3A_1653 = vector.extract %slice3A_1652[0] : f32 from vector<1xf32>
        %broadcast_in_dim3A_1654 = arith.constant 0 : i32
        %broadcast_in_dim3A_1655 = vector.broadcast %broadcast_in_dim3A_1654 : i32 to vector<16xi32>
        %slice3A_1656 = vector.extract_strided_slice %add3A_1432 {offsets = [0], sizes = [1], strides = [1]} : vector<16xi32> to vector<1xi32>
        %squeeze3A_1657 = vector.extract %slice3A_1656[0] : i32 from vector<1xi32>
        %add3A_1658 = arith.constant 3 : i32
        %add3A_1659 = arith.addi %squeeze3A_1657, %add3A_1658 : i32
        %add3A_1660 = vector.broadcast %add3A_1659 : i32 to vector<16xi32>
        %add3A_1661 = arith.addi %broadcast_in_dim3A_1655, %add3A_1660 : vector<16xi32>
        %broadcast_in_dim3A_1662 = vector.broadcast %select_n3A_1345 : i32 to vector<16xi32>
        %broadcast_in_dim3A_1663 = arith.constant 3 : i32
        %broadcast_in_dim3A_1664 = vector.broadcast %broadcast_in_dim3A_1663 : i32 to vector<16xi32>
        %broadcast_in_dim3A_1665 = arith.constant 127 : i32
        %broadcast_in_dim3A_1666 = vector.broadcast %broadcast_in_dim3A_1665 : i32 to vector<16xi32>
        %add3A_1667 = arith.constant 0 : i32
        %add3A_1668 = vector.broadcast %add3A_1667 : i32 to vector<16xi32>
        %add3A_1669 = arith.addi %iota3A, %add3A_1668 : vector<16xi32>
        %gather3A_1670 = tpu.vector_load_idx %arg10[%broadcast_in_dim3A_1662, %broadcast_in_dim3A_1664, %add3A_1669, %broadcast_in_dim3A_1666] : memref<3x4x64x128xf32, #tpu.memory_space<vmem>>[vector<16xi32>, vector<16xi32>, vector<16xi32>, vector<16xi32>], vector<16xf32>,
        %gather3A_1671 = tpu.vector_load_idx %arg11[%add3A_1669, %broadcast_in_dim3A_1184] : memref<64x128xf32, #tpu.memory_space<vmem>>[vector<16xi32>, vector<16xi32>], vector<16xf32>,
        %mul3A_1672 = vector.broadcast %squeeze3A_1653 : f32 to vector<16xf32>
        %mul3A_1673 = arith.mulf %gather3A_1670, %mul3A_1672 : vector<16xf32>
        %mul3A_1674 = vector.broadcast %squeeze3A_1651 : f32 to vector<16xf32>
        %mul3A_1675 = arith.mulf %gather3A_1671, %mul3A_1674 : vector<16xf32>
        %add3A_1676 = arith.addf %mul3A_1673, %mul3A_1675 : vector<16xf32>
        tpu.vector_store_idx %arg12[%add3A_1669, %add3A_1661], %add3A_1676 : memref<64x128xf32, #tpu.memory_space<vmem>>[vector<16xi32>, vector<16xi32>], vector<16xf32>,
        %add3A_1677 = arith.constant 16 : i32
        %add3A_1678 = vector.broadcast %add3A_1677 : i32 to vector<16xi32>
        %add3A_1679 = arith.addi %iota3A, %add3A_1678 : vector<16xi32>
        %gather3A_1680 = tpu.vector_load_idx %arg10[%broadcast_in_dim3A_1662, %broadcast_in_dim3A_1664, %add3A_1679, %broadcast_in_dim3A_1666] : memref<3x4x64x128xf32, #tpu.memory_space<vmem>>[vector<16xi32>, vector<16xi32>, vector<16xi32>, vector<16xi32>], vector<16xf32>,
        %gather3A_1681 = tpu.vector_load_idx %arg11[%add3A_1679, %broadcast_in_dim3A_1184] : memref<64x128xf32, #tpu.memory_space<vmem>>[vector<16xi32>, vector<16xi32>], vector<16xf32>,
        %mul3A_1682 = vector.broadcast %squeeze3A_1653 : f32 to vector<16xf32>
        %mul3A_1683 = arith.mulf %gather3A_1680, %mul3A_1682 : vector<16xf32>
        %mul3A_1684 = vector.broadcast %squeeze3A_1651 : f32 to vector<16xf32>
        %mul3A_1685 = arith.mulf %gather3A_1681, %mul3A_1684 : vector<16xf32>
        %add3A_1686 = arith.addf %mul3A_1683, %mul3A_1685 : vector<16xf32>
        tpu.vector_store_idx %arg12[%add3A_1679, %add3A_1661], %add3A_1686 : memref<64x128xf32, #tpu.memory_space<vmem>>[vector<16xi32>, vector<16xi32>], vector<16xf32>,
        %add3A_1687 = arith.constant 32 : i32
        %add3A_1688 = vector.broadcast %add3A_1687 : i32 to vector<16xi32>
        %add3A_1689 = arith.addi %iota3A, %add3A_1688 : vector<16xi32>
        %gather3A_1690 = tpu.vector_load_idx %arg10[%broadcast_in_dim3A_1662, %broadcast_in_dim3A_1664, %add3A_1689, %broadcast_in_dim3A_1666] : memref<3x4x64x128xf32, #tpu.memory_space<vmem>>[vector<16xi32>, vector<16xi32>, vector<16xi32>, vector<16xi32>], vector<16xf32>,
        %gather3A_1691 = tpu.vector_load_idx %arg11[%add3A_1689, %broadcast_in_dim3A_1184] : memref<64x128xf32, #tpu.memory_space<vmem>>[vector<16xi32>, vector<16xi32>], vector<16xf32>,
        %mul3A_1692 = vector.broadcast %squeeze3A_1653 : f32 to vector<16xf32>
        %mul3A_1693 = arith.mulf %gather3A_1690, %mul3A_1692 : vector<16xf32>
        %mul3A_1694 = vector.broadcast %squeeze3A_1651 : f32 to vector<16xf32>
        %mul3A_1695 = arith.mulf %gather3A_1691, %mul3A_1694 : vector<16xf32>
        %add3A_1696 = arith.addf %mul3A_1693, %mul3A_1695 : vector<16xf32>
        tpu.vector_store_idx %arg12[%add3A_1689, %add3A_1661], %add3A_1696 : memref<64x128xf32, #tpu.memory_space<vmem>>[vector<16xi32>, vector<16xi32>], vector<16xf32>,
        %add3A_1697 = arith.constant 48 : i32
        %add3A_1698 = vector.broadcast %add3A_1697 : i32 to vector<16xi32>
        %add3A_1699 = arith.addi %iota3A, %add3A_1698 : vector<16xi32>
        %gather3A_1700 = tpu.vector_load_idx %arg10[%broadcast_in_dim3A_1662, %broadcast_in_dim3A_1664, %add3A_1699, %broadcast_in_dim3A_1666] : memref<3x4x64x128xf32, #tpu.memory_space<vmem>>[vector<16xi32>, vector<16xi32>, vector<16xi32>, vector<16xi32>], vector<16xf32>,
        %gather3A_1701 = tpu.vector_load_idx %arg11[%add3A_1699, %broadcast_in_dim3A_1184] : memref<64x128xf32, #tpu.memory_space<vmem>>[vector<16xi32>, vector<16xi32>], vector<16xf32>,
        %mul3A_1702 = vector.broadcast %squeeze3A_1653 : f32 to vector<16xf32>
        %mul3A_1703 = arith.mulf %gather3A_1700, %mul3A_1702 : vector<16xf32>
        %mul3A_1704 = vector.broadcast %squeeze3A_1651 : f32 to vector<16xf32>
        %mul3A_1705 = arith.mulf %gather3A_1701, %mul3A_1704 : vector<16xf32>
        %add3A_1706 = arith.addf %mul3A_1703, %mul3A_1705 : vector<16xf32>
        tpu.vector_store_idx %arg12[%add3A_1699, %add3A_1661], %add3A_1706 : memref<64x128xf32, #tpu.memory_space<vmem>>[vector<16xi32>, vector<16xi32>], vector<16xf32>,
      } else {
      }
      %jit3A_1621 = arith.constant 32 : i32
      %eq3A_1622 = arith.constant 0 : i32
      %eq3A_1623 = arith.cmpi eq, %jit3A_1621, %eq3A_1622 : i32
      %jit3A_1624 = arith.constant 1 : i32
      %select_n3A_1625 = arith.select %eq3A_1623, %jit3A_1624, %jit3A_1621 : i32
      %rem3A_1626 = arith.remsi %scan3A_1329, %select_n3A_1625 : i32
      %ne3A_1627 = arith.constant 0 : i32
      %ne3A_1628 = arith.cmpi ne, %rem3A_1626, %ne3A_1627 : i32
      %lt3A_1629 = arith.constant 0 : i32
      %lt3A_1630 = arith.cmpi slt, %rem3A_1626, %lt3A_1629 : i32
      %lt3A_1631 = arith.constant 0 : i32
      %lt3A_1632 = arith.cmpi slt, %select_n3A_1625, %lt3A_1631 : i32
      %ne3A_1633 = arith.xori %lt3A_1630, %lt3A_1632 : i1
      %and3A_1634 = arith.andi %ne3A_1633, %ne3A_1628 : i1
      %add3A_1635 = arith.addi %rem3A_1626, %select_n3A_1625 : i32
      %select_n3A_1636 = arith.select %and3A_1634, %add3A_1635, %rem3A_1626 : i32
      %eq3A_1637 = arith.constant 31 : i32
      %eq3A_1638 = arith.cmpi eq, %select_n3A_1636, %eq3A_1637 : i32
      %convert_element_type3A_1639 = arith.extui %eq3A_1638 : i1 to i32
      %cond3A_1640 = arith.constant 0 : i32
      %cond3A_1641 = arith.cmpi ne, %convert_element_type3A_1639, %cond3A_1640 : i32
      scf.if %cond3A_1641 {
        %jit3A_1642 = arith.constant 32 : i32
        %div3A = arith.divsi %scan3A_1329, %jit3A_1642 : i32
        %sign3A = arith.constant 0 : i32
        %sign3A_1643 = arith.cmpi sgt, %scan3A_1329, %sign3A : i32
        %sign3A_1644 = arith.extui %sign3A_1643 : i1 to i32
        %sign3A_1645 = arith.constant 0 : i32
        %sign3A_1646 = arith.cmpi slt, %scan3A_1329, %sign3A_1645 : i32
        %sign3A_1647 = arith.extui %sign3A_1646 : i1 to i32
        %sign3A_1648 = arith.subi %sign3A_1644, %sign3A_1647 : i32
        %sign3A_1649 = arith.constant 0 : i32
        %sign3A_1650 = arith.cmpi sgt, %jit3A_1642, %sign3A_1649 : i32
        %sign3A_1651 = arith.extui %sign3A_1650 : i1 to i32
        %sign3A_1652 = arith.constant 0 : i32
        %sign3A_1653 = arith.cmpi slt, %jit3A_1642, %sign3A_1652 : i32
        %sign3A_1654 = arith.extui %sign3A_1653 : i1 to i32
        %sign3A_1655 = arith.subi %sign3A_1651, %sign3A_1654 : i32
        %ne3A_1656 = arith.cmpi ne, %sign3A_1648, %sign3A_1655 : i32
        %rem3A_1657 = arith.remsi %scan3A_1329, %jit3A_1642 : i32
        %ne3A_1658 = arith.constant 0 : i32
        %ne3A_1659 = arith.cmpi ne, %rem3A_1657, %ne3A_1658 : i32
        %and3A_1660 = arith.andi %ne3A_1656, %ne3A_1659 : i1
        %sub3A_1661 = arith.constant 1 : i32
        %sub3A_1662 = arith.subi %div3A, %sub3A_1661 : i32
        %select_n3A_1663 = arith.select %and3A_1660, %sub3A_1662, %div3A : i32
        %mul3A_1664 = arith.constant 128 : i32
        %mul3A_1665 = arith.muli %select_n3A_1663, %mul3A_1664 : i32
        %add3A_1666 = arith.addi %mul3A_2, %mul3A_1665 : i32
        %multiple_of3A_1667 = tpu.assume_multiple %add3A_1666, 128 : i32
        "tpu.region"() ({
          %run_scoped3A = tpu.sem_alloc : memref<!tpu.dma_semaphore, #tpu.memory_space<semaphore_mem>>
          %dma_start3A_1668 = arith.constant 0 : i32
          %dma_start3A_1669 = tpu.memref_slice %arg4[%dma_start3A_1668, %multiple_of3A_1667] : memref<64x16384xf32, #tpu.memory_space<hbm>> -> memref<64x128xf32, #tpu.memory_space<hbm>>
          %dma_start3A_1670 = arith.constant 0 : i32
          %dma_start3A_1671 = tpu.memref_slice %arg4[%dma_start3A_1670, %multiple_of3A_1667] : memref<64x16384xf32, #tpu.memory_space<hbm>> -> memref<64x128xf32, #tpu.memory_space<hbm>>
          tpu.enqueue_dma source(%arg12 : memref<64x128xf32, #tpu.memory_space<vmem>>) target(%dma_start3A_1671 : memref<64x128xf32, #tpu.memory_space<hbm>>) target_semaphore(%run_scoped3A : memref<!tpu.dma_semaphore, #tpu.memory_space<semaphore_mem>>)
          %dma_wait3A_1672 = arith.constant 0 : i32
          %dma_wait3A_1673 = tpu.memref_slice %arg4[%dma_wait3A_1672, %multiple_of3A_1667] : memref<64x16384xf32, #tpu.memory_space<hbm>> -> memref<64x128xf32, #tpu.memory_space<hbm>>
          %dma_wait3A_1674 = arith.constant 0 : i32
          %dma_wait3A_1675 = tpu.memref_slice %arg4[%dma_wait3A_1674, %multiple_of3A_1667] : memref<64x16384xf32, #tpu.memory_space<hbm>> -> memref<64x128xf32, #tpu.memory_space<hbm>>
          tpu.wait_dma2 semaphore(%run_scoped3A : memref<!tpu.dma_semaphore, #tpu.memory_space<semaphore_mem>>) src(%arg12 : memref<64x128xf32, #tpu.memory_space<vmem>>) dst(%dma_wait3A_1675 : memref<64x128xf32, #tpu.memory_space<hbm>>)
          tpu.yield
        }) : () -> ()
      } else {
      }
    }
    %scan3A_1328 = arith.constant 128 : i32
    return
  }
}

</mosaic_0001>

<sc_bundles>
// kernel: kernel.3.cloned.1.call-start
scs
__scs_entry_jumppad:
0x0: {  	(pc) =	sbr.rel $0x88, $3  }
0x1: {  	(tag) =	ssettag $0x0;
	lr =	simm.s32 $0x1  }
0x2: {  	[smem:$0x3F9F] =	sst lr;
	_ =	strace $0xD0000000  }
0x3: {  	_ = 	snop  }
0x4: {  	_ = 	snop  }
0x5: {  	_ = 	snop  }
0x6: {  	_ = 	snop  }
0x7: {  	_ = 	snop  }
__scs_overlays_trampoline_lowered:
0x8: {  	[smem:$0x3FAE] =	sst s0  }
0x9: {  	[smem:$0x3FAF] =	sst s1  }
0xa: {  	[smem:$0x3FB0] =	sst s2  }
0xb: {  	[smem:$0x3FB1] =	sst s3  }
0xc: {  	[smem:$0x3FB2] =	sst s4  }
0xd: {  	[smem:$0x3FB3] =	sst s5  }
0xe: {  	[smem:$0x3FB4] =	sst s6  }
0xf: {  	[smem:$0x3FB5] =	sst s7  }
0x10: {  	[smem:$0x3FB6] =	sst s8  }
0x11: {  	[smem:$0x3FB7] =	sst s9;
	s0 =	simm.s32 @!p0 $0x0  }
0x12: {  	s1 =	sld [smem:$0x3F9D];
	s0 =	simm.s32 @p0 $0x1  }
0x13: {  	[smem:$0x3FB8] =	sst s0;
	s0 =	simm.s32 @!p1 $0x0  }
0x14: {  	s2 =	sld [smem:$0x3F9C];
	s0 =	simm.s32 @p1 $0x1  }
0x15: {  	[smem:$0x3FB9] =	sst s0;
	s0 =	simm.s32 @!p2 $0x0  }
0x16: {  	s3 =	sld [smem:$0x3FDB];
	s0 =	simm.s32 @p2 $0x1  }
0x17: {  	s4 =	simm.s32 $0x1BF5;
	[smem:$0x3FBB] =	sst s0  }
0x18: {  	s0 =	sld [smem:$0x3F9E];
	_ =	swait.ge [sflag:s4], $0x0  }
0x19: {  	s7 =	sld [smem:$0x3F9F]  }
0x1a: {  	s8 =	sadd.s32 $0xFFFFE003, lr  }
0x1b: {  	s9 =	sadd.s32 $0xFFFFFEF7, lr;
	s5 =	simm.s32 $0xFFFFFFFF;
	p2 =	slt.u32 s8, $0xFFFFF086  }
0x1c: {  	p1 =	slt.u32 s9, $0xF7A;
	s5 =	simm.s32 @!p2 $0x0  }
0x1d: {  	s5 =	simm.s32 @p1 $0x1;
	p0 =	seq.s32 s7, s2  }
0x1e: {  	s7 =	smul.u32 @!p0 $0xF7A, s2;
	p2 =	seq.s32 @!p0 s5, $0x0  }
0x1f: {  	s9 =	smul.u32 $0xF7A, s1;
	s8 =	simm.s32 @!p0 $0x1BF5;
	p2 =	por !p2, p0  }
0x20: {  	[sflag:s8] =	ssyncset.s32 @!p0 $0xFFFFF086;
	s6 =	sadd.s32 @!p0 s3, s7;
	s7 =	simm.s32 @!p0 $0x108  }
0x21: {  	s3 =	sadd.s32 s3, s9;
	s6 =	sadd.s32 @!p0 $0x88, s6;
	s7 =	simm.s32 @p2 $0x1082  }
0x22: {  	[simem:s7], [sflag:s8] =	dma.local @!p0 [hbm:s6], $0xF7A  }
0x23: {  	s9 =	sor.u32 $0xD0000000, s2;
	s6 =	simm.s32 $0x108;
	_ =	swait.ge @!p0 [sflag:s8], $0x0  }
0x24: {  	s3 =	sadd.s32 $0x88, s3;
	s6 =	simm.s32 @!p1 $0x1082;
	[sflag:s4] =	ssyncset.s32 $0xFFFFF086  }
0x25: {  	[simem:s6], [sflag:s4] =	dma.local [hbm:s3], $0xF7A  }
0x26: {  	[smem:$0x3F9F] =	sst s1;
	(tag) =	ssettag s2;
	_ =	strace s9  }
0x27: {  	s1 =	sld [smem:$0x3FAF]  }
0x28: {  	s2 =	sld [smem:$0x3FB0]  }
0x29: {  	s4 =	sld [smem:$0x3FB2]  }
0x2a: {  	p0 =	seq.s32 s5, $0x0;
	s5 =	sld [smem:$0x3FB3]  }
0x2b: {  	s6 =	sld [smem:$0x3FB4]  }
0x2c: {  	s7 =	sld [smem:$0x3FB5]  }
0x2d: {  	s3 =	simm.s32 $0x108;
	s8 =	sld [smem:$0x3FB6]  }
0x2e: {  	s3 =	simm.s32 @!p0 $0x1082;
	s9 =	sld [smem:$0x3FB7]  }
0x2f: {  	lr =	sadd.s32 s0, s3;
	s0 =	sld [smem:$0x3FAE]  }
0x30: {  	s3 =	sld [smem:$0x3FB1]  }
0x31: {  	[smem:$0x3FBA] =	sst s10  }
0x32: {  	s10 =	sld [smem:$0x3FB8];
	_ =	sdelay $0x3  }
0x33: {  	p0 =	seq.s32 s10, $0x1;
	s10 =	sld [smem:$0x3FBA];
	_ =	sdelay $0x3  }
0x34: {  	[smem:$0x3FBA] =	sst s10  }
0x35: {  	s10 =	sld [smem:$0x3FB9];
	_ =	sdelay $0x3  }
0x36: {  	p1 =	seq.s32 s10, $0x1;
	s10 =	sld [smem:$0x3FBA];
	_ =	sdelay $0x3  }
0x37: {  	[smem:$0x3FBA] =	sst s10  }
0x38: {  	s10 =	sld [smem:$0x3FBB]  }
0x39: {  	_ = 	snop;
	(pc) =	sbr.ind lr, $3  }
0x3a: {  	_ = 	snop  }
0x3b: {  	_ = 	snop  }
0x3c: {  	p2 =	seq.s32 s10, $0x1;
	s10 =	sld [smem:$0x3FBA]  }
0x3d: {  	_ =	shalt  }
0x3e: {  	_ =	shalt  }
0x3f: {  	_ =	shalt  }
0x40: {  	_ =	shalt  }
0x41: {  	_ =	shalt  }
0x42: {  	_ =	shalt  }
0x43: {  	_ =	shalt  }
0x44: {  	_ =	shalt  }
0x45: {  	_ =	shalt  }
0x46: {  	_ =	shalt  }
0x47: {  	_ =	shalt  }
0x48: {  	_ =	shalt  }
0x49: {  	_ =	shalt  }
0x4a: {  	_ =	shalt  }
0x4b: {  	_ =	shalt  }
0x4c: {  	_ =	shalt  }
0x4d: {  	_ =	shalt  }
0x4e: {  	_ =	shalt  }
0x4f: {  	_ =	shalt  }
0x50: {  	_ =	shalt  }
0x51: {  	_ =	shalt  }
0x52: {  	_ =	shalt  }
0x53: {  	_ =	shalt  }
0x54: {  	_ =	shalt  }
0x55: {  	_ =	shalt  }
0x56: {  	_ =	shalt  }
0x57: {  	_ =	shalt  }
0x58: {  	_ =	shalt  }
0x59: {  	_ =	shalt  }
0x5a: {  	_ =	shalt  }
0x5b: {  	_ =	shalt  }
0x5c: {  	_ =	shalt  }
0x5d: {  	_ =	shalt  }
0x5e: {  	_ =	shalt  }
0x5f: {  	_ =	shalt  }
0x60: {  	_ =	shalt  }
0x61: {  	_ =	shalt  }
0x62: {  	_ =	shalt  }
0x63: {  	_ =	shalt  }
0x64: {  	_ =	shalt  }
0x65: {  	_ =	shalt  }
0x66: {  	_ =	shalt  }
0x67: {  	_ =	shalt  }
0x68: {  	_ =	shalt  }
0x69: {  	_ =	shalt  }
0x6a: {  	_ =	shalt  }
0x6b: {  	_ =	shalt  }
0x6c: {  	_ =	shalt  }
0x6d: {  	_ =	shalt  }
0x6e: {  	_ =	shalt  }
0x6f: {  	_ =	shalt  }
0x70: {  	_ =	shalt  }
0x71: {  	_ =	shalt  }
0x72: {  	_ =	shalt  }
0x73: {  	_ =	shalt  }
0x74: {  	_ =	shalt  }
0x75: {  	_ =	shalt  }
0x76: {  	_ =	shalt  }
0x77: {  	_ =	shalt  }
0x78: {  	_ =	shalt  }
0x79: {  	_ =	shalt  }
0x7a: {  	_ =	shalt  }
0x7b: {  	_ =	shalt  }
0x7c: {  	_ =	shalt  }
0x7d: {  	_ =	shalt  }
0x7e: {  	_ =	shalt  }
0x7f: {  	_ =	shalt  }
0x80: {  	_ =	shalt  }
0x81: {  	_ =	shalt  }
0x82: {  	_ =	shalt  }
0x83: {  	_ =	shalt  }
0x84: {  	_ =	shalt  }
0x85: {  	_ =	shalt  }
0x86: {  	_ =	shalt  }
0x87: {  	_ =	shalt  }
.Lfunc_end0:
.L_simem_size_0:
called_computation_lowered:
.L_overlay_start_0:
0x88: {  	s2 =	sld [smem:$0x3FD9]  }
0x89: {  	s3 =	sld [smem:$0x3FFE];
	_ =	sdelay $0x1  }
0x8a: {  	s1 =	srdreg.scid  }
0x8b: {  	s0 =	sand.u32 $0x1, s1  }
0x8c: {  	s18 =	sshll.u32 s0, $0xA;
	s2 =	sadd.s32 s3, s2  }
0x8d: {  	s2 =	sadd.s32 s2, s18  }
0x8e: {  	[smem:$0x3FC6] =	sst s2  }
0x8f: {  	_ = 	snop  }
0x90: {  	s2 =	sld [smem:$0x3FC9]  }
0x91: {  	s19 =	sld [smem:$0x3FC8]  }
0x92: {  	s4 =	sld [smem:$0x3FD0];
	(tm) =	ssettm $0x1  }
0x93: {  	s5 =	sld [smem:$0x3FFB];
	_ =	sdelay $0x3  }
0x94: {  	_ =	strace s5  }
0x95: {  	s5 =	sld [smem:$0x3FFC];
	_ =	sdelay $0x3  }
0x96: {  	_ =	strace s5  }
0x97: {  	s5 =	sld [smem:$0x3FFD];
	_ =	sdelay $0x3  }
0x98: {  	_ =	strace s5  }
0x99: {  	_ =	strace $0x8FFFFFFF  }
0x9a: {  	s20 =	sld [smem:$0x3FDB];
	_ =	sdelay $0x1  }
0x9b: {  	s6 =	simm.s32 $_scs_section_size  }
0x9c: {  	s7 =	simm.s32 $_size__tile_overlayer_lowered;
	s8 =	simm.s32 $_tile_overlayer_lowered  }
0x9d: {  	s23 =	simm.s32 $0x1BFF;
	s22 =	sshll.u32 s8, $0x1;
	s5 =	sadd.s32 s6, s20  }
0x9e: {  	s9 =	simm.s32 $0x0;
	s21 =	sshll.u32 s7, $0x1;
	s7 =	sadd.s32 s22, s5  }
0x9f: {  	[timem:s9], [sflag:s23] =	dma.local [hbm:s7], s21  }
0xa0: {  	_ =	swait.ge [sflag:s23], s21  }
0xa1: {  	s6 =	ssub.s32 $0x0, s21;
	[sflag:s23] =	ssyncset.done $0x0  }
0xa2: {  	[sflag:s23] =	ssyncadd.s32 s6;
	_ =	sdelay $0x1  }
0xa3: {  	s24 =	simm.s32 $0x1B8B  }
0xa4: {  	_ =	swait.ge [sflag:s24], $0x1  }
0xa5: {  	[sflag:s24] =	ssyncset.done $0x0  }
0xa6: {  	s25 =	simm.s32 $0x1B8E;
	[sflag:s24] =	ssyncadd.s32 $0xFFFFFFFF  }
0xa7: {  	s26 =	simm.s32 $execute0_lowered;
	[smem:$0x3FD2] =	sst s25  }
0xa8: {  	s6 =	sshll.u32 s26, $0x1;
	_ =	strace $0x80000046;
	[dreg:$0x1] =	wrdreg $0xFFFFFFFF  }
0xa9: {  	s28 =	simm.s32 $_size_execute0_lowered;
	s5 =	sadd.s32 s5, s6;
	[dreg:$0x0] =	wrdreg $0x0  }
0xaa: {  	s6 =	sshll.u32 s28, $0x1;
	[dreg:$0x2] =	wrdreg s5  }
0xab: {  	[dreg:$0x3] =	wrdreg s6  }
0xac: {  	[dreg:$0x4] =	wrdreg $0xC0  }
0xad: {  	_ =	task [dreg:s9], $0x5FFFF  }
0xae: {  	[dreg:$0x1] =	wrdreg $0xFFFFFFFF  }
0xaf: {  	[dreg:$0x0] =	wrdreg $0x60  }
0xb0: {  	[dreg:$0x2] =	wrdreg s2  }
0xb1: {  	[dreg:$0x3] =	wrdreg s19  }
0xb2: {  	[dreg:$0x4] =	wrdreg s4  }
0xb3: {  	[dreg:$0x5] =	wrdreg $0x9  }
0xb4: {  	_ =	task.clear_ibuf [dreg:s9], $0x6FFFF;
	_ =	strace $0x90000046  }
0xb5: {  	s29 =	simm.s32 $0x9;
	_ =	strace $0x80000048  }
0xb6: {  	_ =	swait.ge [sflag:s29], $0x1  }
0xb7: {  	[sflag:s29] =	ssyncadd.s32 $0xFFFFFFFF  }
0xb8: {  	_ =	strace $0x90000048  }
0xb9: {  	_ =	sfence  }
0xba: {  	s30 =	sld [smem:$0x0];
	_ =	sdelay $0x2  }
0xbb: {  	s31 =	sshll.u32 s1, $0xD;
	s1 =	sshrl.u32 s1, $0x2  }
0xbc: {  	s3 =	sand.u32 $0x4000, s31;
	s1 =	sadd.s32 s1, s30  }
0xbd: {  	s0 =	sor.u32 s3, s0;
	s1 =	sshll.u32 s1, $0x11  }
0xbe: {  	s0 =	sor.u32 s1, s0  }
0xbf: {  	s0 =	sadd.s32 $0x8F2B, s0  }
0xc0: {  	[sflag:s0] =	ssyncadd.remote.s32 $0x1  }
0xc1: {  	_ =	sfence.sel $0xFFFF  }
0xc2: {  	[dreg:$0x0] =	wrdreg $0xFFFFFFFF;
	(pc) =	sbr.abs _section_cstart, $3  }
0xc3: {  	[dreg:$0x1] =	wrdreg $0xFFFFFFFF  }
0xc4: {  	_ =	task.clear_ibuf [dreg:s9], $0x2FFFF;
	_ =	strace $0x9FFFFFFF  }
0xc5: {  	(tm) =	ssettm $0x7FFFFFFF  }
tec
execute0_lowered:
.L_overlay_start_1:
0x0: {  	(tag) =	ssettag $0x1  }
0x1: {  	v0 =	vlaneseq.u32;
	v1 =	vimm.s32 $0x6180  }
0x2: {  	vm14 =	vcmask $0x300;
	v2 =	vimm.s32 $0x183;
	vm13 =	vcmask $0x704  }
0x3: {  	vm12 =	vcmask $0xB08;
	vm11 =	vcmask $0xF0C;
	vm10 =	vcmask $0x1310  }
0x4: {  	vm9 =	vcmask $0x1714;
	vm8 =	vcmask $0x1B18;
	vm7 =	vcmask $0x1F1C  }
0x5: {  	vm6 =	vcmask $0x2320;
	vm5 =	vcmask $0x2724;
	vm4 =	vcmask $0x2B28  }
0x6: {  	vm3 =	vcmask $0x2F2C;
	vm2 =	vcmask $0x3330;
	vm1 =	vcmask $0x3734  }
0x7: {  	vm0 =	vcmask $0x3B38;
	v5 =	vimm.s32 $0x383;
	v6 =	vimm.s32 $0x6580  }
0x8: {  	v7 =	vimm.s32 $0x583;
	v8 =	vimm.s32 $0x6780;
	v9 =	vimm.s32 $0x783  }
0x9: {  	v10 =	vimm.s32 $0x6980;
	v11 =	vimm.s32 $0x983;
	v12 =	vimm.s32 $0x6B80  }
0xa: {  	v13 =	vimm.s32 $0xB83;
	v14 =	vimm.s32 $0x6D80;
	v15 =	vimm.s32 $0xD83  }
0xb: {  	v16 =	vimm.s32 $0x6F80;
	v17 =	vimm.s32 $0xF83;
	v18 =	vimm.s32 $0x7180  }
0xc: {  	v19 =	vimm.s32 $0x1183;
	v20 =	vimm.s32 $0x7380;
	v21 =	vimm.s32 $0x1383  }
0xd: {  	v22 =	vimm.s32 $0x7580;
	v23 =	vimm.s32 $0x1583;
	v24 =	vimm.s32 $0x7780  }
0xe: {  	v25 =	vimm.s32 $0x1783;
	v26 =	vimm.s32 $0x7980;
	v27 =	vimm.s32 $0x1983  }
0xf: {  	v28 =	vimm.s32 $0x7B80;
	v29 =	vimm.s32 $0x1B83;
	v30 =	vimm.s32 $0x7D80  }
0x10: {  	v31 =	vimm.s32 $0x1D83;
	v32 =	vimm.s32 $0x7F80;
	v33 =	vimm.s32 $0x1F83  }
0x11: {  	v0 =	vshrl.u32 v0, $0x2;
	v1 =	vsel vm14, $0x0, v1;
	v2 =	vsel vm14, $0x0, v2  }
0x12: {  	v5 =	vsel vm14, $0x200, v5;
	v6 =	vsel vm14, $0x400, v6;
	v7 =	vsel vm14, $0x400, v7  }
0x13: {  	v8 =	vsel vm14, $0x600, v8;
	v9 =	vsel vm14, $0x600, v9;
	v10 =	vsel vm14, $0x800, v10  }
0x14: {  	v11 =	vsel vm14, $0x800, v11;
	v12 =	vsel vm14, $0xA00, v12;
	v13 =	vsel vm14, $0xA00, v13  }
0x15: {  	v14 =	vsel vm14, $0xC00, v14;
	v15 =	vsel vm14, $0xC00, v15;
	v16 =	vsel vm14, $0xE00, v16  }
0x16: {  	v17 =	vsel vm14, $0xE00, v17;
	v18 =	vsel vm14, $0x1000, v18;
	v19 =	vsel vm14, $0x1000, v19  }
0x17: {  	v20 =	vsel vm14, $0x1200, v20;
	v21 =	vsel vm14, $0x1200, v21;
	v22 =	vsel vm14, $0x1400, v22  }
0x18: {  	v23 =	vsel vm14, $0x1400, v23;
	v24 =	vsel vm14, $0x1600, v24;
	v25 =	vsel vm14, $0x1600, v25  }
0x19: {  	v26 =	vsel vm14, $0x1800, v26;
	v27 =	vsel vm14, $0x1800, v27;
	v28 =	vsel vm14, $0x1A00, v28  }
0x1a: {  	v29 =	vsel vm14, $0x1A00, v29;
	v30 =	vsel vm14, $0x1C00, v30;
	v31 =	vsel vm14, $0x1C00, v31  }
0x1b: {  	v32 =	vsel vm14, $0x1E00, v32;
	v33 =	vsel vm14, $0x1E00, v33;
	v1 =	vsel vm13, $0x80, v1  }
0x1c: {  	v2 =	vsel vm13, $0x80, v2;
	v5 =	vsel vm13, $0x280, v5;
	v6 =	vsel vm13, $0x480, v6  }
0x1d: {  	v7 =	vsel vm13, $0x480, v7;
	v8 =	vsel vm13, $0x680, v8;
	v9 =	vsel vm13, $0x680, v9  }
0x1e: {  	v10 =	vsel vm13, $0x880, v10;
	v11 =	vsel vm13, $0x880, v11;
	v12 =	vsel vm13, $0xA80, v12  }
0x1f: {  	v13 =	vsel vm13, $0xA80, v13;
	v14 =	vsel vm13, $0xC80, v14;
	v15 =	vsel vm13, $0xC80, v15  }
0x20: {  	v16 =	vsel vm13, $0xE80, v16;
	v17 =	vsel vm13, $0xE80, v17;
	v18 =	vsel vm13, $0x1080, v18  }
0x21: {  	v19 =	vsel vm13, $0x1080, v19;
	v20 =	vsel vm13, $0x1280, v20;
	v21 =	vsel vm13, $0x1280, v21  }
0x22: {  	v22 =	vsel vm13, $0x1480, v22;
	v23 =	vsel vm13, $0x1480, v23;
	v24 =	vsel vm13, $0x1680, v24  }
0x23: {  	v25 =	vsel vm13, $0x1680, v25;
	v26 =	vsel vm13, $0x1880, v26;
	v27 =	vsel vm13, $0x1880, v27  }
0x24: {  	v28 =	vsel vm13, $0x1A80, v28;
	v29 =	vsel vm13, $0x1A80, v29;
	v30 =	vsel vm13, $0x1C80, v30  }
0x25: {  	v31 =	vsel vm13, $0x1C80, v31;
	v32 =	vsel vm13, $0x1E80, v32;
	v33 =	vsel vm13, $0x1E80, v33  }
0x26: {  	v1 =	vsel vm12, $0x100, v1;
	v2 =	vsel vm12, $0x100, v2;
	v5 =	vsel vm12, $0x300, v5  }
0x27: {  	v6 =	vsel vm12, $0x500, v6;
	v7 =	vsel vm12, $0x500, v7;
	v8 =	vsel vm12, $0x700, v8  }
0x28: {  	v9 =	vsel vm12, $0x700, v9;
	v10 =	vsel vm12, $0x900, v10;
	v11 =	vsel vm12, $0x900, v11  }
0x29: {  	v12 =	vsel vm12, $0xB00, v12;
	v13 =	vsel vm12, $0xB00, v13;
	v14 =	vsel vm12, $0xD00, v14  }
0x2a: {  	v15 =	vsel vm12, $0xD00, v15;
	v16 =	vsel vm12, $0xF00, v16;
	v17 =	vsel vm12, $0xF00, v17  }
0x2b: {  	v18 =	vsel vm12, $0x1100, v18;
	v19 =	vsel vm12, $0x1100, v19;
	v20 =	vsel vm12, $0x1300, v20  }
0x2c: {  	v21 =	vsel vm12, $0x1300, v21;
	v22 =	vsel vm12, $0x1500, v22;
	v23 =	vsel vm12, $0x1500, v23  }
0x2d: {  	v24 =	vsel vm12, $0x1700, v24;
	v25 =	vsel vm12, $0x1700, v25;
	v26 =	vsel vm12, $0x1900, v26  }
0x2e: {  	v27 =	vsel vm12, $0x1900, v27;
	v28 =	vsel vm12, $0x1B00, v28;
	v29 =	vsel vm12, $0x1B00, v29  }
0x2f: {  	v30 =	vsel vm12, $0x1D00, v30;
	v31 =	vsel vm12, $0x1D00, v31;
	v32 =	vsel vm12, $0x1F00, v32  }
0x30: {  	v33 =	vsel vm12, $0x1F00, v33;
	v1 =	vsel vm11, $0x180, v1;
	v2 =	vsel vm11, $0x180, v2  }
0x31: {  	v5 =	vsel vm11, $0x380, v5;
	v6 =	vsel vm11, $0x580, v6;
	v7 =	vsel vm11, $0x580, v7  }
0x32: {  	v8 =	vsel vm11, $0x780, v8;
	v9 =	vsel vm11, $0x780, v9;
	v10 =	vsel vm11, $0x980, v10  }
0x33: {  	v11 =	vsel vm11, $0x980, v11;
	v12 =	vsel vm11, $0xB80, v12;
	v13 =	vsel vm11, $0xB80, v13  }
0x34: {  	v14 =	vsel vm11, $0xD80, v14;
	v15 =	vsel vm11, $0xD80, v15;
	v16 =	vsel vm11, $0xF80, v16  }
0x35: {  	v17 =	vsel vm11, $0xF80, v17;
	v18 =	vsel vm11, $0x1180, v18;
	v19 =	vsel vm11, $0x1180, v19  }
0x36: {  	v20 =	vsel vm11, $0x1380, v20;
	v21 =	vsel vm11, $0x1380, v21;
	v22 =	vsel vm11, $0x1580, v22  }
0x37: {  	v23 =	vsel vm11, $0x1580, v23;
	v24 =	vsel vm11, $0x1780, v24;
	v25 =	vsel vm11, $0x1780, v25  }
0x38: {  	v26 =	vsel vm11, $0x1980, v26;
	v27 =	vsel vm11, $0x1980, v27;
	v28 =	vsel vm11, $0x1B80, v28  }
0x39: {  	v29 =	vsel vm11, $0x1B80, v29;
	v30 =	vsel vm11, $0x1D80, v30;
	v31 =	vsel vm11, $0x1D80, v31  }
0x3a: {  	v32 =	vsel vm11, $0x1F80, v32;
	v33 =	vsel vm11, $0x1F80, v33;
	v1 =	vsel vm10, $0x2000, v1  }
0x3b: {  	v2 =	vsel vm10, $0x1, v2;
	v5 =	vsel vm10, $0x201, v5;
	v6 =	vsel vm10, $0x2400, v6  }
0x3c: {  	v7 =	vsel vm10, $0x401, v7;
	v8 =	vsel vm10, $0x2600, v8;
	v9 =	vsel vm10, $0x601, v9  }
0x3d: {  	v10 =	vsel vm10, $0x2800, v10;
	v11 =	vsel vm10, $0x801, v11;
	v12 =	vsel vm10, $0x2A00, v12  }
0x3e: {  	v13 =	vsel vm10, $0xA01, v13;
	v14 =	vsel vm10, $0x2C00, v14;
	v15 =	vsel vm10, $0xC01, v15  }
0x3f: {  	v16 =	vsel vm10, $0x2E00, v16;
	v17 =	vsel vm10, $0xE01, v17;
	v18 =	vsel vm10, $0x3000, v18  }
0x40: {  	v19 =	vsel vm10, $0x1001, v19;
	v20 =	vsel vm10, $0x3200, v20;
	v21 =	vsel vm10, $0x1201, v21  }
0x41: {  	v22 =	vsel vm10, $0x3400, v22;
	v23 =	vsel vm10, $0x1401, v23;
	v24 =	vsel vm10, $0x3600, v24  }
0x42: {  	v25 =	vsel vm10, $0x1601, v25;
	v26 =	vsel vm10, $0x3800, v26;
	v27 =	vsel vm10, $0x1801, v27  }
0x43: {  	v28 =	vsel vm10, $0x3A00, v28;
	v29 =	vsel vm10, $0x1A01, v29;
	v30 =	vsel vm10, $0x3C00, v30  }
0x44: {  	v31 =	vsel vm10, $0x1C01, v31;
	v32 =	vsel vm10, $0x3E00, v32;
	v33 =	vsel vm10, $0x1E01, v33  }
0x45: {  	v1 =	vsel vm9, $0x2080, v1;
	v2 =	vsel vm9, $0x81, v2;
	v5 =	vsel vm9, $0x281, v5  }
0x46: {  	v6 =	vsel vm9, $0x2480, v6;
	v7 =	vsel vm9, $0x481, v7;
	v8 =	vsel vm9, $0x2680, v8  }
0x47: {  	v9 =	vsel vm9, $0x681, v9;
	v10 =	vsel vm9, $0x2880, v10;
	v11 =	vsel vm9, $0x881, v11  }
0x48: {  	v12 =	vsel vm9, $0x2A80, v12;
	v13 =	vsel vm9, $0xA81, v13;
	v14 =	vsel vm9, $0x2C80, v14  }
0x49: {  	v15 =	vsel vm9, $0xC81, v15;
	v16 =	vsel vm9, $0x2E80, v16;
	v17 =	vsel vm9, $0xE81, v17  }
0x4a: {  	v18 =	vsel vm9, $0x3080, v18;
	v19 =	vsel vm9, $0x1081, v19;
	v20 =	vsel vm9, $0x3280, v20  }
0x4b: {  	v21 =	vsel vm9, $0x1281, v21;
	v22 =	vsel vm9, $0x3480, v22;
	v23 =	vsel vm9, $0x1481, v23  }
0x4c: {  	v24 =	vsel vm9, $0x3680, v24;
	v25 =	vsel vm9, $0x1681, v25;
	v26 =	vsel vm9, $0x3880, v26  }
0x4d: {  	v27 =	vsel vm9, $0x1881, v27;
	v28 =	vsel vm9, $0x3A80, v28;
	v29 =	vsel vm9, $0x1A81, v29  }
0x4e: {  	v30 =	vsel vm9, $0x3C80, v30;
	v31 =	vsel vm9, $0x1C81, v31;
	v32 =	vsel vm9, $0x3E80, v32  }
0x4f: {  	v33 =	vsel vm9, $0x1E81, v33;
	v1 =	vsel vm8, $0x2100, v1;
	v2 =	vsel vm8, $0x101, v2  }
0x50: {  	v5 =	vsel vm8, $0x301, v5;
	v6 =	vsel vm8, $0x2500, v6;
	v7 =	vsel vm8, $0x501, v7  }
0x51: {  	v8 =	vsel vm8, $0x2700, v8;
	v9 =	vsel vm8, $0x701, v9;
	v10 =	vsel vm8, $0x2900, v10  }
0x52: {  	v11 =	vsel vm8, $0x901, v11;
	v12 =	vsel vm8, $0x2B00, v12;
	v13 =	vsel vm8, $0xB01, v13  }
0x53: {  	v14 =	vsel vm8, $0x2D00, v14;
	v15 =	vsel vm8, $0xD01, v15;
	v16 =	vsel vm8, $0x2F00, v16  }
0x54: {  	v17 =	vsel vm8, $0xF01, v17;
	v18 =	vsel vm8, $0x3100, v18;
	v19 =	vsel vm8, $0x1101, v19  }
0x55: {  	v20 =	vsel vm8, $0x3300, v20;
	v21 =	vsel vm8, $0x1301, v21;
	v22 =	vsel vm8, $0x3500, v22  }
0x56: {  	v23 =	vsel vm8, $0x1501, v23;
	v24 =	vsel vm8, $0x3700, v24;
	v25 =	vsel vm8, $0x1701, v25  }
0x57: {  	v26 =	vsel vm8, $0x3900, v26;
	v27 =	vsel vm8, $0x1901, v27;
	v28 =	vsel vm8, $0x3B00, v28  }
0x58: {  	v29 =	vsel vm8, $0x1B01, v29;
	v30 =	vsel vm8, $0x3D00, v30;
	v31 =	vsel vm8, $0x1D01, v31  }
0x59: {  	v32 =	vsel vm8, $0x3F00, v32;
	v33 =	vsel vm8, $0x1F01, v33;
	v1 =	vsel vm7, $0x2180, v1  }
0x5a: {  	v2 =	vsel vm7, $0x181, v2;
	v5 =	vsel vm7, $0x381, v5;
	v6 =	vsel vm7, $0x2580, v6  }
0x5b: {  	v7 =	vsel vm7, $0x581, v7;
	v8 =	vsel vm7, $0x2780, v8;
	v9 =	vsel vm7, $0x781, v9  }
0x5c: {  	v10 =	vsel vm7, $0x2980, v10;
	v11 =	vsel vm7, $0x981, v11;
	v12 =	vsel vm7, $0x2B80, v12  }
0x5d: {  	v13 =	vsel vm7, $0xB81, v13;
	v14 =	vsel vm7, $0x2D80, v14;
	v15 =	vsel vm7, $0xD81, v15  }
0x5e: {  	v16 =	vsel vm7, $0x2F80, v16;
	v17 =	vsel vm7, $0xF81, v17;
	v18 =	vsel vm7, $0x3180, v18  }
0x5f: {  	v19 =	vsel vm7, $0x1181, v19;
	v20 =	vsel vm7, $0x3380, v20;
	v21 =	vsel vm7, $0x1381, v21  }
0x60: {  	v22 =	vsel vm7, $0x3580, v22;
	v23 =	vsel vm7, $0x1581, v23;
	v24 =	vsel vm7, $0x3780, v24  }
0x61: {  	v25 =	vsel vm7, $0x1781, v25;
	v26 =	vsel vm7, $0x3980, v26;
	v27 =	vsel vm7, $0x1981, v27  }
0x62: {  	v28 =	vsel vm7, $0x3B80, v28;
	v29 =	vsel vm7, $0x1B81, v29;
	v30 =	vsel vm7, $0x3D80, v30  }
0x63: {  	v31 =	vsel vm7, $0x1D81, v31;
	v32 =	vsel vm7, $0x3F80, v32;
	v33 =	vsel vm7, $0x1F81, v33  }
0x64: {  	v1 =	vsel vm6, $0x4000, v1;
	v2 =	vsel vm6, $0x2, v2;
	v5 =	vsel vm6, $0x202, v5  }
0x65: {  	v6 =	vsel vm6, $0x4400, v6;
	v7 =	vsel vm6, $0x402, v7;
	v8 =	vsel vm6, $0x4600, v8  }
0x66: {  	v9 =	vsel vm6, $0x602, v9;
	v10 =	vsel vm6, $0x4800, v10;
	v11 =	vsel vm6, $0x802, v11  }
0x67: {  	v12 =	vsel vm6, $0x4A00, v12;
	v13 =	vsel vm6, $0xA02, v13;
	v14 =	vsel vm6, $0x4C00, v14  }
0x68: {  	v15 =	vsel vm6, $0xC02, v15;
	v16 =	vsel vm6, $0x4E00, v16;
	v17 =	vsel vm6, $0xE02, v17  }
0x69: {  	v18 =	vsel vm6, $0x5000, v18;
	v19 =	vsel vm6, $0x1002, v19;
	v20 =	vsel vm6, $0x5200, v20  }
0x6a: {  	v21 =	vsel vm6, $0x1202, v21;
	v22 =	vsel vm6, $0x5400, v22;
	v23 =	vsel vm6, $0x1402, v23  }
0x6b: {  	v24 =	vsel vm6, $0x5600, v24;
	v25 =	vsel vm6, $0x1602, v25;
	v26 =	vsel vm6, $0x5800, v26  }
0x6c: {  	v27 =	vsel vm6, $0x1802, v27;
	v28 =	vsel vm6, $0x5A00, v28;
	v29 =	vsel vm6, $0x1A02, v29  }
0x6d: {  	v30 =	vsel vm6, $0x5C00, v30;
	v31 =	vsel vm6, $0x1C02, v31;
	v32 =	vsel vm6, $0x5E00, v32  }
0x6e: {  	v33 =	vsel vm6, $0x1E02, v33;
	v1 =	vsel vm5, $0x4080, v1;
	v2 =	vsel vm5, $0x82, v2  }
0x6f: {  	v5 =	vsel vm5, $0x282, v5;
	v6 =	vsel vm5, $0x4480, v6;
	v7 =	vsel vm5, $0x482, v7  }
0x70: {  	v8 =	vsel vm5, $0x4680, v8;
	v9 =	vsel vm5, $0x682, v9;
	v10 =	vsel vm5, $0x4880, v10  }
0x71: {  	v11 =	vsel vm5, $0x882, v11;
	v12 =	vsel vm5, $0x4A80, v12;
	v13 =	vsel vm5, $0xA82, v13  }
0x72: {  	v14 =	vsel vm5, $0x4C80, v14;
	v15 =	vsel vm5, $0xC82, v15;
	v16 =	vsel vm5, $0x4E80, v16  }
0x73: {  	v17 =	vsel vm5, $0xE82, v17;
	v18 =	vsel vm5, $0x5080, v18;
	v19 =	vsel vm5, $0x1082, v19  }
0x74: {  	v20 =	vsel vm5, $0x5280, v20;
	v21 =	vsel vm5, $0x1282, v21;
	v22 =	vsel vm5, $0x5480, v22  }
0x75: {  	v23 =	vsel vm5, $0x1482, v23;
	v24 =	vsel vm5, $0x5680, v24;
	v25 =	vsel vm5, $0x1682, v25  }
0x76: {  	v26 =	vsel vm5, $0x5880, v26;
	v27 =	vsel vm5, $0x1882, v27;
	v28 =	vsel vm5, $0x5A80, v28  }
0x77: {  	v29 =	vsel vm5, $0x1A82, v29;
	v30 =	vsel vm5, $0x5C80, v30;
	v31 =	vsel vm5, $0x1C82, v31  }
0x78: {  	v32 =	vsel vm5, $0x5E80, v32;
	v33 =	vsel vm5, $0x1E82, v33;
	v1 =	vsel vm4, $0x4100, v1  }
0x79: {  	v2 =	vsel vm4, $0x102, v2;
	v5 =	vsel vm4, $0x302, v5;
	v6 =	vsel vm4, $0x4500, v6  }
0x7a: {  	v7 =	vsel vm4, $0x502, v7;
	v8 =	vsel vm4, $0x4700, v8;
	v9 =	vsel vm4, $0x702, v9  }
0x7b: {  	v10 =	vsel vm4, $0x4900, v10;
	v11 =	vsel vm4, $0x902, v11;
	v12 =	vsel vm4, $0x4B00, v12  }
0x7c: {  	v13 =	vsel vm4, $0xB02, v13;
	v14 =	vsel vm4, $0x4D00, v14;
	v15 =	vsel vm4, $0xD02, v15  }
0x7d: {  	v16 =	vsel vm4, $0x4F00, v16;
	v17 =	vsel vm4, $0xF02, v17;
	v18 =	vsel vm4, $0x5100, v18  }
0x7e: {  	v19 =	vsel vm4, $0x1102, v19;
	v20 =	vsel vm4, $0x5300, v20;
	v21 =	vsel vm4, $0x1302, v21  }
0x7f: {  	v22 =	vsel vm4, $0x5500, v22;
	v23 =	vsel vm4, $0x1502, v23;
	v24 =	vsel vm4, $0x5700, v24  }
0x80: {  	v25 =	vsel vm4, $0x1702, v25;
	v26 =	vsel vm4, $0x5900, v26;
	v27 =	vsel vm4, $0x1902, v27  }
0x81: {  	v28 =	vsel vm4, $0x5B00, v28;
	v29 =	vsel vm4, $0x1B02, v29;
	v30 =	vsel vm4, $0x5D00, v30  }
0x82: {  	v31 =	vsel vm4, $0x1D02, v31;
	v32 =	vsel vm4, $0x5F00, v32;
	v33 =	vsel vm4, $0x1F02, v33  }
0x83: {  	v1 =	vsel vm3, $0x4180, v1;
	v2 =	vsel vm3, $0x182, v2;
	v5 =	vsel vm3, $0x382, v5  }
0x84: {  	v6 =	vsel vm3, $0x4580, v6;
	v7 =	vsel vm3, $0x582, v7;
	v8 =	vsel vm3, $0x4780, v8  }
0x85: {  	v9 =	vsel vm3, $0x782, v9;
	v10 =	vsel vm3, $0x4980, v10;
	v11 =	vsel vm3, $0x982, v11  }
0x86: {  	v12 =	vsel vm3, $0x4B80, v12;
	v13 =	vsel vm3, $0xB82, v13;
	v14 =	vsel vm3, $0x4D80, v14  }
0x87: {  	v15 =	vsel vm3, $0xD82, v15;
	v16 =	vsel vm3, $0x4F80, v16;
	v17 =	vsel vm3, $0xF82, v17  }
0x88: {  	v18 =	vsel vm3, $0x5180, v18;
	v19 =	vsel vm3, $0x1182, v19;
	v20 =	vsel vm3, $0x5380, v20  }
0x89: {  	v21 =	vsel vm3, $0x1382, v21;
	v22 =	vsel vm3, $0x5580, v22;
	v23 =	vsel vm3, $0x1582, v23  }
0x8a: {  	v24 =	vsel vm3, $0x5780, v24;
	v25 =	vsel vm3, $0x1782, v25;
	v26 =	vsel vm3, $0x5980, v26  }
0x8b: {  	v27 =	vsel vm3, $0x1982, v27;
	v28 =	vsel vm3, $0x5B80, v28;
	v29 =	vsel vm3, $0x1B82, v29  }
0x8c: {  	v30 =	vsel vm3, $0x5D80, v30;
	v31 =	vsel vm3, $0x1D82, v31;
	v32 =	vsel vm3, $0x5F80, v32  }
0x8d: {  	v33 =	vsel vm3, $0x1F82, v33;
	v1 =	vsel vm2, $0x6000, v1;
	v2 =	vsel vm2, $0x3, v2  }
0x8e: {  	v5 =	vsel vm2, $0x203, v5;
	v6 =	vsel vm2, $0x6400, v6;
	v7 =	vsel vm2, $0x403, v7  }
0x8f: {  	v8 =	vsel vm2, $0x6600, v8;
	v9 =	vsel vm2, $0x603, v9;
	v10 =	vsel vm2, $0x6800, v10  }
0x90: {  	v11 =	vsel vm2, $0x803, v11;
	v12 =	vsel vm2, $0x6A00, v12;
	v13 =	vsel vm2, $0xA03, v13  }
0x91: {  	v14 =	vsel vm2, $0x6C00, v14;
	v15 =	vsel vm2, $0xC03, v15;
	v16 =	vsel vm2, $0x6E00, v16  }
0x92: {  	v17 =	vsel vm2, $0xE03, v17;
	v18 =	vsel vm2, $0x7000, v18;
	v19 =	vsel vm2, $0x1003, v19  }
0x93: {  	v20 =	vsel vm2, $0x7200, v20;
	v21 =	vsel vm2, $0x1203, v21;
	v22 =	vsel vm2, $0x7400, v22  }
0x94: {  	v23 =	vsel vm2, $0x1403, v23;
	v24 =	vsel vm2, $0x7600, v24;
	v25 =	vsel vm2, $0x1603, v25  }
0x95: {  	v26 =	vsel vm2, $0x7800, v26;
	v27 =	vsel vm2, $0x1803, v27;
	v28 =	vsel vm2, $0x7A00, v28  }
0x96: {  	v29 =	vsel vm2, $0x1A03, v29;
	v30 =	vsel vm2, $0x7C00, v30;
	v31 =	vsel vm2, $0x1C03, v31  }
0x97: {  	v32 =	vsel vm2, $0x7E00, v32;
	v33 =	vsel vm2, $0x1E03, v33;
	v3 =	vsel vm1, $0x6080, v1  }
0x98: {  	v4 =	vsel vm1, $0x83, v2;
	v1 =	vor.u32 $0x4, v0;
	v5 =	vsel vm1, $0x283, v5  }
0x99: {  	v6 =	vsel vm1, $0x6480, v6;
	v7 =	vsel vm1, $0x483, v7;
	v8 =	vsel vm1, $0x6680, v8  }
0x9a: {  	v9 =	vsel vm1, $0x683, v9;
	v10 =	vsel vm1, $0x6880, v10;
	v11 =	vsel vm1, $0x883, v11  }
0x9b: {  	v12 =	vsel vm1, $0x6A80, v12;
	v13 =	vsel vm1, $0xA83, v13;
	v14 =	vsel vm1, $0x6C80, v14  }
0x9c: {  	v15 =	vsel vm1, $0xC83, v15;
	v16 =	vsel vm1, $0x6E80, v16;
	v17 =	vsel vm1, $0xE83, v17  }
0x9d: {  	v18 =	vsel vm1, $0x7080, v18;
	v19 =	vsel vm1, $0x1083, v19;
	v20 =	vsel vm1, $0x7280, v20  }
0x9e: {  	v21 =	vsel vm1, $0x1283, v21;
	v22 =	vsel vm1, $0x7480, v22;
	v23 =	vsel vm1, $0x1483, v23  }
0x9f: {  	v24 =	vsel vm1, $0x7680, v24;
	v25 =	vsel vm1, $0x1683, v25;
	v26 =	vsel vm1, $0x7880, v26  }
0xa0: {  	v27 =	vsel vm1, $0x1883, v27;
	v28 =	vsel vm1, $0x7A80, v28;
	v29 =	vsel vm1, $0x1A83, v29  }
0xa1: {  	v30 =	vsel vm1, $0x7C80, v30;
	v31 =	vsel vm1, $0x1C83, v31;
	v32 =	vsel vm1, $0x7E80, v32  }
0xa2: {  	v2 =	vsel vm0, $0x6100, v3;
	v3 =	vsel vm0, $0x103, v4;
	v4 =	vimm.s32 $0x6380  }
0xa3: {  	s0 =	rddreg [dreg:$0x0];
	v33 =	vsel vm1, $0x1E83, v33;
	v5 =	vsel vm0, $0x303, v5;
	v4 =	vsel vm14, $0x200, v4  }
0xa4: {  	s4 =	rddreg [dreg:$0x1];
	v6 =	vsel vm0, $0x6500, v6;
	v7 =	vsel vm0, $0x503, v7;
	v4 =	vsel vm13, $0x280, v4  }
0xa5: {  	s5 =	rddreg [dreg:$0x2];
	s3 =	srdreg.scid;
	v8 =	vsel vm0, $0x6700, v8;
	v9 =	vsel vm0, $0x703, v9;
	v4 =	vsel vm12, $0x300, v4  }
0xa6: {  	s1 =	rddreg [dreg:$0x3];
	s2 =	stileid.u32;
	s10 =	simm.s32 $0xA00;
	v10 =	vsel vm0, $0x6900, v10;
	v11 =	vsel vm0, $0x903, v11;
	v4 =	vsel vm11, $0x380, v4  }
0xa7: {  	s11 =	simm.s32 $0x2A00;
	s12 =	simm.s32 $0x4A00;
	s13 =	simm.s32 $0x6A00;
	v12 =	vsel vm0, $0x6B00, v12;
	v13 =	vsel vm0, $0xB03, v13;
	v4 =	vsel vm10, $0x2200, v4  }
0xa8: {  	s14 =	simm.s32 $0x8A00;
	s15 =	simm.s32 $0xAA00;
	s16 =	simm.s32 $0xCA00;
	v14 =	vsel vm0, $0x6D00, v14;
	v15 =	vsel vm0, $0xD03, v15;
	v4 =	vsel vm9, $0x2280, v4  }
0xa9: {  	s17 =	simm.s32 $0xEA00;
	s19 =	simm.s32 $0x600;
	s18 =	simm.s32 $0x1;
	v16 =	vsel vm0, $0x6F00, v16;
	v17 =	vsel vm0, $0xF03, v17;
	v4 =	vsel vm8, $0x2300, v4  }
0xaa: {  	s31 =	simm.s32 $0x200;
	s20 =	simm.s32 $0x0;
	s6 =	sand.u32 $0x1, s3;
	v18 =	vsel vm0, $0x7100, v18;
	v19 =	vsel vm0, $0x1103, v19;
	v4 =	vsel vm7, $0x2380, v4  }
0xab: {  	s3 =	simm.s32 $0x0;
	s7 =	sshll.u32 s2, $0xA;
	s8 =	sshll.u32 s6, $0x9;
	v20 =	vsel vm0, $0x7300, v20;
	v21 =	vsel vm0, $0x1303, v21;
	v4 =	vsel vm6, $0x4200, v4  }
0xac: {  	[smem:$0x7FF] =	sst s3;
	s6 =	ssub.s32 $0x2, s6;
	s7 =	sor.u32 s8, s7;
	v22 =	vsel vm0, $0x7500, v22;
	v23 =	vsel vm0, $0x1503, v23;
	v4 =	vsel vm5, $0x4280, v4  }
0xad: {  	_ =	strace $0x80000047;
	s30 =	sshrl.u32 s6, $0x1;
	[dreg:$0x4] =	wrdreg s19;
	v24 =	vsel vm0, $0x7700, v24;
	v25 =	vsel vm0, $0x1703, v25;
	v4 =	vsel vm4, $0x4300, v4  }
0xae: {  	s8 =	simm.s32 $0x400;
	[dreg:$0x5] =	wrdreg s31;
	s19 =	simm.s32 $0x1AA00;
	v26 =	vsel vm0, $0x7900, v26;
	v27 =	vsel vm0, $0x1903, v27;
	v4 =	vsel vm3, $0x4380, v4  }
0xaf: {  	s9 =	sshrl.u32 s7, $0x3;
	s6 =	ssub.s32 s6, s30;
	s5 =	sadd.s32 s5, s7;
	v28 =	vsel vm0, $0x7B00, v28;
	v29 =	vsel vm0, $0x1B03, v29;
	v4 =	vsel vm2, $0x6200, v4  }
0xb0: {  	s7 =	simm.s32 $0x2;
	s4 =	sadd.s32 s4, s9;
	[dreg:$0x6] =	wrdreg s5;
	v30 =	vsel vm0, $0x7D00, v30;
	v31 =	vsel vm0, $0x1D03, v31;
	v4 =	vsel vm1, $0x6280, v4  }
0xb1: {  	s5 =	smax.u32 s6, $0x1;
	s6 =	simm.s32 $0x800;
	s9 =	simm.s32 $0x7A1400;
	v32 =	vsel vm0, $0x7F00, v32;
	v33 =	vsel vm0, $0x1F03, v33;
	v4 =	vsel vm0, $0x6300, v4  }
.LBB2_1:
0xb2: {  	[tilespmem:s3], [sflag:$0x2] =	stream.linear.gather [hbm4b:s4+s3], $0x200, $0x38;
	[tilespmem:$0x1CA00] =	vst v63  }
0xb3: {  	_ =	swait.ge [sflag:s7], $0x200  }
0xb4: {  	[sflag:s7] =	ssyncset.done $0x0  }
0xb5: {  	[sflag:s7] =	ssyncadd.s32 $0xFFFFFE00  }
0xb6: {  	v34 =	vld [tilespmem:$0x0];
	_ =	sdelay $0x1  }
0xb7: {  	v36 =	vld [tilespmem:$0x20];
	_ =	sdelay $0x2  }
0xb8: {  	v35 =	vld [tilespmem:$0x10];
	v34 =	vmax.f32 v34, $0.0e+00  }
0xb9: {  	v39 =	vld [tilespmem:$0x30];
	v34 =	vmin.f32 v34, $1.000000000e+00  }
0xba: {  	v36 =	vmax.f32 v36, $0.0e+00;
	v34 =	vmul.f32 $9.999990000e+05, v34  }
0xbb: {  	v36 =	vmin.f32 v36, $1.000000000e+00  }
0xbc: {  	v36 =	vmul.f32 $9.999990000e+05, v36;
	v37 =	vtrunc.f32 v34  }
0xbd: {  	v37 =	vcvt.f32.s32 v37  }
0xbe: {  	v35 =	vmax.f32 v35, $0.0e+00;
	v39 =	vmax.f32 v39, $0.0e+00;
	v43 =	vtrunc.f32 v36  }
0xbf: {  	v35 =	vmin.f32 v35, $1.000000000e+00;
	v59 =	vcvt.f32.s32 v43;
	v40 =	vand.u32 $0x7F, v37  }
0xc0: {  	v39 =	vmin.f32 v39, $1.000000000e+00;
	v38 =	vcvt.s32.f32 v37;
	v37 =	vand.u32 $0xFFFFFF80, v37;
	[tilespmem:$0x400] =	vst v40  }
0xc1: {  	v42 =	vld [tilespmem:$0x40];
	v35 =	vmul.f32 $9.999990000e+05, v35;
	v51 =	vand.u32 $0x7F, v59;
	v41 =	vmin.u32 v40, $0x7E;
	[tilespmem:$0x800] =	vst v37  }
0xc2: {  	v48 =	vld [tilespmem:$0x50];
	v63 =	vcvt.s32.f32 v59;
	v52 =	vmin.u32 v51, $0x7E;
	[tilespmem:$0x420] =	vst v51;
	v57 =	vadd.s32 $0x1, v41  }
0xc3: {  	v39 =	vmul.f32 $9.999990000e+05, v39;
	v34 =	vsub.f32 v34, v38;
	v54 =	vadd.s32 $0x1, v52;
	[tilespmem:$0x600] =	vst v57  }
0xc4: {  	v56 =	vtrunc.f32 v35;
	v49 =	vsub.f32 v36, v63;
	[tilespmem:$0x620] =	vst v54  }
0xc5: {  	v50 =	vtrunc.f32 v39;
	v38 =	vcvt.f32.s32 v56;
	[tilespmem:$0x200] =	vst v34  }
0xc6: {  	v47 =	vmax.f32 v42, $0.0e+00;
	v36 =	vcvt.f32.s32 v50;
	v57 =	vand.u32 $0xFFFFFF80, v59;
	[tilespmem:$0x220] =	vst v49  }
0xc7: {  	v53 =	vld [tilespmem:$0x60];
	v42 =	vmax.f32 v48, $0.0e+00;
	v58 =	vcvt.s32.f32 v38;
	v61 =	vand.u32 $0x7F, v38;
	[tilespmem:$0x820] =	vst v57  }
0xc8: {  	v46 =	vand.u32 $0xFFFFFF80, v38;
	v38 =	vmin.f32 v47, $1.000000000e+00;
	v55 =	vcvt.s32.f32 v36;
	[tilespmem:$0x410] =	vst v61  }
0xc9: {  	v44 =	vand.u32 $0xFFFFFF80, v36;
	v62 =	vmin.u32 v61, $0x7E;
	v38 =	vmul.f32 $9.999990000e+05, v38;
	[tilespmem:$0x810] =	vst v46  }
0xca: {  	v61 =	vmin.f32 v42, $1.000000000e+00;
	[tilespmem:$0x830] =	vst v44;
	v60 =	vsub.f32 v35, v58;
	v45 =	vadd.s32 $0x1, v62  }
0xcb: {  	v59 =	vsub.f32 v39, v55;
	v39 =	vmul.f32 $9.999990000e+05, v61;
	[tilespmem:$0x610] =	vst v45  }
0xcc: {  	v56 =	vtrunc.f32 v38;
	v45 =	vmax.f32 v53, $0.0e+00;
	[tilespmem:$0x210] =	vst v60;
	v60 =	vand.u32 $0x7F, v36  }
0xcd: {  	v46 =	vld [tilespmem:$0x70];
	v58 =	vcvt.f32.s32 v56;
	[tilespmem:$0x230] =	vst v59;
	v36 =	vmin.f32 v45, $1.000000000e+00;
	v62 =	vmin.u32 v60, $0x7E  }
0xce: {  	v51 =	vld [tilespmem:$0x80];
	[tilespmem:$0x430] =	vst v60;
	v36 =	vmul.f32 $9.999990000e+05, v36;
	v34 =	vadd.s32 $0x1, v62  }
0xcf: {  	v48 =	vtrunc.f32 v39;
	v63 =	vcvt.s32.f32 v58;
	v49 =	vand.u32 $0x7F, v58;
	[tilespmem:$0x630] =	vst v34  }
0xd0: {  	v54 =	vand.u32 $0xFFFFFF80, v58;
	v50 =	vmin.u32 v49, $0x7E;
	v53 =	vtrunc.f32 v36;
	[tilespmem:$0x440] =	vst v49  }
0xd1: {  	[tilespmem:$0x840] =	vst v54;
	v47 =	vsub.f32 v38, v63;
	v38 =	vcvt.f32.s32 v48;
	v35 =	vadd.s32 $0x1, v50  }
0xd2: {  	v41 =	vmax.f32 v46, $0.0e+00;
	v55 =	vcvt.f32.s32 v53;
	[tilespmem:$0x640] =	vst v35  }
0xd3: {  	v62 =	vmax.f32 v51, $0.0e+00;
	v58 =	vmin.f32 v41, $1.000000000e+00;
	[tilespmem:$0x240] =	vst v47;
	v57 =	vand.u32 $0x7F, v38  }
0xd4: {  	v63 =	vld [tilespmem:$0x90];
	v52 =	vcvt.s32.f32 v38;
	v60 =	vcvt.s32.f32 v55;
	v61 =	vand.u32 $0xFFFFFF80, v38;
	[tilespmem:$0x450] =	vst v57  }
0xd5: {  	v48 =	vld [tilespmem:$0xA0];
	v38 =	vmin.f32 v62, $1.000000000e+00;
	v46 =	vand.u32 $0x7F, v55;
	v51 =	vand.u32 $0xFFFFFF80, v55;
	[tilespmem:$0x850] =	vst v61  }
0xd6: {  	v59 =	vmin.u32 v57, $0x7E;
	v38 =	vmul.f32 $9.999990000e+05, v38;
	v47 =	vmin.u32 v46, $0x7E;
	[tilespmem:$0x460] =	vst v46  }
0xd7: {  	[tilespmem:$0x860] =	vst v51;
	v56 =	vsub.f32 v39, v52;
	v39 =	vmul.f32 $9.999990000e+05, v58;
	v34 =	vadd.s32 $0x1, v59  }
0xd8: {  	v35 =	vadd.s32 $0x1, v47;
	[tilespmem:$0x650] =	vst v34;
	v50 =	vtrunc.f32 v38  }
0xd9: {  	v36 =	vsub.f32 v36, v60;
	[tilespmem:$0x660] =	vst v35;
	v45 =	vtrunc.f32 v39;
	v52 =	vcvt.f32.s32 v50  }
0xda: {  	v42 =	vmax.f32 v63, $0.0e+00;
	v59 =	vmax.f32 v48, $0.0e+00;
	[tilespmem:$0x250] =	vst v56;
	v37 =	vcvt.f32.s32 v45  }
0xdb: {  	[tilespmem:$0x260] =	vst v36;
	v55 =	vmin.f32 v42, $1.000000000e+00;
	v57 =	vcvt.s32.f32 v52;
	v63 =	vand.u32 $0x7F, v52  }
0xdc: {  	v46 =	vld [tilespmem:$0xC0];
	v49 =	vcvt.s32.f32 v37;
	v54 =	vand.u32 $0x7F, v37;
	v58 =	vand.u32 $0xFFFFFF80, v37;
	[tilespmem:$0x480] =	vst v63  }
0xdd: {  	v60 =	vld [tilespmem:$0xB0];
	v37 =	vmin.f32 v59, $1.000000000e+00;
	v45 =	vmin.u32 v63, $0x7E;
	v56 =	vmin.u32 v54, $0x7E;
	[tilespmem:$0x470] =	vst v54  }
0xde: {  	v61 =	vsub.f32 v38, v57;
	v37 =	vmul.f32 $9.999990000e+05, v37;
	[tilespmem:$0x870] =	vst v58;
	v35 =	vadd.s32 $0x1, v45  }
0xdf: {  	v53 =	vsub.f32 v39, v49;
	v39 =	vmul.f32 $9.999990000e+05, v55;
	v34 =	vadd.s32 $0x1, v56;
	[tilespmem:$0x680] =	vst v35  }
0xe0: {  	[tilespmem:$0x670] =	vst v34;
	v48 =	vtrunc.f32 v37  }
0xe1: {  	v49 =	vand.u32 $0xFFFFFF80, v52;
	[tilespmem:$0x280] =	vst v61;
	v62 =	vtrunc.f32 v39;
	v50 =	vcvt.f32.s32 v48  }
0xe2: {  	v41 =	vmax.f32 v60, $0.0e+00;
	v57 =	vmax.f32 v46, $0.0e+00;
	[tilespmem:$0x880] =	vst v49;
	v38 =	vcvt.f32.s32 v62  }
0xe3: {  	[tilespmem:$0x270] =	vst v53;
	v53 =	vmin.f32 v41, $1.000000000e+00;
	v55 =	vcvt.s32.f32 v50;
	v61 =	vand.u32 $0x7F, v50  }
0xe4: {  	v63 =	vld [tilespmem:$0xE0];
	v47 =	vcvt.s32.f32 v38;
	v52 =	vand.u32 $0x7F, v38;
	v56 =	vand.u32 $0xFFFFFF80, v38;
	[tilespmem:$0x4A0] =	vst v61  }
0xe5: {  	v58 =	vld [tilespmem:$0xD0];
	v38 =	vmin.f32 v57, $1.000000000e+00;
	v62 =	vmin.u32 v61, $0x7E;
	v54 =	vmin.u32 v52, $0x7E;
	[tilespmem:$0x490] =	vst v52  }
0xe6: {  	v59 =	vsub.f32 v37, v55;
	v38 =	vmul.f32 $9.999990000e+05, v38;
	[tilespmem:$0x890] =	vst v56;
	v35 =	vadd.s32 $0x1, v62  }
0xe7: {  	v51 =	vsub.f32 v39, v47;
	v39 =	vmul.f32 $9.999990000e+05, v53;
	v34 =	vadd.s32 $0x1, v54;
	[tilespmem:$0x6A0] =	vst v35  }
0xe8: {  	[tilespmem:$0x690] =	vst v34;
	v46 =	vtrunc.f32 v38  }
0xe9: {  	v47 =	vand.u32 $0xFFFFFF80, v50;
	[tilespmem:$0x2A0] =	vst v59;
	v60 =	vtrunc.f32 v39;
	v48 =	vcvt.f32.s32 v46  }
0xea: {  	v42 =	vmax.f32 v58, $0.0e+00;
	v55 =	vmax.f32 v63, $0.0e+00;
	[tilespmem:$0x8A0] =	vst v47;
	v37 =	vcvt.f32.s32 v60  }
0xeb: {  	[tilespmem:$0x290] =	vst v51;
	v51 =	vmin.f32 v42, $1.000000000e+00;
	v53 =	vcvt.s32.f32 v48;
	v59 =	vand.u32 $0x7F, v48  }
0xec: {  	v61 =	vld [tilespmem:$0x100];
	v45 =	vcvt.s32.f32 v37;
	v50 =	vand.u32 $0x7F, v37;
	v54 =	vand.u32 $0xFFFFFF80, v37;
	[tilespmem:$0x4C0] =	vst v59  }
0xed: {  	v56 =	vld [tilespmem:$0xF0];
	v37 =	vmin.f32 v55, $1.000000000e+00;
	v60 =	vmin.u32 v59, $0x7E;
	v52 =	vmin.u32 v50, $0x7E;
	[tilespmem:$0x4B0] =	vst v50  }
0xee: {  	v57 =	vsub.f32 v38, v53;
	v37 =	vmul.f32 $9.999990000e+05, v37;
	[tilespmem:$0x8B0] =	vst v54;
	v35 =	vadd.s32 $0x1, v60  }
0xef: {  	v49 =	vsub.f32 v39, v45;
	v39 =	vmul.f32 $9.999990000e+05, v51;
	v34 =	vadd.s32 $0x1, v52;
	[tilespmem:$0x6C0] =	vst v35  }
0xf0: {  	[tilespmem:$0x6B0] =	vst v34;
	v63 =	vtrunc.f32 v37  }
0xf1: {  	v45 =	vand.u32 $0xFFFFFF80, v48;
	[tilespmem:$0x2C0] =	vst v57;
	v58 =	vtrunc.f32 v39;
	v46 =	vcvt.f32.s32 v63  }
0xf2: {  	v41 =	vmax.f32 v56, $0.0e+00;
	v53 =	vmax.f32 v61, $0.0e+00;
	[tilespmem:$0x8C0] =	vst v45;
	v38 =	vcvt.f32.s32 v58  }
0xf3: {  	[tilespmem:$0x2B0] =	vst v49;
	v49 =	vmin.f32 v41, $1.000000000e+00;
	v51 =	vcvt.s32.f32 v46;
	v57 =	vand.u32 $0x7F, v46  }
0xf4: {  	v59 =	vld [tilespmem:$0x120];
	v62 =	vcvt.s32.f32 v38;
	v48 =	vand.u32 $0x7F, v38;
	v52 =	vand.u32 $0xFFFFFF80, v38;
	[tilespmem:$0x4E0] =	vst v57  }
0xf5: {  	v54 =	vld [tilespmem:$0x110];
	v38 =	vmin.f32 v53, $1.000000000e+00;
	v58 =	vmin.u32 v57, $0x7E;
	v50 =	vmin.u32 v48, $0x7E;
	[tilespmem:$0x4D0] =	vst v48  }
0xf6: {  	v55 =	vsub.f32 v37, v51;
	v38 =	vmul.f32 $9.999990000e+05, v38;
	[tilespmem:$0x8D0] =	vst v52;
	v35 =	vadd.s32 $0x1, v58  }
0xf7: {  	v47 =	vsub.f32 v39, v62;
	v39 =	vmul.f32 $9.999990000e+05, v49;
	v34 =	vadd.s32 $0x1, v50;
	[tilespmem:$0x6E0] =	vst v35  }
0xf8: {  	[tilespmem:$0x6D0] =	vst v34;
	v61 =	vtrunc.f32 v38  }
0xf9: {  	v62 =	vand.u32 $0xFFFFFF80, v46;
	[tilespmem:$0x2E0] =	vst v55;
	v56 =	vtrunc.f32 v39;
	v63 =	vcvt.f32.s32 v61  }
0xfa: {  	v42 =	vmax.f32 v54, $0.0e+00;
	v51 =	vmax.f32 v59, $0.0e+00;
	[tilespmem:$0x8E0] =	vst v62;
	v37 =	vcvt.f32.s32 v56  }
0xfb: {  	[tilespmem:$0x2D0] =	vst v47;
	v47 =	vmin.f32 v42, $1.000000000e+00;
	v49 =	vcvt.s32.f32 v63;
	v55 =	vand.u32 $0x7F, v63  }
0xfc: {  	v60 =	vcvt.s32.f32 v37;
	v46 =	vand.u32 $0x7F, v37;
	v50 =	vand.u32 $0xFFFFFF80, v37;
	[tilespmem:$0x500] =	vst v55  }
0xfd: {  	v52 =	vld [tilespmem:$0x130];
	v37 =	vmin.f32 v51, $1.000000000e+00;
	v56 =	vmin.u32 v55, $0x7E;
	v48 =	vmin.u32 v46, $0x7E;
	[tilespmem:$0x4F0] =	vst v46  }
0xfe: {  	v57 =	vld [tilespmem:$0x140];
	v53 =	vsub.f32 v38, v49;
	v37 =	vmul.f32 $9.999990000e+05, v37;
	[tilespmem:$0x8F0] =	vst v50;
	v35 =	vadd.s32 $0x1, v56  }
0xff: {  	v45 =	vsub.f32 v39, v60;
	v39 =	vmul.f32 $9.999990000e+05, v47;
	v34 =	vadd.s32 $0x1, v48;
	[tilespmem:$0x700] =	vst v35  }
0x100: {  	[tilespmem:$0x6F0] =	vst v34;
	v59 =	vtrunc.f32 v37  }
0x101: {  	v60 =	vand.u32 $0xFFFFFF80, v63;
	[tilespmem:$0x300] =	vst v53;
	v54 =	vtrunc.f32 v39;
	v61 =	vcvt.f32.s32 v59  }
0x102: {  	v41 =	vmax.f32 v52, $0.0e+00;
	[tilespmem:$0x900] =	vst v60;
	v38 =	vcvt.f32.s32 v54  }
0x103: {  	v44 =	vmin.f32 v41, $1.000000000e+00;
	v48 =	vmax.f32 v57, $0.0e+00;
	[tilespmem:$0x2F0] =	vst v45;
	v52 =	vand.u32 $0x7F, v61  }
0x104: {  	v49 =	vld [tilespmem:$0x150];
	v46 =	vcvt.s32.f32 v61;
	v57 =	vand.u32 $0xFFFFFF80, v61;
	v58 =	vcvt.s32.f32 v38;
	[tilespmem:$0x520] =	vst v52  }
0x105: {  	v63 =	vand.u32 $0x7F, v38;
	v47 =	vand.u32 $0xFFFFFF80, v38;
	v38 =	vmin.f32 v48, $1.000000000e+00;
	[tilespmem:$0x920] =	vst v57  }
0x106: {  	v54 =	vld [tilespmem:$0x160];
	v53 =	vmin.u32 v52, $0x7E;
	v45 =	vmin.u32 v63, $0x7E;
	[tilespmem:$0x510] =	vst v63;
	v38 =	vmul.f32 $9.999990000e+05, v38  }
0x107: {  	[tilespmem:$0x910] =	vst v47;
	v35 =	vadd.s32 $0x1, v53;
	v62 =	vsub.f32 v39, v58;
	v39 =	vmul.f32 $9.999990000e+05, v44  }
0x108: {  	v50 =	vsub.f32 v37, v46;
	v34 =	vadd.s32 $0x1, v45;
	[tilespmem:$0x720] =	vst v35;
	v56 =	vtrunc.f32 v38  }
0x109: {  	v42 =	vmax.f32 v49, $0.0e+00;
	[tilespmem:$0x710] =	vst v34;
	v51 =	vtrunc.f32 v39;
	v58 =	vcvt.f32.s32 v56  }
0x10a: {  	v61 =	vmin.f32 v42, $1.000000000e+00;
	[tilespmem:$0x320] =	vst v50;
	v37 =	vcvt.f32.s32 v51  }
0x10b: {  	v46 =	vmax.f32 v54, $0.0e+00;
	[tilespmem:$0x310] =	vst v62;
	v63 =	vcvt.s32.f32 v58;
	v50 =	vand.u32 $0x7F, v58  }
0x10c: {  	v52 =	vld [tilespmem:$0x180];
	v55 =	vcvt.s32.f32 v37;
	v60 =	vand.u32 $0x7F, v37;
	v45 =	vand.u32 $0xFFFFFF80, v37;
	[tilespmem:$0x540] =	vst v50  }
0x10d: {  	v47 =	vld [tilespmem:$0x170];
	v37 =	vmin.f32 v46, $1.000000000e+00;
	v51 =	vmin.u32 v50, $0x7E;
	v62 =	vmin.u32 v60, $0x7E;
	[tilespmem:$0x530] =	vst v60  }
0x10e: {  	v48 =	vsub.f32 v38, v63;
	v37 =	vmul.f32 $9.999990000e+05, v37;
	[tilespmem:$0x930] =	vst v45;
	v35 =	vadd.s32 $0x1, v51  }
0x10f: {  	v59 =	vsub.f32 v39, v55;
	v39 =	vmul.f32 $9.999990000e+05, v61;
	v34 =	vadd.s32 $0x1, v62;
	[tilespmem:$0x740] =	vst v35  }
0x110: {  	[tilespmem:$0x730] =	vst v34;
	v54 =	vtrunc.f32 v37  }
0x111: {  	v55 =	vand.u32 $0xFFFFFF80, v58;
	[tilespmem:$0x340] =	vst v48;
	v49 =	vtrunc.f32 v39;
	v56 =	vcvt.f32.s32 v54  }
0x112: {  	v41 =	vmax.f32 v47, $0.0e+00;
	v63 =	vmax.f32 v52, $0.0e+00;
	[tilespmem:$0x940] =	vst v55;
	v38 =	vcvt.f32.s32 v49  }
0x113: {  	[tilespmem:$0x330] =	vst v59;
	v59 =	vmin.f32 v41, $1.000000000e+00;
	v61 =	vcvt.s32.f32 v56;
	v48 =	vand.u32 $0x7F, v56  }
0x114: {  	v50 =	vld [tilespmem:$0x1A0];
	v53 =	vcvt.s32.f32 v38;
	v58 =	vand.u32 $0x7F, v38;
	v62 =	vand.u32 $0xFFFFFF80, v38;
	[tilespmem:$0x560] =	vst v48  }
0x115: {  	v45 =	vld [tilespmem:$0x190];
	v38 =	vmin.f32 v63, $1.000000000e+00;
	v49 =	vmin.u32 v48, $0x7E;
	v60 =	vmin.u32 v58, $0x7E;
	[tilespmem:$0x550] =	vst v58  }
0x116: {  	v46 =	vsub.f32 v37, v61;
	v38 =	vmul.f32 $9.999990000e+05, v38;
	[tilespmem:$0x950] =	vst v62;
	v35 =	vadd.s32 $0x1, v49  }
0x117: {  	v57 =	vsub.f32 v39, v53;
	v39 =	vmul.f32 $9.999990000e+05, v59;
	v34 =	vadd.s32 $0x1, v60;
	[tilespmem:$0x760] =	vst v35  }
0x118: {  	[tilespmem:$0x750] =	vst v34;
	v52 =	vtrunc.f32 v38  }
0x119: {  	v53 =	vand.u32 $0xFFFFFF80, v56;
	[tilespmem:$0x360] =	vst v46;
	v47 =	vtrunc.f32 v39;
	v54 =	vcvt.f32.s32 v52  }
0x11a: {  	v42 =	vmax.f32 v45, $0.0e+00;
	v61 =	vmax.f32 v50, $0.0e+00;
	[tilespmem:$0x960] =	vst v53;
	v37 =	vcvt.f32.s32 v47  }
0x11b: {  	[tilespmem:$0x350] =	vst v57;
	v57 =	vmin.f32 v42, $1.000000000e+00;
	v59 =	vcvt.s32.f32 v54;
	v46 =	vand.u32 $0x7F, v54  }
0x11c: {  	v51 =	vcvt.s32.f32 v37;
	v56 =	vand.u32 $0x7F, v37;
	v60 =	vand.u32 $0xFFFFFF80, v37;
	[tilespmem:$0x580] =	vst v46  }
0x11d: {  	v62 =	vld [tilespmem:$0x1B0];
	v37 =	vmin.f32 v61, $1.000000000e+00;
	v47 =	vmin.u32 v46, $0x7E;
	v58 =	vmin.u32 v56, $0x7E;
	[tilespmem:$0x570] =	vst v56  }
0x11e: {  	v48 =	vld [tilespmem:$0x1C0];
	v63 =	vsub.f32 v38, v59;
	v37 =	vmul.f32 $9.999990000e+05, v37;
	[tilespmem:$0x970] =	vst v60;
	v35 =	vadd.s32 $0x1, v47  }
0x11f: {  	v55 =	vsub.f32 v39, v51;
	v39 =	vmul.f32 $9.999990000e+05, v57;
	v34 =	vadd.s32 $0x1, v58;
	[tilespmem:$0x780] =	vst v35  }
0x120: {  	[tilespmem:$0x770] =	vst v34;
	v50 =	vtrunc.f32 v37  }
0x121: {  	v51 =	vand.u32 $0xFFFFFF80, v54;
	[tilespmem:$0x380] =	vst v63;
	v45 =	vtrunc.f32 v39;
	v52 =	vcvt.f32.s32 v50  }
0x122: {  	v41 =	vmax.f32 v62, $0.0e+00;
	[tilespmem:$0x980] =	vst v51;
	v38 =	vcvt.f32.s32 v45  }
0x123: {  	v59 =	vmax.f32 v48, $0.0e+00;
	[tilespmem:$0x370] =	vst v55;
	v55 =	vmin.f32 v41, $1.000000000e+00;
	v63 =	vand.u32 $0x7F, v52  }
0x124: {  	v60 =	vld [tilespmem:$0x1D0];
	v57 =	vcvt.s32.f32 v52;
	v48 =	vand.u32 $0xFFFFFF80, v52;
	v49 =	vcvt.s32.f32 v38;
	[tilespmem:$0x5A0] =	vst v63  }
0x125: {  	v47 =	vld [tilespmem:$0x1E0];
	v54 =	vand.u32 $0x7F, v38;
	v58 =	vand.u32 $0xFFFFFF80, v38;
	v38 =	vmin.f32 v59, $1.000000000e+00;
	[tilespmem:$0x9A0] =	vst v48  }
0x126: {  	v44 =	vmin.u32 v63, $0x7E;
	v56 =	vmin.u32 v54, $0x7E;
	[tilespmem:$0x590] =	vst v54;
	v38 =	vmul.f32 $9.999990000e+05, v38  }
0x127: {  	v61 =	vsub.f32 v37, v57;
	[tilespmem:$0x990] =	vst v58;
	v35 =	vadd.s32 $0x1, v44;
	v53 =	vsub.f32 v39, v49  }
0x128: {  	v39 =	vmul.f32 $9.999990000e+05, v55;
	v34 =	vadd.s32 $0x1, v56;
	[tilespmem:$0x7A0] =	vst v35;
	v46 =	vtrunc.f32 v38  }
0x129: {  	[tilespmem:$0x790] =	vst v34;
	v49 =	vcvt.f32.s32 v46  }
0x12a: {  	v50 =	vmax.f32 v60, $0.0e+00;
	v60 =	vmax.f32 v47, $0.0e+00;
	[tilespmem:$0x3A0] =	vst v61;
	v62 =	vtrunc.f32 v39  }
0x12b: {  	v41 =	vmin.f32 v60, $1.000000000e+00;
	[tilespmem:$0x390] =	vst v53;
	v37 =	vcvt.f32.s32 v62;
	v61 =	vand.u32 $0x7F, v49  }
0x12c: {  	v57 =	vld [tilespmem:$0x1F0];
	v41 =	vmul.f32 $9.999990000e+05, v41;
	v53 =	vmin.f32 v50, $1.000000000e+00;
	v44 =	vand.u32 $0xFFFFFF80, v49;
	[tilespmem:$0x5C0] =	vst v61  }
0x12d: {  	v55 =	vcvt.s32.f32 v49;
	v45 =	vcvt.s32.f32 v37;
	v52 =	vand.u32 $0x7F, v37;
	[tilespmem:$0x9C0] =	vst v44  }
0x12e: {  	v56 =	vand.u32 $0xFFFFFF80, v37;
	v62 =	vmin.u32 v61, $0x7E;
	v54 =	vmin.u32 v52, $0x7E;
	[tilespmem:$0x5B0] =	vst v52  }
0x12f: {  	v58 =	vsub.f32 v38, v55;
	[tilespmem:$0x9B0] =	vst v56;
	v35 =	vadd.s32 $0x1, v62;
	v51 =	vsub.f32 v39, v45  }
0x130: {  	v39 =	vmul.f32 $9.999990000e+05, v53;
	v34 =	vadd.s32 $0x1, v54;
	v45 =	vtrunc.f32 v41;
	[tilespmem:$0x7C0] =	vst v35  }
0x131: {  	v37 =	vmax.f32 v57, $0.0e+00;
	[tilespmem:$0x7B0] =	vst v34;
	v47 =	vcvt.f32.s32 v45  }
0x132: {  	v37 =	vmin.f32 v37, $1.000000000e+00;
	[tilespmem:$0x3C0] =	vst v58;
	v59 =	vtrunc.f32 v39  }
0x133: {  	v37 =	vmul.f32 $9.999990000e+05, v37;
	[tilespmem:$0x3B0] =	vst v51;
	v38 =	vcvt.f32.s32 v59;
	v55 =	vand.u32 $0x7F, v47  }
0x134: {  	v36 =	vand.u32 $0xFFFFFF80, v47;
	[tilespmem:$0x5E0] =	vst v55  }
0x135: {  	v52 =	vtrunc.f32 v37;
	[tilespmem:$0x9E0] =	vst v36;
	v48 =	vand.u32 $0x7F, v38  }
0x136: {  	v35 =	vcvt.f32.s32 v52;
	v56 =	vmin.u32 v55, $0x7E;
	v53 =	vand.u32 $0xFFFFFF80, v38;
	[tilespmem:$0x5D0] =	vst v48  }
0x137: {  	v50 =	vcvt.s32.f32 v47;
	v58 =	vadd.s32 $0x1, v56;
	[tilespmem:$0x9D0] =	vst v53  }
0x138: {  	v60 =	vand.u32 $0x7F, v35;
	[tilespmem:$0x7E0] =	vst v58  }
0x139: {  	v54 =	vsub.f32 v41, v50;
	v62 =	vand.u32 $0xFFFFFF80, v35;
	[tilespmem:$0x5F0] =	vst v60  }
0x13a: {  	v63 =	vcvt.s32.f32 v38;
	v49 =	vmin.u32 v48, $0x7E;
	[tilespmem:$0x9F0] =	vst v62  }
0x13b: {  	v57 =	vcvt.s32.f32 v35;
	v61 =	vmin.u32 v60, $0x7E;
	v51 =	vadd.s32 $0x1, v49;
	[tilespmem:$0x3E0] =	vst v54  }
0x13c: {  	v46 =	vsub.f32 v39, v63;
	v34 =	vadd.s32 $0x1, v61;
	[tilespmem:$0x7D0] =	vst v51  }
0x13d: {  	v59 =	vsub.f32 v37, v57;
	[tilespmem:$0x7F0] =	vst v34  }
0x13e: {  	[tilespmem:$0x3D0] =	vst v46  }
0x13f: {  	[tilespmem:$0x3F0] =	vst v59  }
0x140: {  	v34 =	vld.idx.msk [tilespmem:v0+s6+$0x0], $0xffff;
	_ =	sdelay $0x4  }
0x141: {  	(v2sf) =	vpush v34, $0x0;
	_ =	sdelay $0x1  }
0x142: {  	(v2sf) =	vpush v34, $0x4;
	_ =	sdelay $0x2  }
0x143: {  	(v2sf) =	vpush v34, $0x8;
	_ =	sdelay $0x2  }
0x144: {  	(v2sf) =	vpush v34, $0xC;
	_ =	sdelay $0x6  }
0x145: {  	s21 =	spop (v2sf)  }
0x146: {  	s21 =	sand.u32 $0xFFFFF80, s21  }
0x147: {  	s23 =	spop (v2sf);
	s21 =	sadd.s32 s0, s21  }
0x148: {  	[tilespmem:s10], [sflag:$0x1] =	stream.strided.gather [hbm4b:s21+s8], $0x2000, s9, s8, $0x38;
	[tilespmem:$0x1CA00] =	vst v63  }
0x149: {  	s21 =	sand.u32 $0xFFFFF80, s23  }
0x14a: {  	s24 =	spop (v2sf);
	s21 =	sadd.s32 s0, s21  }
0x14b: {  	[tilespmem:s11], [sflag:$0x1] =	stream.strided.gather [hbm4b:s21+s8], $0x2000, s9, s8, $0x38;
	[tilespmem:$0x1CA00] =	vst v63  }
0x14c: {  	s21 =	sand.u32 $0xFFFFF80, s24  }
0x14d: {  	s25 =	spop (v2sf);
	s21 =	sadd.s32 s0, s21  }
0x14e: {  	[tilespmem:s12], [sflag:$0x1] =	stream.strided.gather [hbm4b:s21+s8], $0x2000, s9, s8, $0x38;
	[tilespmem:$0x1CA00] =	vst v63  }
0x14f: {  	s21 =	sand.u32 $0xFFFFF80, s25  }
0x150: {  	s21 =	sadd.s32 s0, s21  }
0x151: {  	[tilespmem:s13], [sflag:$0x1] =	stream.strided.gather [hbm4b:s21+s8], $0x2000, s9, s8, $0x38;
	[tilespmem:$0x1CA00] =	vst v63  }
0x152: {  	v63 =	vld.idx.msk [tilespmem:v1+s6+$0x0], $0xffff;
	_ =	sdelay $0x4  }
0x153: {  	(v2sf) =	vpush v63, $0x0  }
0x154: {  	(v2sf) =	vpush v63, $0x4  }
0x155: {  	(v2sf) =	vpush v63, $0x8;
	_ =	sdelay $0x3  }
0x156: {  	(v2sf) =	vpush v63, $0xC;
	_ =	sdelay $0x8  }
0x157: {  	s26 =	spop (v2sf)  }
0x158: {  	s21 =	sand.u32 $0xFFFFF80, s26;
	s22 =	spop (v2sf)  }
0x159: {  	s21 =	sadd.s32 s0, s21;
	s28 =	sand.u32 $0xFFFFF80, s22;
	s29 =	spop (v2sf)  }
0x15a: {  	[tilespmem:s14], [sflag:$0x1] =	stream.strided.gather [hbm4b:s21+s8], $0x2000, s9, s8, $0x38;
	[tilespmem:$0x1CA00] =	vst v63  }
0x15b: {  	s21 =	sadd.s32 s0, s28;
	s30 =	sand.u32 $0xFFFFF80, s29  }
0x15c: {  	[tilespmem:s15], [sflag:$0x1] =	stream.strided.gather [hbm4b:s21+s8], $0x2000, s9, s8, $0x38;
	[tilespmem:$0x1CA00] =	vst v63  }
0x15d: {  	s31 =	spop (v2sf);
	s21 =	sadd.s32 s0, s30  }
0x15e: {  	[tilespmem:s16], [sflag:$0x1] =	stream.strided.gather [hbm4b:s21+s8], $0x2000, s9, s8, $0x38;
	[tilespmem:$0x1CA00] =	vst v63  }
0x15f: {  	s21 =	sand.u32 $0xFFFFF80, s31  }
0x160: {  	s21 =	sadd.s32 s0, s21  }
0x161: {  	[tilespmem:s17], [sflag:$0x1] =	stream.strided.gather [hbm4b:s21+s8], $0x2000, s9, s8, $0x38;
	[tilespmem:$0x1CA00] =	vst v63  }
0x162: {  	s22 =	simm.s32 $0x0;
	s21 =	simm.s32 $0x8  }
.LBB2_2:
0x163: {  	p0 =	sgt.u32 s22, $0x7D  }
0x164: {  	v34 =	vlaneseq.u32 @!p0  }
0x165: {  	v34 =	vshrl.u32 @!p0 v34, $0x2  }
0x166: {  	v34 =	vor.u32 @!p0 s21, v34;
	_ =	sdelay $0x3  }
0x167: {  	s23 =	simm.s32 @!p0 $0x800  }
0x168: {  	v34 =	vld.idx.msk @!p0 [tilespmem:v34+s23+$0x0], $0xffff;
	_ =	sdelay $0x4  }
0x169: {  	(v2sf) =	vpush @!p0 v34, $0x0;
	_ =	sdelay $0x1  }
0x16a: {  	(v2sf) =	vpush @!p0 v34, $0x4;
	_ =	sdelay $0x2  }
0x16b: {  	(v2sf) =	vpush @!p0 v34, $0x8;
	_ =	sdelay $0x1  }
0x16c: {  	s23 =	sadd.s32 @!p0 $0x2, s22  }
0x16d: {  	s24 =	smul.u32 @!p0 $0xAB, s23;
	_ =	sdelay $0x1  }
0x16e: {  	s24 =	sshrl.u32 @!p0 s24, $0x9;
	(v2sf) =	vpush @!p0 v34, $0xC  }
0x16f: {  	s24 =	sand.u32 @!p0 $0x7F, s24  }
0x170: {  	s24 =	smul.u32 @!p0 $0x3, s24;
	_ =	sdelay $0x1  }
0x171: {  	s23 =	ssub.s32 @!p0 s23, s24  }
0x172: {  	s29 =	simm.s32 @!p0 $0x7A1400;
	s23 =	sand.u32 @!p0 $0xFF, s23;
	s24 =	spop @!p0 (v2sf)  }
0x173: {  	s28 =	simm.s32 @!p0 $0x400;
	s23 =	sshll.u32 @!p0 s23, $0xF;
	s24 =	sand.u32 @!p0 $0xFFFFF80, s24  }
0x174: {  	s26 =	sor.u32 @!p0 $0xA00, s23;
	s25 =	spop @!p0 (v2sf);
	s24 =	sadd.s32 @!p0 s0, s24  }
0x175: {  	[tilespmem:s26], [sflag:$0x1] =	stream.strided.gather @!p0 [hbm4b:s24+s28], $0x2000, s29, s28, $0x38;
	[tilespmem:$0x1CA00] =	vst v63  }
0x176: {  	s24 =	sand.u32 @!p0 $0xFFFFF80, s25  }
0x177: {  	s25 =	spop @!p0 (v2sf);
	s26 =	sor.u32 @!p0 $0x2A00, s23;
	s24 =	sadd.s32 @!p0 s0, s24  }
0x178: {  	[tilespmem:s26], [sflag:$0x1] =	stream.strided.gather @!p0 [hbm4b:s24+s28], $0x2000, s29, s28, $0x38;
	[tilespmem:$0x1CA00] =	vst v63  }
0x179: {  	s24 =	sand.u32 @!p0 $0xFFFFF80, s25  }
0x17a: {  	s25 =	sor.u32 @!p0 $0x4A00, s23;
	s24 =	sadd.s32 @!p0 s0, s24  }
0x17b: {  	[tilespmem:s25], [sflag:$0x1] =	stream.strided.gather @!p0 [hbm4b:s24+s28], $0x2000, s29, s28, $0x38;
	[tilespmem:$0x1CA00] =	vst v63  }
0x17c: {  	s24 =	spop @!p0 (v2sf)  }
0x17d: {  	s24 =	sand.u32 @!p0 $0xFFFFF80, s24  }
0x17e: {  	s23 =	sor.u32 @!p0 $0x6A00, s23;
	s24 =	sadd.s32 @!p0 s0, s24  }
0x17f: {  	[tilespmem:s23], [sflag:$0x1] =	stream.strided.gather @!p0 [hbm4b:s24+s28], $0x2000, s29, s28, $0x38;
	[tilespmem:$0x1CA00] =	vst v63  }
0x180: {  	_ =	swait.ge [sflag:s18], $0x2000  }
0x181: {  	[sflag:s18] =	ssyncset.done $0x0  }
0x182: {  	[sflag:s18] =	ssyncadd.s32 $0xFFFFE000  }
0x183: {  	_ =	swait.ge [sflag:s18], $0x2000  }
0x184: {  	[sflag:s18] =	ssyncset.done $0x0  }
0x185: {  	[sflag:s18] =	ssyncadd.s32 $0xFFFFE000  }
0x186: {  	s23 =	sadd.s32 $0xFFFFFFF8, s21;
	_ =	swait.ge [sflag:s18], $0x2000  }
0x187: {  	v34 =	vor.u32 s23, v0;
	[sflag:s18] =	ssyncset.done $0x0  }
0x188: {  	s26 =	smul.u32 $0xAB, s22;
	[sflag:s18] =	ssyncadd.s32 $0xFFFFE000  }
0x189: {  	_ =	swait.ge [sflag:s18], $0x2000  }
0x18a: {  	s24 =	sshrl.u32 s26, $0x9;
	[sflag:s18] =	ssyncset.done $0x0  }
0x18b: {  	s24 =	sand.u32 $0x7F, s24;
	[sflag:s18] =	ssyncadd.s32 $0xFFFFE000  }
0x18c: {  	s24 =	smul.u32 $0x3, s24;
	s28 =	rddreg [dreg:$0x4];
	v37 =	vld.idx.msk [tilespmem:v34+s8+$0x0], $0xffff  }
0x18d: {  	v35 =	vld.idx.msk [tilespmem:v34+s28+$0x0], $0xffff  }
0x18e: {  	s24 =	ssub.s32 s22, s24  }
0x18f: {  	s24 =	sand.u32 $0xFF, s24  }
0x190: {  	s29 =	sshll.u32 s24, $0xF  }
0x191: {  	v36 =	vor.u32 s29, v2;
	v38 =	vand.u32 $0xFFFFFF80, v37  }
0x192: {  	v39 =	vand.u32 $0x7F, v37;
	v40 =	vand.u32 $0xFFFFFF80, v35;
	v41 =	vadd.s32 v36, v38  }
0x193: {  	v53 =	vadd.s32 v36, v40;
	v42 =	vor.u32 v39, v41;
	v41 =	vand.u32 $0x7F, v35  }
0x194: {  	v36 =	vor.u32 v41, v53;
	_ =	sdelay $0x1  }
0x195: {  	s30 =	rddreg [dreg:$0x5]  }
0x196: {  	v35 =	vld.idx.msk [tilespmem:v34+s30+$0x0], $0xffff  }
0x197: {  	v42 =	vld.idx.msk [tilespmem:v42+s10+$0x0], $0xffff  }
0x198: {  	v43 =	vld.idx.msk [tilespmem:v36+s10+$0x0], $0xffff;
	_ =	sdelay $0x2  }
0x199: {  	s24 =	sand.u32 $0x7C, s23;
	v44 =	vor.u32 s29, v4;
	v36 =	vsub.f32 $1.000000000e+00, v35  }
0x19a: {  	v45 =	vor.u32 s24, v3;
	v46 =	vadd.s32 v44, v38;
	v44 =	vadd.s32 v44, v40  }
0x19b: {  	v46 =	vor.u32 v39, v46;
	v42 =	vmul.f32 v36, v42;
	v43 =	vmul.f32 v43, v35  }
0x19c: {  	v44 =	vor.u32 v41, v44  }
0x19d: {  	v42 =	vadd.f32 v43, v42;
	_ =	sdelay $0x1  }
0x19e: {  	[tilespmem:v45+s19+$0x0] =	vst.idx.msk $0xffff, v42  }
0x19f: {  	v42 =	vld.idx.msk [tilespmem:v46+s10+$0x0], $0xffff  }
0x1a0: {  	v54 =	vld.idx.msk [tilespmem:v44+s10+$0x0], $0xffff;
	_ =	sdelay $0x1  }
0x1a1: {  	v55 =	vor.u32 s29, v6  }
0x1a2: {  	v57 =	vadd.s32 v55, v38  }
0x1a3: {  	v56 =	vor.u32 s24, v5;
	v46 =	vor.u32 v39, v57  }
0x1a4: {  	v44 =	vadd.s32 v55, v40;
	v42 =	vmul.f32 v42, v36;
	v43 =	vmul.f32 v54, v35  }
0x1a5: {  	v44 =	vor.u32 v41, v44  }
0x1a6: {  	v42 =	vadd.f32 v43, v42;
	_ =	sdelay $0x1  }
0x1a7: {  	[tilespmem:v56+s19+$0x0] =	vst.idx.msk $0xffff, v42  }
0x1a8: {  	v42 =	vld.idx.msk [tilespmem:v46+s10+$0x0], $0xffff  }
0x1a9: {  	v58 =	vld.idx.msk [tilespmem:v44+s10+$0x0], $0xffff;
	_ =	sdelay $0x1  }
0x1aa: {  	v59 =	vor.u32 s29, v8  }
0x1ab: {  	v61 =	vadd.s32 v59, v38  }
0x1ac: {  	v60 =	vor.u32 s24, v7;
	v46 =	vor.u32 v39, v61  }
0x1ad: {  	v44 =	vadd.s32 v59, v40;
	v42 =	vmul.f32 v42, v36;
	v43 =	vmul.f32 v58, v35  }
0x1ae: {  	v44 =	vor.u32 v41, v44  }
0x1af: {  	v42 =	vadd.f32 v43, v42;
	_ =	sdelay $0x1  }
0x1b0: {  	[tilespmem:v60+s19+$0x0] =	vst.idx.msk $0xffff, v42  }
0x1b1: {  	v42 =	vld.idx.msk [tilespmem:v46+s10+$0x0], $0xffff  }
0x1b2: {  	v62 =	vld.idx.msk [tilespmem:v44+s10+$0x0], $0xffff;
	_ =	sdelay $0x1  }
0x1b3: {  	v63 =	vor.u32 s29, v10  }
0x1b4: {  	v49 =	vadd.s32 v63, v38  }
0x1b5: {  	v48 =	vor.u32 s24, v9;
	v46 =	vor.u32 v39, v49  }
0x1b6: {  	v44 =	vadd.s32 v63, v40;
	v42 =	vmul.f32 v42, v36;
	v43 =	vmul.f32 v62, v35  }
0x1b7: {  	v44 =	vor.u32 v41, v44  }
0x1b8: {  	v42 =	vadd.f32 v43, v42;
	_ =	sdelay $0x1  }
0x1b9: {  	[tilespmem:v48+s19+$0x0] =	vst.idx.msk $0xffff, v42  }
0x1ba: {  	v42 =	vld.idx.msk [tilespmem:v46+s10+$0x0], $0xffff  }
0x1bb: {  	v50 =	vld.idx.msk [tilespmem:v44+s10+$0x0], $0xffff;
	_ =	sdelay $0x1  }
0x1bc: {  	v51 =	vor.u32 s29, v12  }
0x1bd: {  	v53 =	vadd.s32 v51, v38  }
0x1be: {  	v52 =	vor.u32 s24, v11;
	v46 =	vor.u32 v39, v53  }
0x1bf: {  	v44 =	vadd.s32 v51, v40;
	v42 =	vmul.f32 v42, v36;
	v43 =	vmul.f32 v50, v35  }
0x1c0: {  	v44 =	vor.u32 v41, v44  }
0x1c1: {  	v42 =	vadd.f32 v43, v42;
	_ =	sdelay $0x1  }
0x1c2: {  	[tilespmem:v52+s19+$0x0] =	vst.idx.msk $0xffff, v42  }
0x1c3: {  	v42 =	vld.idx.msk [tilespmem:v46+s10+$0x0], $0xffff  }
0x1c4: {  	v54 =	vld.idx.msk [tilespmem:v44+s10+$0x0], $0xffff;
	_ =	sdelay $0x1  }
0x1c5: {  	v55 =	vor.u32 s29, v14  }
0x1c6: {  	v57 =	vadd.s32 v55, v38  }
0x1c7: {  	v56 =	vor.u32 s24, v13;
	v46 =	vor.u32 v39, v57  }
0x1c8: {  	v44 =	vadd.s32 v55, v40;
	v42 =	vmul.f32 v42, v36;
	v43 =	vmul.f32 v54, v35  }
0x1c9: {  	v44 =	vor.u32 v41, v44  }
0x1ca: {  	v42 =	vadd.f32 v43, v42;
	_ =	sdelay $0x1  }
0x1cb: {  	[tilespmem:v56+s19+$0x0] =	vst.idx.msk $0xffff, v42  }
0x1cc: {  	v42 =	vld.idx.msk [tilespmem:v46+s10+$0x0], $0xffff  }
0x1cd: {  	v58 =	vld.idx.msk [tilespmem:v44+s10+$0x0], $0xffff;
	_ =	sdelay $0x1  }
0x1ce: {  	v59 =	vor.u32 s29, v16  }
0x1cf: {  	v61 =	vadd.s32 v59, v38  }
0x1d0: {  	v60 =	vor.u32 s24, v15;
	v46 =	vor.u32 v39, v61  }
0x1d1: {  	v44 =	vadd.s32 v59, v40;
	v42 =	vmul.f32 v42, v36;
	v43 =	vmul.f32 v58, v35  }
0x1d2: {  	v44 =	vor.u32 v41, v44  }
0x1d3: {  	v42 =	vadd.f32 v43, v42;
	_ =	sdelay $0x1  }
0x1d4: {  	[tilespmem:v60+s19+$0x0] =	vst.idx.msk $0xffff, v42  }
0x1d5: {  	v42 =	vld.idx.msk [tilespmem:v46+s10+$0x0], $0xffff  }
0x1d6: {  	v62 =	vld.idx.msk [tilespmem:v44+s10+$0x0], $0xffff;
	_ =	sdelay $0x1  }
0x1d7: {  	v63 =	vor.u32 s29, v18  }
0x1d8: {  	v49 =	vadd.s32 v63, v38  }
0x1d9: {  	v48 =	vor.u32 s24, v17;
	v46 =	vor.u32 v39, v49  }
0x1da: {  	v44 =	vadd.s32 v63, v40;
	v42 =	vmul.f32 v42, v36;
	v43 =	vmul.f32 v62, v35  }
0x1db: {  	v44 =	vor.u32 v41, v44  }
0x1dc: {  	v42 =	vadd.f32 v43, v42;
	_ =	sdelay $0x1  }
0x1dd: {  	[tilespmem:v48+s19+$0x0] =	vst.idx.msk $0xffff, v42  }
0x1de: {  	v42 =	vld.idx.msk [tilespmem:v46+s10+$0x0], $0xffff  }
0x1df: {  	v50 =	vld.idx.msk [tilespmem:v44+s10+$0x0], $0xffff;
	_ =	sdelay $0x1  }
0x1e0: {  	v51 =	vor.u32 s29, v20  }
0x1e1: {  	v53 =	vadd.s32 v51, v38  }
0x1e2: {  	v52 =	vor.u32 s24, v19;
	v46 =	vor.u32 v39, v53  }
0x1e3: {  	v44 =	vadd.s32 v51, v40;
	v42 =	vmul.f32 v42, v36;
	v43 =	vmul.f32 v50, v35  }
0x1e4: {  	v44 =	vor.u32 v41, v44  }
0x1e5: {  	v42 =	vadd.f32 v43, v42;
	_ =	sdelay $0x1  }
0x1e6: {  	[tilespmem:v52+s19+$0x0] =	vst.idx.msk $0xffff, v42  }
0x1e7: {  	v42 =	vld.idx.msk [tilespmem:v46+s10+$0x0], $0xffff  }
0x1e8: {  	v54 =	vld.idx.msk [tilespmem:v44+s10+$0x0], $0xffff;
	_ =	sdelay $0x1  }
0x1e9: {  	v55 =	vor.u32 s29, v22  }
0x1ea: {  	v57 =	vadd.s32 v55, v38  }
0x1eb: {  	v56 =	vor.u32 s24, v21;
	v46 =	vor.u32 v39, v57  }
0x1ec: {  	v44 =	vadd.s32 v55, v40;
	v42 =	vmul.f32 v42, v36;
	v43 =	vmul.f32 v54, v35  }
0x1ed: {  	v44 =	vor.u32 v41, v44  }
0x1ee: {  	v42 =	vadd.f32 v43, v42;
	_ =	sdelay $0x1  }
0x1ef: {  	[tilespmem:v56+s19+$0x0] =	vst.idx.msk $0xffff, v42  }
0x1f0: {  	v42 =	vld.idx.msk [tilespmem:v46+s10+$0x0], $0xffff  }
0x1f1: {  	v58 =	vld.idx.msk [tilespmem:v44+s10+$0x0], $0xffff;
	_ =	sdelay $0x1  }
0x1f2: {  	v59 =	vor.u32 s29, v24  }
0x1f3: {  	v61 =	vadd.s32 v59, v38  }
0x1f4: {  	v60 =	vor.u32 s24, v23;
	v46 =	vor.u32 v39, v61  }
0x1f5: {  	v44 =	vadd.s32 v59, v40;
	v42 =	vmul.f32 v42, v36;
	v43 =	vmul.f32 v58, v35  }
0x1f6: {  	v44 =	vor.u32 v41, v44  }
0x1f7: {  	v42 =	vadd.f32 v43, v42;
	_ =	sdelay $0x1  }
0x1f8: {  	[tilespmem:v60+s19+$0x0] =	vst.idx.msk $0xffff, v42  }
0x1f9: {  	v42 =	vld.idx.msk [tilespmem:v46+s10+$0x0], $0xffff  }
0x1fa: {  	v62 =	vld.idx.msk [tilespmem:v44+s10+$0x0], $0xffff;
	_ =	sdelay $0x1  }
0x1fb: {  	v63 =	vor.u32 s29, v26  }
0x1fc: {  	v49 =	vadd.s32 v63, v38  }
0x1fd: {  	v48 =	vor.u32 s24, v25;
	v46 =	vor.u32 v39, v49  }
0x1fe: {  	v44 =	vadd.s32 v63, v40;
	v42 =	vmul.f32 v42, v36;
	v43 =	vmul.f32 v62, v35  }
0x1ff: {  	v44 =	vor.u32 v41, v44  }
0x200: {  	v42 =	vadd.f32 v43, v42;
	_ =	sdelay $0x1  }
0x201: {  	[tilespmem:v48+s19+$0x0] =	vst.idx.msk $0xffff, v42  }
0x202: {  	v42 =	vld.idx.msk [tilespmem:v46+s10+$0x0], $0xffff  }
0x203: {  	v50 =	vld.idx.msk [tilespmem:v44+s10+$0x0], $0xffff;
	_ =	sdelay $0x1  }
0x204: {  	v51 =	vor.u32 s29, v28  }
0x205: {  	v53 =	vadd.s32 v51, v38  }
0x206: {  	v52 =	vor.u32 s24, v27;
	v46 =	vor.u32 v39, v53  }
0x207: {  	v44 =	vadd.s32 v51, v40;
	v42 =	vmul.f32 v42, v36;
	v43 =	vmul.f32 v50, v35  }
0x208: {  	v44 =	vor.u32 v41, v44  }
0x209: {  	v42 =	vadd.f32 v43, v42;
	_ =	sdelay $0x1  }
0x20a: {  	[tilespmem:v52+s19+$0x0] =	vst.idx.msk $0xffff, v42  }
0x20b: {  	v42 =	vld.idx.msk [tilespmem:v46+s10+$0x0], $0xffff  }
0x20c: {  	v54 =	vld.idx.msk [tilespmem:v44+s10+$0x0], $0xffff;
	_ =	sdelay $0x1  }
0x20d: {  	v55 =	vor.u32 s29, v30  }
0x20e: {  	v57 =	vadd.s32 v55, v38  }
0x20f: {  	v56 =	vor.u32 s24, v29;
	v46 =	vor.u32 v39, v57  }
0x210: {  	v44 =	vadd.s32 v55, v40;
	v42 =	vmul.f32 v42, v36;
	v43 =	vmul.f32 v54, v35  }
0x211: {  	v44 =	vor.u32 v41, v44  }
0x212: {  	v42 =	vadd.f32 v43, v42;
	_ =	sdelay $0x1  }
0x213: {  	[tilespmem:v56+s19+$0x0] =	vst.idx.msk $0xffff, v42  }
0x214: {  	v42 =	vld.idx.msk [tilespmem:v46+s10+$0x0], $0xffff  }
0x215: {  	v58 =	vld.idx.msk [tilespmem:v44+s10+$0x0], $0xffff;
	_ =	sdelay $0x2  }
0x216: {  	(v2sf) =	vpush v37, $0x0;
	v59 =	vor.u32 s29, v32  }
0x217: {  	v38 =	vadd.s32 v59, v38;
	v61 =	vadd.s32 v59, v40;
	v60 =	vor.u32 s24, v31  }
0x218: {  	v38 =	vor.u32 v39, v38;
	v42 =	vmul.f32 v42, v36;
	v43 =	vmul.f32 v58, v35  }
0x219: {  	v39 =	vor.u32 v41, v61  }
0x21a: {  	v62 =	vadd.f32 v43, v42;
	_ =	sdelay $0x1  }
0x21b: {  	[tilespmem:v60+s19+$0x0] =	vst.idx.msk $0xffff, v62  }
0x21c: {  	v38 =	vld.idx.msk [tilespmem:v38+s10+$0x0], $0xffff  }
0x21d: {  	v39 =	vld.idx.msk [tilespmem:v39+s10+$0x0], $0xffff;
	_ =	sdelay $0x3  }
0x21e: {  	v63 =	vor.u32 s24, v33  }
0x21f: {  	v38 =	vmul.f32 v38, v36;
	v39 =	vmul.f32 v39, v35;
	_ =	sdelay $0x1  }
0x220: {  	s31 =	spop (v2sf);
	v38 =	vadd.f32 v39, v38  }
0x221: {  	p0 =	sne.s32 s31, $0x7F  }
0x222: {  	s26 =	simm.s32 @!p0 $0x800;
	[tilespmem:v63+s19+$0x0] =	vst.idx.msk $0xffff, v38  }
0x223: {  	v38 =	vld.idx.msk @!p0 [tilespmem:v34+s26+$0x0], $0xffff;
	_ =	sdelay $0x4  }
0x224: {  	(v2sf) =	vpush @!p0 v38, $0x0;
	_ =	sdelay $0xe  }
0x225: {  	s26 =	spop @!p0 (v2sf)  }
0x226: {  	s26 =	sshll.u32 @!p0 s26, $0x3  }
0x227: {  	v38 =	vlaneseq.u32 @!p0;
	s26 =	sand.u32 @!p0 $0xFFFFFC00, s26  }
0x228: {  	v39 =	vmul.u32 @!p0 $0x80, v38;
	s26 =	sadd.s32 @!p0 $0x400, s26  }
0x229: {  	s25 =	simm.s32 @!p0 $0x400;
	s26 =	sshrl.u32 @!p0 s26, $0x3  }
0x22a: {  	s28 =	simm.s32 @!p0 $0x7A1400;
	v38 =	vmov s29;
	s29 =	simm.s32 @!p0 $0x18A00;
	v40 =	vor.u32 @!p0 $0x7F, v39;
	s26 =	sadd.s32 @!p0 s0, s26  }
0x22b: {  	v40 =	vor.u32 @!p0 v40, v38;
	[tilespmem:s29], [sflag:$0x3] =	stream.strided.gather @!p0 [hbm4b:s26+s25], $0x2000, s28, s25, $0x38;
	[tilespmem:$0x1CA00] =	vst v63  }
0x22c: {  	s25 =	simm.s32 @!p0 $0x3  }
0x22d: {  	_ =	swait.ge @!p0 [sflag:s25], $0x2000  }
0x22e: {  	[sflag:s25] =	ssyncset.done @!p0 $0x0  }
0x22f: {  	[sflag:s25] =	ssyncadd.s32 @!p0 $0xFFFFE000;
	s25 =	simm.s32 @!p0 $0xA00  }
0x230: {  	v40 =	vld.idx.msk @!p0 [tilespmem:v40+s25+$0x0], $0xffff  }
0x231: {  	v41 =	vld.idx.msk @!p0 [tilespmem:v39+s29+$0x0], $0xffff;
	_ =	sdelay $0x2  }
0x232: {  	v44 =	vbroadcast @!p0 v35, $0x0;
	v42 =	vmov s24;
	v43 =	vbroadcast @!p0 v36, $0x0  }
0x233: {  	v45 =	vor.u32 @!p0 v39, v42;
	v46 =	vor.u32 @!p0 $0x87F, v39  }
0x234: {  	v46 =	vor.u32 @!p0 v46, v38;
	v40 =	vmul.f32 @!p0 v40, v43;
	v41 =	vmul.f32 @!p0 v41, v44  }
0x235: {  	v47 =	vor.u32 @!p0 $0x800, v39  }
0x236: {  	v40 =	vadd.f32 @!p0 v41, v40  }
0x237: {  	s26 =	simm.s32 @!p0 $0x1AA00  }
0x238: {  	[tilespmem:v45+s26+$0x0] =	vst.idx.msk @!p0 $0xffff, v40  }
0x239: {  	v40 =	vld.idx.msk @!p0 [tilespmem:v46+s25+$0x0], $0xffff  }
0x23a: {  	v41 =	vld.idx.msk @!p0 [tilespmem:v47+s29+$0x0], $0xffff;
	_ =	sdelay $0x3  }
0x23b: {  	v45 =	vor.u32 @!p0 v47, v42;
	v46 =	vor.u32 @!p0 $0x107F, v39  }
0x23c: {  	v46 =	vor.u32 @!p0 v46, v38;
	v40 =	vmul.f32 @!p0 v40, v43;
	v41 =	vmul.f32 @!p0 v41, v44  }
0x23d: {  	v47 =	vor.u32 @!p0 $0x1000, v39  }
0x23e: {  	v40 =	vadd.f32 @!p0 v41, v40;
	_ =	sdelay $0x1  }
0x23f: {  	[tilespmem:v45+s26+$0x0] =	vst.idx.msk @!p0 $0xffff, v40  }
0x240: {  	v40 =	vld.idx.msk @!p0 [tilespmem:v46+s25+$0x0], $0xffff  }
0x241: {  	v41 =	vld.idx.msk @!p0 [tilespmem:v47+s29+$0x0], $0xffff;
	_ =	sdelay $0x2  }
0x242: {  	(v2sf) =	vpush v37, $0x4  }
0x243: {  	v45 =	vor.u32 @!p0 v47, v42;
	v46 =	vor.u32 @!p0 $0x187F, v39  }
0x244: {  	v46 =	vor.u32 @!p0 v46, v38;
	v40 =	vmul.f32 @!p0 v40, v43;
	v41 =	vmul.f32 @!p0 v41, v44  }
0x245: {  	v39 =	vor.u32 @!p0 $0x1800, v39  }
0x246: {  	v40 =	vadd.f32 @!p0 v41, v40;
	_ =	sdelay $0x1  }
0x247: {  	[tilespmem:v45+s26+$0x0] =	vst.idx.msk @!p0 $0xffff, v40  }
0x248: {  	v40 =	vld.idx.msk @!p0 [tilespmem:v46+s25+$0x0], $0xffff  }
0x249: {  	v41 =	vld.idx.msk @!p0 [tilespmem:v39+s29+$0x0], $0xffff;
	_ =	sdelay $0x3  }
0x24a: {  	v39 =	vor.u32 @!p0 v39, v42  }
0x24b: {  	v40 =	vmul.f32 @!p0 v40, v43;
	v41 =	vmul.f32 @!p0 v41, v44;
	_ =	sdelay $0x1  }
0x24c: {  	s28 =	spop (v2sf);
	v40 =	vadd.f32 @!p0 v41, v40  }
0x24d: {  	p1 =	sne.s32 s28, $0x7F  }
0x24e: {  	s25 =	simm.s32 @!p1 $0x800;
	[tilespmem:v39+s26+$0x0] =	vst.idx.msk @!p0 $0xffff, v40  }
0x24f: {  	v39 =	vld.idx.msk @!p1 [tilespmem:v34+s25+$0x0], $0xffff;
	_ =	sdelay $0x4  }
0x250: {  	(v2sf) =	vpush @!p1 v39, $0x4;
	_ =	sdelay $0xe  }
0x251: {  	s25 =	spop @!p1 (v2sf)  }
0x252: {  	s25 =	sshll.u32 @!p1 s25, $0x3  }
0x253: {  	v39 =	vlaneseq.u32 @!p1;
	s25 =	sand.u32 @!p1 $0xFFFFFC00, s25  }
0x254: {  	v39 =	vmul.u32 @!p1 $0x80, v39;
	s25 =	sadd.s32 @!p1 $0x400, s25  }
0x255: {  	s28 =	simm.s32 @!p1 $0x7A1400;
	s25 =	sshrl.u32 @!p1 s25, $0x3  }
0x256: {  	s29 =	simm.s32 @!p1 $0x18A00;
	s26 =	simm.s32 @!p1 $0x400;
	v40 =	vor.u32 @!p1 $0x207F, v39;
	s25 =	sadd.s32 @!p1 s0, s25  }
0x257: {  	v40 =	vor.u32 @!p1 v40, v38;
	[tilespmem:s29], [sflag:$0x3] =	stream.strided.gather @!p1 [hbm4b:s25+s26], $0x2000, s28, s26, $0x38;
	[tilespmem:$0x1CA00] =	vst v63  }
0x258: {  	s25 =	simm.s32 @!p1 $0x3  }
0x259: {  	_ =	swait.ge @!p1 [sflag:s25], $0x2000  }
0x25a: {  	[sflag:s25] =	ssyncset.done @!p1 $0x0  }
0x25b: {  	[sflag:s25] =	ssyncadd.s32 @!p1 $0xFFFFE000;
	s25 =	simm.s32 @!p1 $0xA00  }
0x25c: {  	v40 =	vld.idx.msk @!p1 [tilespmem:v40+s25+$0x0], $0xffff  }
0x25d: {  	v41 =	vld.idx.msk @!p1 [tilespmem:v39+s29+$0x0], $0xffff;
	_ =	sdelay $0x2  }
0x25e: {  	v42 =	vbroadcast @!p1 v36, $0x4;
	v43 =	vbroadcast @!p1 v35, $0x4;
	s26 =	sor.u32 @!p1 $0x1, s24  }
0x25f: {  	v45 =	vor.u32 @!p1 $0x287F, v39;
	v44 =	vor.u32 @!p1 s26, v39  }
0x260: {  	v45 =	vor.u32 @!p1 v45, v38;
	v40 =	vmul.f32 @!p1 v40, v42;
	v41 =	vmul.f32 @!p1 v41, v43  }
0x261: {  	v46 =	vor.u32 @!p1 $0x800, v39  }
0x262: {  	v40 =	vadd.f32 @!p1 v41, v40  }
0x263: {  	s28 =	simm.s32 @!p1 $0x1AA00  }
0x264: {  	[tilespmem:v44+s28+$0x0] =	vst.idx.msk @!p1 $0xffff, v40  }
0x265: {  	v40 =	vld.idx.msk @!p1 [tilespmem:v45+s25+$0x0], $0xffff  }
0x266: {  	v41 =	vld.idx.msk @!p1 [tilespmem:v46+s29+$0x0], $0xffff;
	_ =	sdelay $0x3  }
0x267: {  	v44 =	vor.u32 @!p1 s26, v46;
	v45 =	vor.u32 @!p1 $0x307F, v39  }
0x268: {  	v45 =	vor.u32 @!p1 v45, v38;
	v40 =	vmul.f32 @!p1 v40, v42;
	v41 =	vmul.f32 @!p1 v41, v43  }
0x269: {  	v46 =	vor.u32 @!p1 $0x1000, v39  }
0x26a: {  	v40 =	vadd.f32 @!p1 v41, v40;
	_ =	sdelay $0x1  }
0x26b: {  	[tilespmem:v44+s28+$0x0] =	vst.idx.msk @!p1 $0xffff, v40  }
0x26c: {  	v40 =	vld.idx.msk @!p1 [tilespmem:v45+s25+$0x0], $0xffff  }
0x26d: {  	v41 =	vld.idx.msk @!p1 [tilespmem:v46+s29+$0x0], $0xffff;
	_ =	sdelay $0x2  }
0x26e: {  	(v2sf) =	vpush v37, $0x8  }
0x26f: {  	v44 =	vor.u32 @!p1 s26, v46;
	v45 =	vor.u32 @!p1 $0x387F, v39  }
0x270: {  	v45 =	vor.u32 @!p1 v45, v38;
	v40 =	vmul.f32 @!p1 v40, v42;
	v41 =	vmul.f32 @!p1 v41, v43  }
0x271: {  	v39 =	vor.u32 @!p1 $0x1800, v39  }
0x272: {  	v40 =	vadd.f32 @!p1 v41, v40;
	_ =	sdelay $0x1  }
0x273: {  	[tilespmem:v44+s28+$0x0] =	vst.idx.msk @!p1 $0xffff, v40  }
0x274: {  	v40 =	vld.idx.msk @!p1 [tilespmem:v45+s25+$0x0], $0xffff  }
0x275: {  	v41 =	vld.idx.msk @!p1 [tilespmem:v39+s29+$0x0], $0xffff;
	_ =	sdelay $0x3  }
0x276: {  	v39 =	vor.u32 @!p1 s26, v39  }
0x277: {  	v40 =	vmul.f32 @!p1 v40, v42;
	v41 =	vmul.f32 @!p1 v41, v43;
	_ =	sdelay $0x1  }
0x278: {  	s29 =	spop (v2sf);
	v40 =	vadd.f32 @!p1 v41, v40  }
0x279: {  	p2 =	sne.s32 s29, $0x7F  }
0x27a: {  	s25 =	simm.s32 @!p2 $0x800;
	[tilespmem:v39+s28+$0x0] =	vst.idx.msk @!p1 $0xffff, v40  }
0x27b: {  	v39 =	vld.idx.msk @!p2 [tilespmem:v34+s25+$0x0], $0xffff;
	_ =	sdelay $0x4  }
0x27c: {  	(v2sf) =	vpush @!p2 v39, $0x8;
	_ =	sdelay $0xe  }
0x27d: {  	s25 =	spop @!p2 (v2sf)  }
0x27e: {  	s25 =	sshll.u32 @!p2 s25, $0x3  }
0x27f: {  	v39 =	vlaneseq.u32 @!p2;
	s25 =	sand.u32 @!p2 $0xFFFFFC00, s25  }
0x280: {  	v39 =	vmul.u32 @!p2 $0x80, v39;
	s25 =	sadd.s32 @!p2 $0x400, s25  }
0x281: {  	s26 =	simm.s32 @!p2 $0x400;
	s25 =	sshrl.u32 @!p2 s25, $0x3  }
0x282: {  	s29 =	simm.s32 @!p2 $0x18A00;
	s28 =	simm.s32 @!p2 $0x7A1400;
	v40 =	vor.u32 @!p2 $0x407F, v39;
	s25 =	sadd.s32 @!p2 s0, s25  }
0x283: {  	v40 =	vor.u32 @!p2 v40, v38;
	[tilespmem:s29], [sflag:$0x3] =	stream.strided.gather @!p2 [hbm4b:s25+s26], $0x2000, s28, s26, $0x38;
	[tilespmem:$0x1CA00] =	vst v63  }
0x284: {  	s25 =	simm.s32 @!p2 $0x3  }
0x285: {  	_ =	swait.ge @!p2 [sflag:s25], $0x2000  }
0x286: {  	[sflag:s25] =	ssyncset.done @!p2 $0x0  }
0x287: {  	[sflag:s25] =	ssyncadd.s32 @!p2 $0xFFFFE000;
	s25 =	simm.s32 @!p2 $0xA00  }
0x288: {  	v40 =	vld.idx.msk @!p2 [tilespmem:v40+s25+$0x0], $0xffff  }
0x289: {  	v41 =	vld.idx.msk @!p2 [tilespmem:v39+s29+$0x0], $0xffff;
	_ =	sdelay $0x2  }
0x28a: {  	v42 =	vbroadcast @!p2 v36, $0x8;
	v43 =	vbroadcast @!p2 v35, $0x8;
	s26 =	sor.u32 @!p2 $0x2, s24  }
0x28b: {  	v45 =	vor.u32 @!p2 $0x487F, v39;
	v44 =	vor.u32 @!p2 s26, v39  }
0x28c: {  	v45 =	vor.u32 @!p2 v45, v38;
	v40 =	vmul.f32 @!p2 v40, v42;
	v41 =	vmul.f32 @!p2 v41, v43  }
0x28d: {  	v46 =	vor.u32 @!p2 $0x800, v39  }
0x28e: {  	v40 =	vadd.f32 @!p2 v41, v40  }
0x28f: {  	s28 =	simm.s32 @!p2 $0x1AA00  }
0x290: {  	[tilespmem:v44+s28+$0x0] =	vst.idx.msk @!p2 $0xffff, v40  }
0x291: {  	v40 =	vld.idx.msk @!p2 [tilespmem:v45+s25+$0x0], $0xffff  }
0x292: {  	v41 =	vld.idx.msk @!p2 [tilespmem:v46+s29+$0x0], $0xffff;
	_ =	sdelay $0x3  }
0x293: {  	v44 =	vor.u32 @!p2 s26, v46;
	v45 =	vor.u32 @!p2 $0x507F, v39  }
0x294: {  	v45 =	vor.u32 @!p2 v45, v38;
	v40 =	vmul.f32 @!p2 v40, v42;
	v41 =	vmul.f32 @!p2 v41, v43  }
0x295: {  	v46 =	vor.u32 @!p2 $0x1000, v39  }
0x296: {  	v40 =	vadd.f32 @!p2 v41, v40;
	_ =	sdelay $0x1  }
0x297: {  	[tilespmem:v44+s28+$0x0] =	vst.idx.msk @!p2 $0xffff, v40  }
0x298: {  	v40 =	vld.idx.msk @!p2 [tilespmem:v45+s25+$0x0], $0xffff  }
0x299: {  	v41 =	vld.idx.msk @!p2 [tilespmem:v46+s29+$0x0], $0xffff;
	_ =	sdelay $0x2  }
0x29a: {  	(v2sf) =	vpush v37, $0xC  }
0x29b: {  	v37 =	vor.u32 @!p2 s26, v46;
	v44 =	vor.u32 @!p2 $0x587F, v39  }
0x29c: {  	v44 =	vor.u32 @!p2 v44, v38;
	v40 =	vmul.f32 @!p2 v40, v42;
	v41 =	vmul.f32 @!p2 v41, v43  }
0x29d: {  	v39 =	vor.u32 @!p2 $0x1800, v39  }
0x29e: {  	v40 =	vadd.f32 @!p2 v41, v40;
	_ =	sdelay $0x1  }
0x29f: {  	[tilespmem:v37+s28+$0x0] =	vst.idx.msk @!p2 $0xffff, v40  }
0x2a0: {  	v37 =	vld.idx.msk @!p2 [tilespmem:v44+s25+$0x0], $0xffff  }
0x2a1: {  	v40 =	vld.idx.msk @!p2 [tilespmem:v39+s29+$0x0], $0xffff;
	_ =	sdelay $0x3  }
0x2a2: {  	v39 =	vor.u32 @!p2 s26, v39  }
0x2a3: {  	v37 =	vmul.f32 @!p2 v37, v42;
	v40 =	vmul.f32 @!p2 v40, v43;
	_ =	sdelay $0x1  }
0x2a4: {  	s30 =	spop (v2sf);
	v37 =	vadd.f32 @!p2 v40, v37  }
0x2a5: {  	p0 =	sne.s32 s30, $0x7F  }
0x2a6: {  	s25 =	simm.s32 @!p0 $0x800;
	[tilespmem:v39+s28+$0x0] =	vst.idx.msk @!p2 $0xffff, v37  }
0x2a7: {  	v34 =	vld.idx.msk @!p0 [tilespmem:v34+s25+$0x0], $0xffff;
	_ =	sdelay $0x4  }
0x2a8: {  	(v2sf) =	vpush @!p0 v34, $0xC;
	_ =	sdelay $0xe  }
0x2a9: {  	s25 =	spop @!p0 (v2sf)  }
0x2aa: {  	s25 =	sshll.u32 @!p0 s25, $0x3  }
0x2ab: {  	v34 =	vlaneseq.u32 @!p0;
	s25 =	sand.u32 @!p0 $0xFFFFFC00, s25  }
0x2ac: {  	v34 =	vmul.u32 @!p0 $0x80, v34;
	s25 =	sadd.s32 @!p0 $0x400, s25  }
0x2ad: {  	s26 =	simm.s32 @!p0 $0x400;
	s25 =	sshrl.u32 @!p0 s25, $0x3  }
0x2ae: {  	s29 =	simm.s32 @!p0 $0x18A00;
	s28 =	simm.s32 @!p0 $0x7A1400;
	v37 =	vor.u32 @!p0 $0x607F, v34;
	s25 =	sadd.s32 @!p0 s0, s25  }
0x2af: {  	v37 =	vor.u32 @!p0 v37, v38;
	[tilespmem:s29], [sflag:$0x3] =	stream.strided.gather @!p0 [hbm4b:s25+s26], $0x2000, s28, s26, $0x38;
	[tilespmem:$0x1CA00] =	vst v63  }
0x2b0: {  	s25 =	simm.s32 @!p0 $0x3  }
0x2b1: {  	_ =	swait.ge @!p0 [sflag:s25], $0x2000  }
0x2b2: {  	[sflag:s25] =	ssyncset.done @!p0 $0x0  }
0x2b3: {  	[sflag:s25] =	ssyncadd.s32 @!p0 $0xFFFFE000;
	s25 =	simm.s32 @!p0 $0xA00  }
0x2b4: {  	v37 =	vld.idx.msk @!p0 [tilespmem:v37+s25+$0x0], $0xffff  }
0x2b5: {  	v39 =	vld.idx.msk @!p0 [tilespmem:v34+s29+$0x0], $0xffff;
	_ =	sdelay $0x2  }
0x2b6: {  	s24 =	sor.u32 @!p0 $0x3, s24;
	v36 =	vbroadcast @!p0 v36, $0xC;
	v35 =	vbroadcast @!p0 v35, $0xC  }
0x2b7: {  	v40 =	vor.u32 @!p0 s24, v34;
	v41 =	vor.u32 @!p0 $0x687F, v34  }
0x2b8: {  	v41 =	vor.u32 @!p0 v41, v38;
	v37 =	vmul.f32 @!p0 v37, v36;
	v39 =	vmul.f32 @!p0 v39, v35  }
0x2b9: {  	v42 =	vor.u32 @!p0 $0x800, v34  }
0x2ba: {  	v37 =	vadd.f32 @!p0 v39, v37  }
0x2bb: {  	s26 =	simm.s32 @!p0 $0x1AA00  }
0x2bc: {  	[tilespmem:v40+s26+$0x0] =	vst.idx.msk @!p0 $0xffff, v37  }
0x2bd: {  	v37 =	vld.idx.msk @!p0 [tilespmem:v41+s25+$0x0], $0xffff  }
0x2be: {  	v39 =	vld.idx.msk @!p0 [tilespmem:v42+s29+$0x0], $0xffff;
	_ =	sdelay $0x3  }
0x2bf: {  	v40 =	vor.u32 @!p0 s24, v42;
	v41 =	vor.u32 @!p0 $0x707F, v34  }
0x2c0: {  	v41 =	vor.u32 @!p0 v41, v38;
	v37 =	vmul.f32 @!p0 v37, v36;
	v39 =	vmul.f32 @!p0 v39, v35  }
0x2c1: {  	v42 =	vor.u32 @!p0 $0x1000, v34  }
0x2c2: {  	v37 =	vadd.f32 @!p0 v39, v37;
	_ =	sdelay $0x1  }
0x2c3: {  	[tilespmem:v40+s26+$0x0] =	vst.idx.msk @!p0 $0xffff, v37  }
0x2c4: {  	v37 =	vld.idx.msk @!p0 [tilespmem:v41+s25+$0x0], $0xffff  }
0x2c5: {  	v39 =	vld.idx.msk @!p0 [tilespmem:v42+s29+$0x0], $0xffff;
	_ =	sdelay $0x3  }
0x2c6: {  	v40 =	vor.u32 @!p0 s24, v42;
	v41 =	vor.u32 @!p0 $0x787F, v34  }
0x2c7: {  	v38 =	vor.u32 @!p0 v41, v38;
	v37 =	vmul.f32 @!p0 v37, v36;
	v39 =	vmul.f32 @!p0 v39, v35  }
0x2c8: {  	v34 =	vor.u32 @!p0 $0x1800, v34  }
0x2c9: {  	v37 =	vadd.f32 @!p0 v39, v37;
	_ =	sdelay $0x1  }
0x2ca: {  	[tilespmem:v40+s26+$0x0] =	vst.idx.msk @!p0 $0xffff, v37  }
0x2cb: {  	v37 =	vld.idx.msk @!p0 [tilespmem:v38+s25+$0x0], $0xffff  }
0x2cc: {  	v38 =	vld.idx.msk @!p0 [tilespmem:v34+s29+$0x0], $0xffff;
	_ =	sdelay $0x3  }
0x2cd: {  	v34 =	vor.u32 @!p0 s24, v34  }
0x2ce: {  	s31 =	sand.u32 $0x1F, s22;
	v36 =	vmul.f32 @!p0 v37, v36;
	v35 =	vmul.f32 @!p0 v38, v35  }
0x2cf: {  	p1 =	sne.s32 s31, $0x1F  }
0x2d0: {  	s23 =	sand.u32 @!p1 $0x180, s23;
	s25 =	rddreg [dreg:$0x6];
	v35 =	vadd.f32 @!p0 v35, v36  }
0x2d1: {  	s22 =	sadd.s32 $0x1, s22;
	s24 =	simm.s32 @!p1 $0x400;
	s23 =	sadd.s32 @!p1 s23, s25  }
0x2d2: {  	s25 =	simm.s32 @!p1 $0x20000;
	[tilespmem:v34+s26+$0x0] =	vst.idx.msk @!p0 $0xffff, v35;
	s26 =	simm.s32 @!p1 $0x1AA00;
	p0 =	sne.s32 s22, $0x80  }
0x2d3: {  	[hbm4b:s23+s24] =	stream.strided.scatter @!p1 [tilespmem:s26], [sflag:$0x2], $0x2000, s25, s24, $0x38;
	[tilespmem:$0x1CA00] =	vst v63  }
.Ltmp0:
0x2d4: {  	_ = 	snop;
	(pc) =	sbr.rel @p0 .LBB2_2-.Ltmp0, $4  }
0x2d5: {  	s23 =	simm.s32 @!p1 $0x2  }
0x2d6: {  	_ =	swait.ge @!p1 [sflag:s23], $0x2000  }
0x2d7: {  	[sflag:s23] =	ssyncset.done @!p1 $0x0  }
0x2d8: {  	s21 =	sadd.s32 $0x4, s21;
	[sflag:s23] =	ssyncadd.s32 @!p1 $0xFFFFE000  }
0x2d9: {  	s20 =	sadd.s32 $0x1, s20  }
0x2da: {  	p0 =	sne.s32 s20, s5  }
.Ltmp1:
0x2db: {  	_ = 	snop;
	(pc) =	sbr.rel @p0 .LBB2_1-.Ltmp1, $1  }
0x2dc: {  	_ =	sdelay $0x3  }
0x2dd: {  	_ =	sfence.sel $0x180000  }
0x2de: {  	[bflag:$0x0] =	sbarrier.arrive $0xFFFF  }
0x2df: {  	p0 =	sne.s32 s2, $0x0;
	_ =	strace $0x90000047  }
0x2e0: {  	s0 =	sadd.s32 @!p0 $0x100000, s1;
	[bflag:$0x2] =	sbarrier.arrive $0xFFFF  }
0x2e1: {  	[sflag:s0] =	ssyncadd.tile.s32 @!p0 $0x1;
	_ =	shalt  }
.Lfunc_end2:
_tile_overlayer_lowered:
.L_overlay_start_2:
0x2e2: {  	(tag) =	ssettag $0x2  }
0x2e3: {  	s0 =	rddreg [dreg:$0x0];
	s2 =	stileid.u32  }
0x2e4: {  	s1 =	rddreg [dreg:$0x1];
	p0 =	sne.s32 s2, $0x0  }
0x2e5: {  	s3 =	rddreg [dreg:$0x2];
	[bflag:$0x3] =	sbarrier.arrive $0xFFFF;
	s2 =	simm.s32 @!p0 $0x1C02  }
0x2e6: {  	[timem:s3], [sflag:s2] =	dma.local @!p0 [hbm:s0], s1  }
0x2e7: {  	s0 =	simm.s32 @!p0 $0x2  }
0x2e8: {  	_ =	swait.ge @!p0 [sflag:s0], s1  }
0x2e9: {  	s1 =	ssub.s32 @!p0 $0x0, s1;
	[sflag:s0] =	ssyncset.done @!p0 $0x0  }
0x2ea: {  	[sflag:s0] =	ssyncadd.s32 @!p0 s1  }
0x2eb: {  	[bflag:$0x3] =	sbarrier.arrive $0xFFFF  }
0x2ec: {  	_ =	shalt  }

</sc_bundles>
